<compile_context>
chip_gen: v7x
topology: tpu7x:2x2x1
jax: 0.10.2.dev20260603
libtpu: 0.0.44.dev20260713+nightly
codegen_flags: <defaults>
</compile_context>

<pallas_src>
import functools

import jax
import jax.numpy as jnp
from jax import lax
from jax.experimental import pallas as pl
from jax.experimental.pallas import tpu as pltpu
from jax.experimental.pallas import tpu_sc as plsc

EMBED_DIM = 64
NUM_CORES = 2
NUM_SUBCORES = 16
NUM_WORKERS = NUM_CORES * NUM_SUBCORES
CHUNK = 512
TPAD = CHUNK + 1
LANES = 16

BATCH = 4096
SEQ = 200


def _make_gather(vocab: int):
    total_rows = BATCH * SEQ
    rows_per_worker = total_rows // NUM_WORKERS
    n_chunks = rows_per_worker // CHUNK
    mesh = plsc.VectorSubcoreMesh(core_axis_name="c", subcore_axis_name="s")

    @functools.partial(
        pl.kernel,
        mesh=mesh,
        compiler_params=pltpu.CompilerParams(
            use_tc_tiling_on_sc=False, needs_layout_passes=False
        ),
        out_type=jax.ShapeDtypeStruct(
            (SEQ, 8, BATCH // 128, 8, 128), jnp.float32
        ),
        scratch_types=[
            pltpu.VMEM((2, CHUNK), jnp.int32),
            pltpu.VMEM((2, CHUNK, EMBED_DIM), jnp.float32),
            pltpu.VMEM((8, 8, TPAD), jnp.float32),
            pltpu.SemaphoreType.DMA,
            pltpu.SemaphoreType.DMA,
            pltpu.SemaphoreType.DMA,
        ],
    )
    def gather(table_hbm, idxt_hbm, out_hbm, idx_v, rows_v, t_v, g0, g1, wsem):
        wid = lax.axis_index("s") * NUM_CORES + lax.axis_index("c")
        base = wid * rows_per_worker
        gsems = (g0, g1)

        lane = lax.iota(jnp.int32, LANES)
        uvecs = []
        c8vecs = []
        for m in range(EMBED_DIM // LANES):
            c = lane + m * LANES
            uvecs.append(lax.shift_right_logical(c, 3))
            c8vecs.append(lax.bitwise_and(c, jnp.int32(7)))

        def start_gather(i, b):
            off = base + i * CHUNK
            pltpu.sync_copy(idxt_hbm.at[pl.ds(off, CHUNK)], idx_v.at[b])
            pltpu.async_copy(table_hbm.at[idx_v.at[b]], rows_v.at[b], gsems[b])

        def out_slices(i):
            off = base + i * CHUNK
            s_pos = lax.shift_right_logical(off, 12)
            k0 = lax.shift_right_logical(
                lax.bitwise_and(off, jnp.int32(BATCH - 1)), 7
            )
            pairs = []
            for kk in range(CHUNK // 128):
                pairs.append(
                    (
                        t_v.at[:, :, pl.ds(kk * 128, 128)],
                        out_hbm.at[s_pos, :, k0 + kk, :, :],
                    )
                )
            return pairs

        def transpose_chunk(b):
            rows_b = rows_v.at[b]

            def tr_body(j, carry):
                for jj in range(8):
                    row = j * 8 + jj
                    bvec = jnp.full((LANES,), 0, jnp.int32) + row
                    for m in range(EMBED_DIM // LANES):
                        v = rows_b[row, pl.ds(m * LANES, LANES)]
                        plsc.store_scatter(
                            t_v, [uvecs[m], c8vecs[m], bvec], v
                        )
                return carry

            lax.fori_loop(0, CHUNK // 8, tr_body, 0)

        start_gather(0, 0)

        def pipe_body(g, carry):
            for b in range(2):
                i = g * 2 + b

                @pl.when(i + 1 <= n_chunks - 1 if b == 0 else g < n_chunks // 2 - 1)
                def _():
                    start_gather(jnp.minimum(i + 1, n_chunks - 1), 1 - b)

                pltpu.make_async_copy(
                    table_hbm.at[idx_v.at[b]], rows_v.at[b], gsems[b]
                ).wait()

                @pl.when(i >= 1)
                def _():
                    for src, dst in out_slices(i):
                        pltpu.make_async_copy(src, dst, wsem).wait()

                transpose_chunk(b)
                for src, dst in out_slices(i):
                    pltpu.async_copy(src, dst, wsem)
            return carry

        lax.fori_loop(0, n_chunks // 2, pipe_body, 0)
        for src, dst in out_slices(n_chunks - 1):
            pltpu.make_async_copy(src, dst, wsem).wait()

    return gather


TBLK = 16384


def _relayout_table(table):
    vocab = table.shape[0]
    n_blocks = -(-vocab // TBLK)
    tail = vocab - (n_blocks - 1) * TBLK
    t_tr = jnp.swapaxes(table, 0, 1)

    def body(in_ref, out_ref):
        x = in_ref[...]
        tmp = jnp.transpose(x, (1, 0))
        i = pl.program_id(0)

        @pl.when(i < n_blocks - 1)
        def _():
            out_ref[...] = jnp.concatenate(
                [tmp[: TBLK // 2], tmp[TBLK // 2 :]], axis=1
            )

        @pl.when(i == n_blocks - 1)
        def _():
            out_ref[: tail // 2] = jnp.concatenate(
                [tmp[: tail // 2], tmp[tail // 2 : tail]], axis=1
            )

    return pl.pallas_call(
        body,
        grid=(n_blocks,),
        in_specs=[
            pl.BlockSpec((EMBED_DIM, TBLK), lambda i: (0, i)),
        ],
        out_specs=pl.BlockSpec((TBLK // 2, 2 * EMBED_DIM), lambda i: (i, 0)),
        out_shape=jax.ShapeDtypeStruct(
            (vocab // 2, 2 * EMBED_DIM), jnp.float32
        ),
    )(t_tr)


def kernel(x, table):
    idx_t = jnp.swapaxes(x, 0, 1).reshape(-1).astype(jnp.int32)
    vocab = table.shape[0]
    tail_base = (vocab // TBLK) * TBLK
    tail_half = (vocab - tail_base) // 2
    blk = idx_t // TBLK
    a = idx_t - blk * TBLK
    sel_main = blk * TBLK + (a % (TBLK // 2)) * 2 + a // (TBLK // 2)
    at = idx_t - tail_base
    sel_tail = tail_base + (at % tail_half) * 2 + at // tail_half
    sel = jnp.where(idx_t < tail_base, sel_main, sel_tail)
    t2 = _relayout_table(table).reshape(vocab, EMBED_DIM)
    out5 = _make_gather(vocab)(t2, sel)
    return out5.transpose((2, 4, 0, 1, 3)).reshape(BATCH, SEQ, EMBED_DIM)

# --- scband reference (transcript-rebuilt; emitter-appended) ---
"""Pipeline reference for scband-kmer-embedding-87376814669904 (READ-ONLY COPY).

The authoritative reference and input builder live on the scoring server;
editing this copy changes nothing except your own understanding.
"""

import jax, jax.numpy as jnp
import numpy as np

VOCAB = 1000000
EMBED_DIM = 64

def setup_inputs(seed: int = 0) -> dict:
    key = jax.random.key(seed)
    k1, k2 = jax.random.split(key)
    x = jax.random.randint(k1, (4096, 200), 0, VOCAB, dtype=jnp.int64 if jax.config.jax_enable_x64 else jnp.int32)
    table = jax.random.normal(k2, (VOCAB, EMBED_DIM), dtype=jnp.float32)
    return {"x": x, "table": table}

def reference(x, table):
    # nn.Embedding forward: row gather from table
    return jnp.take(table, x, axis=0)

if __name__ == "__main__":
    import jax
    _d = setup_inputs()
    print(jax.jit(kernel)(*tuple(_d.values())))

</pallas_src>

<mosaic_0001>
#map = affine_map<(d0, d1) -> (0, 0)>
#map1 = affine_map<(d0, d1) -> (0)>
#map2 = affine_map<(d0, d1) -> (0, 0, 0, 0, 0)>
module attributes {stable_mosaic.version = 14 : i64} {
  func.func @gather(%arg0: i32, %arg1: i32, %arg2: memref<1000000x64xf32, #tpu.memory_space<hbm>>, %arg3: memref<819200xi32, #tpu.memory_space<hbm>>, %arg4: memref<200x8x32x8x128xf32, #tpu.memory_space<hbm>>, %arg5: memref<2x512xi32, #tpu.memory_space<vmem>>, %arg6: memref<2x512x64xf32, #tpu.memory_space<vmem>>, %arg7: memref<8x8x513xf32, #tpu.memory_space<vmem>>, %arg8: memref<!tpu.dma_semaphore, #tpu.memory_space<semaphore_mem>>, %arg9: memref<!tpu.dma_semaphore, #tpu.memory_space<semaphore_mem>>, %arg10: memref<!tpu.dma_semaphore, #tpu.memory_space<semaphore_mem>>) attributes {dimension_semantics = [#tpu.dimension_semantics<core_parallel>, #tpu.dimension_semantics<subcore_parallel>], iteration_bounds = array<i64: 2, 16>, scalar_prefetch = 0 : i64, scratch_operands = 6 : i64, tpu.core_type = #tpu.core_type<sc_vector_subcore>, window_params = [{transform_indices = #map}, {transform_indices = #map1}, {transform_indices = #map2}]} {
    %mul3A = arith.constant 2 : i32
    %mul3A_0 = arith.muli %arg1, %mul3A : i32
    %add3A = arith.addi %mul3A_0, %arg0 : i32
    %mul3A_1 = arith.constant 25600 : i32
    %mul3A_2 = arith.muli %add3A, %mul3A_1 : i32
    %iota3A = tpu.iota {dimensions = array<i32: 0>} : vector<16xi32>
    %add3A_3 = arith.constant 0 : i32
    %add3A_4 = vector.broadcast %add3A_3 : i32 to vector<16xi32>
    %add3A_5 = arith.addi %iota3A, %add3A_4 : vector<16xi32>
    %shift_right_logical3A = arith.constant 3 : i32
    %shift_right_logical3A_6 = vector.broadcast %shift_right_logical3A : i32 to vector<16xi32>
    %shift_right_logical3A_7 = arith.shrui %add3A_5, %shift_right_logical3A_6 : vector<16xi32>
    %and3A = arith.constant 7 : i32
    %and3A_8 = vector.broadcast %and3A : i32 to vector<16xi32>
    %and3A_9 = arith.andi %add3A_5, %and3A_8 : vector<16xi32>
    %add3A_10 = arith.constant 16 : i32
    %add3A_11 = vector.broadcast %add3A_10 : i32 to vector<16xi32>
    %add3A_12 = arith.addi %iota3A, %add3A_11 : vector<16xi32>
    %shift_right_logical3A_13 = arith.constant 3 : i32
    %shift_right_logical3A_14 = vector.broadcast %shift_right_logical3A_13 : i32 to vector<16xi32>
    %shift_right_logical3A_15 = arith.shrui %add3A_12, %shift_right_logical3A_14 : vector<16xi32>
    %and3A_16 = arith.constant 7 : i32
    %and3A_17 = vector.broadcast %and3A_16 : i32 to vector<16xi32>
    %and3A_18 = arith.andi %add3A_12, %and3A_17 : vector<16xi32>
    %add3A_19 = arith.constant 32 : i32
    %add3A_20 = vector.broadcast %add3A_19 : i32 to vector<16xi32>
    %add3A_21 = arith.addi %iota3A, %add3A_20 : vector<16xi32>
    %shift_right_logical3A_22 = arith.constant 3 : i32
    %shift_right_logical3A_23 = vector.broadcast %shift_right_logical3A_22 : i32 to vector<16xi32>
    %shift_right_logical3A_24 = arith.shrui %add3A_21, %shift_right_logical3A_23 : vector<16xi32>
    %and3A_25 = arith.constant 7 : i32
    %and3A_26 = vector.broadcast %and3A_25 : i32 to vector<16xi32>
    %and3A_27 = arith.andi %add3A_21, %and3A_26 : vector<16xi32>
    %add3A_28 = arith.constant 48 : i32
    %add3A_29 = vector.broadcast %add3A_28 : i32 to vector<16xi32>
    %add3A_30 = arith.addi %iota3A, %add3A_29 : vector<16xi32>
    %shift_right_logical3A_31 = arith.constant 3 : i32
    %shift_right_logical3A_32 = vector.broadcast %shift_right_logical3A_31 : i32 to vector<16xi32>
    %shift_right_logical3A_33 = arith.shrui %add3A_30, %shift_right_logical3A_32 : vector<16xi32>
    %and3A_34 = arith.constant 7 : i32
    %and3A_35 = vector.broadcast %and3A_34 : i32 to vector<16xi32>
    %and3A_36 = arith.andi %add3A_30, %and3A_35 : vector<16xi32>
    %add3A_37 = arith.constant 0 : i32
    %add3A_38 = arith.addi %mul3A_2, %add3A_37 : i32
    %run_scoped3A = arith.constant 0 : i32
    "tpu.region"() ({
      %run_scoped3A_142 = tpu.sem_alloc : memref<!tpu.dma_semaphore, #tpu.memory_space<semaphore_mem>>
      %dma_start3A_143 = arith.constant 0 : i32
      %dma_start3A_144 = tpu.memref_slice %arg5[%run_scoped3A, %dma_start3A_143] : memref<2x512xi32, #tpu.memory_space<vmem>> -> memref<1x512xi32, #tpu.memory_space<vmem>>
      %dma_start3A_145 = tpu.memref_squeeze %dma_start3A_144 : memref<1x512xi32, #tpu.memory_space<vmem>> -> memref<512xi32, #tpu.memory_space<vmem>>
      %dma_start3A_146 = tpu.memref_slice %arg3[%add3A_38] : memref<819200xi32, #tpu.memory_space<hbm>> -> memref<512xi32, #tpu.memory_space<hbm>>
      %dma_start3A_147 = arith.constant 0 : i32
      %dma_start3A_148 = tpu.memref_slice %arg5[%run_scoped3A, %dma_start3A_147] : memref<2x512xi32, #tpu.memory_space<vmem>> -> memref<1x512xi32, #tpu.memory_space<vmem>>
      %dma_start3A_149 = tpu.memref_squeeze %dma_start3A_148 : memref<1x512xi32, #tpu.memory_space<vmem>> -> memref<512xi32, #tpu.memory_space<vmem>>
      %dma_start3A_150 = tpu.memref_slice %arg3[%add3A_38] : memref<819200xi32, #tpu.memory_space<hbm>> -> memref<512xi32, #tpu.memory_space<hbm>>
      tpu.enqueue_dma source(%dma_start3A_150 : memref<512xi32, #tpu.memory_space<hbm>>) target(%dma_start3A_149 : memref<512xi32, #tpu.memory_space<vmem>>) target_semaphore(%run_scoped3A_142 : memref<!tpu.dma_semaphore, #tpu.memory_space<semaphore_mem>>)
      %dma_wait3A_151 = arith.constant 0 : i32
      %dma_wait3A_152 = tpu.memref_slice %arg5[%run_scoped3A, %dma_wait3A_151] : memref<2x512xi32, #tpu.memory_space<vmem>> -> memref<1x512xi32, #tpu.memory_space<vmem>>
      %dma_wait3A_153 = tpu.memref_squeeze %dma_wait3A_152 : memref<1x512xi32, #tpu.memory_space<vmem>> -> memref<512xi32, #tpu.memory_space<vmem>>
      %dma_wait3A_154 = tpu.memref_slice %arg3[%add3A_38] : memref<819200xi32, #tpu.memory_space<hbm>> -> memref<512xi32, #tpu.memory_space<hbm>>
      %dma_wait3A_155 = arith.constant 0 : i32
      %dma_wait3A_156 = tpu.memref_slice %arg5[%run_scoped3A, %dma_wait3A_155] : memref<2x512xi32, #tpu.memory_space<vmem>> -> memref<1x512xi32, #tpu.memory_space<vmem>>
      %dma_wait3A_157 = tpu.memref_squeeze %dma_wait3A_156 : memref<1x512xi32, #tpu.memory_space<vmem>> -> memref<512xi32, #tpu.memory_space<vmem>>
      %dma_wait3A_158 = tpu.memref_slice %arg3[%add3A_38] : memref<819200xi32, #tpu.memory_space<hbm>> -> memref<512xi32, #tpu.memory_space<hbm>>
      tpu.wait_dma2 semaphore(%run_scoped3A_142 : memref<!tpu.dma_semaphore, #tpu.memory_space<semaphore_mem>>) src(%dma_wait3A_158 : memref<512xi32, #tpu.memory_space<hbm>>) dst(%dma_wait3A_157 : memref<512xi32, #tpu.memory_space<vmem>>)
      tpu.yield
    }) : () -> ()
    %dma_start3A = arith.constant 0 : i32
    %dma_start3A_39 = arith.constant 0 : i32
    %dma_start3A_40 = arith.constant 0 : i32
    %dma_start3A_41 = arith.constant 0 : i32
    %dma_start3A_42 = tpu.memref_slice %arg6[%dma_start3A_39, %dma_start3A_40, %dma_start3A_41] : memref<2x512x64xf32, #tpu.memory_space<vmem>> -> memref<1x512x64xf32, #tpu.memory_space<vmem>>
    %dma_start3A_43 = tpu.memref_squeeze %dma_start3A_42 : memref<1x512x64xf32, #tpu.memory_space<vmem>> -> memref<512x64xf32, #tpu.memory_space<vmem>>
    %dma_start3A_44 = arith.constant 0 : i32
    %dma_start3A_45 = tpu.memref_slice %arg5[%dma_start3A, %dma_start3A_44] : memref<2x512xi32, #tpu.memory_space<vmem>> -> memref<1x512xi32, #tpu.memory_space<vmem>>
    %dma_start3A_46 = tpu.memref_squeeze %dma_start3A_45 : memref<1x512xi32, #tpu.memory_space<vmem>> -> memref<512xi32, #tpu.memory_space<vmem>>
    %dma_start3A_47 = arith.constant 0 : i32
    %dma_start3A_48 = arith.constant 0 : i32
    %dma_start3A_49 = tpu.memref_slice %arg2[%dma_start3A_47, %dma_start3A_48] : memref<1000000x64xf32, #tpu.memory_space<hbm>> -> memref<1000000x64xf32, #tpu.memory_space<hbm>>
    tpu.enqueue_indirect_dma source(%dma_start3A_49 : memref<1000000x64xf32, #tpu.memory_space<hbm>>) target(%dma_start3A_43 : memref<512x64xf32, #tpu.memory_space<vmem>>) offsets(%dma_start3A_46 : memref<512xi32, #tpu.memory_space<vmem>>) semaphore(%arg8 : memref<!tpu.dma_semaphore, #tpu.memory_space<semaphore_mem>>)
    %scan3A = arith.constant 0 : i32
    %scan3A_50 = arith.constant 0 : i32
    %scan3A_51 = arith.constant 25 : i32
    %scan3A_52 = arith.addi %scan3A_50, %scan3A_51 : i32
    %scan3A_53 = arith.constant 1 : i32
    scf.for %scan3A_142 = %scan3A_50 to %scan3A_52 step %scan3A_53  : i32 {
      %mul3A_143 = arith.constant 2 : i32
      %mul3A_144 = arith.muli %scan3A_142, %mul3A_143 : i32
      %add3A_145 = arith.constant 0 : i32
      %add3A_146 = arith.addi %mul3A_144, %add3A_145 : i32
      %add3A_147 = arith.constant 1 : i32
      %add3A_148 = arith.addi %add3A_146, %add3A_147 : i32
      %le3A = arith.constant 49 : i32
      %le3A_149 = arith.cmpi sle, %add3A_148, %le3A : i32
      %convert_element_type3A = arith.extui %le3A_149 : i1 to i32
      %cond3A = arith.constant 0 : i32
      %cond3A_150 = arith.cmpi ne, %convert_element_type3A, %cond3A : i32
      scf.if %cond3A_150 {
        %add3A_384 = arith.constant 1 : i32
        %add3A_385 = arith.addi %add3A_146, %add3A_384 : i32
        %min3A = arith.constant 49 : i32
        %min3A_386 = arith.minsi %add3A_385, %min3A : i32
        %mul3A_387 = arith.constant 512 : i32
        %mul3A_388 = arith.muli %min3A_386, %mul3A_387 : i32
        %add3A_389 = arith.addi %mul3A_2, %mul3A_388 : i32
        %run_scoped3A_390 = arith.constant 1 : i32
        "tpu.region"() ({
          %run_scoped3A_403 = tpu.sem_alloc : memref<!tpu.dma_semaphore, #tpu.memory_space<semaphore_mem>>
          %dma_start3A_404 = arith.constant 0 : i32
          %dma_start3A_405 = tpu.memref_slice %arg5[%run_scoped3A_390, %dma_start3A_404] : memref<2x512xi32, #tpu.memory_space<vmem>> -> memref<1x512xi32, #tpu.memory_space<vmem>>
          %dma_start3A_406 = tpu.memref_squeeze %dma_start3A_405 : memref<1x512xi32, #tpu.memory_space<vmem>> -> memref<512xi32, #tpu.memory_space<vmem>>
          %dma_start3A_407 = tpu.memref_slice %arg3[%add3A_389] : memref<819200xi32, #tpu.memory_space<hbm>> -> memref<512xi32, #tpu.memory_space<hbm>>
          %dma_start3A_408 = arith.constant 0 : i32
          %dma_start3A_409 = tpu.memref_slice %arg5[%run_scoped3A_390, %dma_start3A_408] : memref<2x512xi32, #tpu.memory_space<vmem>> -> memref<1x512xi32, #tpu.memory_space<vmem>>
          %dma_start3A_410 = tpu.memref_squeeze %dma_start3A_409 : memref<1x512xi32, #tpu.memory_space<vmem>> -> memref<512xi32, #tpu.memory_space<vmem>>
          %dma_start3A_411 = tpu.memref_slice %arg3[%add3A_389] : memref<819200xi32, #tpu.memory_space<hbm>> -> memref<512xi32, #tpu.memory_space<hbm>>
          tpu.enqueue_dma source(%dma_start3A_411 : memref<512xi32, #tpu.memory_space<hbm>>) target(%dma_start3A_410 : memref<512xi32, #tpu.memory_space<vmem>>) target_semaphore(%run_scoped3A_403 : memref<!tpu.dma_semaphore, #tpu.memory_space<semaphore_mem>>)
          %dma_wait3A_412 = arith.constant 0 : i32
          %dma_wait3A_413 = tpu.memref_slice %arg5[%run_scoped3A_390, %dma_wait3A_412] : memref<2x512xi32, #tpu.memory_space<vmem>> -> memref<1x512xi32, #tpu.memory_space<vmem>>
          %dma_wait3A_414 = tpu.memref_squeeze %dma_wait3A_413 : memref<1x512xi32, #tpu.memory_space<vmem>> -> memref<512xi32, #tpu.memory_space<vmem>>
          %dma_wait3A_415 = tpu.memref_slice %arg3[%add3A_389] : memref<819200xi32, #tpu.memory_space<hbm>> -> memref<512xi32, #tpu.memory_space<hbm>>
          %dma_wait3A_416 = arith.constant 0 : i32
          %dma_wait3A_417 = tpu.memref_slice %arg5[%run_scoped3A_390, %dma_wait3A_416] : memref<2x512xi32, #tpu.memory_space<vmem>> -> memref<1x512xi32, #tpu.memory_space<vmem>>
          %dma_wait3A_418 = tpu.memref_squeeze %dma_wait3A_417 : memref<1x512xi32, #tpu.memory_space<vmem>> -> memref<512xi32, #tpu.memory_space<vmem>>
          %dma_wait3A_419 = tpu.memref_slice %arg3[%add3A_389] : memref<819200xi32, #tpu.memory_space<hbm>> -> memref<512xi32, #tpu.memory_space<hbm>>
          tpu.wait_dma2 semaphore(%run_scoped3A_403 : memref<!tpu.dma_semaphore, #tpu.memory_space<semaphore_mem>>) src(%dma_wait3A_419 : memref<512xi32, #tpu.memory_space<hbm>>) dst(%dma_wait3A_418 : memref<512xi32, #tpu.memory_space<vmem>>)
          tpu.yield
        }) : () -> ()
        %dma_start3A_391 = arith.constant 1 : i32
        %dma_start3A_392 = arith.constant 1 : i32
        %dma_start3A_393 = arith.constant 0 : i32
        %dma_start3A_394 = arith.constant 0 : i32
        %dma_start3A_395 = tpu.memref_slice %arg6[%dma_start3A_392, %dma_start3A_393, %dma_start3A_394] : memref<2x512x64xf32, #tpu.memory_space<vmem>> -> memref<1x512x64xf32, #tpu.memory_space<vmem>>
        %dma_start3A_396 = tpu.memref_squeeze %dma_start3A_395 : memref<1x512x64xf32, #tpu.memory_space<vmem>> -> memref<512x64xf32, #tpu.memory_space<vmem>>
        %dma_start3A_397 = arith.constant 0 : i32
        %dma_start3A_398 = tpu.memref_slice %arg5[%dma_start3A_391, %dma_start3A_397] : memref<2x512xi32, #tpu.memory_space<vmem>> -> memref<1x512xi32, #tpu.memory_space<vmem>>
        %dma_start3A_399 = tpu.memref_squeeze %dma_start3A_398 : memref<1x512xi32, #tpu.memory_space<vmem>> -> memref<512xi32, #tpu.memory_space<vmem>>
        %dma_start3A_400 = arith.constant 0 : i32
        %dma_start3A_401 = arith.constant 0 : i32
        %dma_start3A_402 = tpu.memref_slice %arg2[%dma_start3A_400, %dma_start3A_401] : memref<1000000x64xf32, #tpu.memory_space<hbm>> -> memref<1000000x64xf32, #tpu.memory_space<hbm>>
        tpu.enqueue_indirect_dma source(%dma_start3A_402 : memref<1000000x64xf32, #tpu.memory_space<hbm>>) target(%dma_start3A_396 : memref<512x64xf32, #tpu.memory_space<vmem>>) offsets(%dma_start3A_399 : memref<512xi32, #tpu.memory_space<vmem>>) semaphore(%arg9 : memref<!tpu.dma_semaphore, #tpu.memory_space<semaphore_mem>>)
      } else {
      }
      %dma_wait3A_151 = arith.constant 0 : i32
      %dma_wait3A_152 = arith.constant 0 : i32
      %dma_wait3A_153 = arith.constant 0 : i32
      %dma_wait3A_154 = arith.constant 0 : i32
      %dma_wait3A_155 = tpu.memref_slice %arg6[%dma_wait3A_152, %dma_wait3A_153, %dma_wait3A_154] : memref<2x512x64xf32, #tpu.memory_space<vmem>> -> memref<1x512x64xf32, #tpu.memory_space<vmem>>
      %dma_wait3A_156 = tpu.memref_squeeze %dma_wait3A_155 : memref<1x512x64xf32, #tpu.memory_space<vmem>> -> memref<512x64xf32, #tpu.memory_space<vmem>>
      %dma_wait3A_157 = arith.constant 0 : i32
      %dma_wait3A_158 = tpu.memref_slice %arg5[%dma_wait3A_151, %dma_wait3A_157] : memref<2x512xi32, #tpu.memory_space<vmem>> -> memref<1x512xi32, #tpu.memory_space<vmem>>
      %dma_wait3A_159 = tpu.memref_squeeze %dma_wait3A_158 : memref<1x512xi32, #tpu.memory_space<vmem>> -> memref<512xi32, #tpu.memory_space<vmem>>
      %dma_wait3A_160 = arith.constant 0 : i32
      %dma_wait3A_161 = arith.constant 0 : i32
      %dma_wait3A_162 = tpu.memref_slice %arg2[%dma_wait3A_160, %dma_wait3A_161] : memref<1000000x64xf32, #tpu.memory_space<hbm>> -> memref<1000000x64xf32, #tpu.memory_space<hbm>>
      tpu.wait_indirect_dma semaphore(%arg8 : memref<!tpu.dma_semaphore, #tpu.memory_space<semaphore_mem>>) src(%dma_wait3A_162 : memref<1000000x64xf32, #tpu.memory_space<hbm>>) dst(%dma_wait3A_156 : memref<512x64xf32, #tpu.memory_space<vmem>>)
      %ge3A = arith.constant 1 : i32
      %ge3A_163 = arith.cmpi sge, %add3A_146, %ge3A : i32
      %convert_element_type3A_164 = arith.extui %ge3A_163 : i1 to i32
      %cond3A_165 = arith.constant 0 : i32
      %cond3A_166 = arith.cmpi ne, %convert_element_type3A_164, %cond3A_165 : i32
      scf.if %cond3A_166 {
        %mul3A_384 = arith.constant 512 : i32
        %mul3A_385 = arith.muli %add3A_146, %mul3A_384 : i32
        %add3A_386 = arith.addi %mul3A_2, %mul3A_385 : i32
        %shift_right_logical3A_387 = arith.constant 12 : i32
        %shift_right_logical3A_388 = arith.shrui %add3A_386, %shift_right_logical3A_387 : i32
        %and3A_389 = arith.constant 4095 : i32
        %and3A_390 = arith.andi %add3A_386, %and3A_389 : i32
        %shift_right_logical3A_391 = arith.constant 7 : i32
        %shift_right_logical3A_392 = arith.shrui %and3A_390, %shift_right_logical3A_391 : i32
        %add3A_393 = arith.constant 0 : i32
        %add3A_394 = arith.addi %shift_right_logical3A_392, %add3A_393 : i32
        %add3A_395 = arith.constant 1 : i32
        %add3A_396 = arith.addi %shift_right_logical3A_392, %add3A_395 : i32
        %add3A_397 = arith.constant 2 : i32
        %add3A_398 = arith.addi %shift_right_logical3A_392, %add3A_397 : i32
        %add3A_399 = arith.constant 3 : i32
        %add3A_400 = arith.addi %shift_right_logical3A_392, %add3A_399 : i32
        %dma_wait3A_401 = arith.constant 0 : i32
        %dma_wait3A_402 = arith.constant 0 : i32
        %dma_wait3A_403 = arith.constant 0 : i32
        %dma_wait3A_404 = tpu.memref_slice %arg7[%dma_wait3A_401, %dma_wait3A_402, %dma_wait3A_403] : memref<8x8x513xf32, #tpu.memory_space<vmem>> -> memref<8x8x128xf32, #tpu.memory_space<vmem>>
        %dma_wait3A_405 = arith.constant 0 : i32
        %dma_wait3A_406 = arith.constant 0 : i32
        %dma_wait3A_407 = arith.constant 0 : i32
        %dma_wait3A_408 = tpu.memref_slice %arg4[%shift_right_logical3A_388, %dma_wait3A_405, %add3A_394, %dma_wait3A_406, %dma_wait3A_407] : memref<200x8x32x8x128xf32, #tpu.memory_space<hbm>> -> memref<1x8x1x8x128xf32, #tpu.memory_space<hbm>>
        %dma_wait3A_409 = tpu.memref_squeeze %dma_wait3A_408 : memref<1x8x1x8x128xf32, #tpu.memory_space<hbm>> -> memref<8x8x128xf32, #tpu.memory_space<hbm>>
        %dma_wait3A_410 = arith.constant 0 : i32
        %dma_wait3A_411 = arith.constant 0 : i32
        %dma_wait3A_412 = arith.constant 0 : i32
        %dma_wait3A_413 = tpu.memref_slice %arg4[%shift_right_logical3A_388, %dma_wait3A_410, %add3A_394, %dma_wait3A_411, %dma_wait3A_412] : memref<200x8x32x8x128xf32, #tpu.memory_space<hbm>> -> memref<1x8x1x8x128xf32, #tpu.memory_space<hbm>>
        %dma_wait3A_414 = tpu.memref_squeeze %dma_wait3A_413 : memref<1x8x1x8x128xf32, #tpu.memory_space<hbm>> -> memref<8x8x128xf32, #tpu.memory_space<hbm>>
        %dma_wait3A_415 = arith.constant 0 : i32
        %dma_wait3A_416 = arith.constant 0 : i32
        %dma_wait3A_417 = arith.constant 0 : i32
        %dma_wait3A_418 = tpu.memref_slice %arg7[%dma_wait3A_415, %dma_wait3A_416, %dma_wait3A_417] : memref<8x8x513xf32, #tpu.memory_space<vmem>> -> memref<8x8x128xf32, #tpu.memory_space<vmem>>
        tpu.wait_dma2 semaphore(%arg10 : memref<!tpu.dma_semaphore, #tpu.memory_space<semaphore_mem>>) src(%dma_wait3A_418 : memref<8x8x128xf32, #tpu.memory_space<vmem>>) dst(%dma_wait3A_414 : memref<8x8x128xf32, #tpu.memory_space<hbm>>)
        %dma_wait3A_419 = arith.constant 0 : i32
        %dma_wait3A_420 = arith.constant 0 : i32
        %dma_wait3A_421 = arith.constant 128 : i32
        %dma_wait3A_422 = tpu.memref_slice %arg7[%dma_wait3A_419, %dma_wait3A_420, %dma_wait3A_421] : memref<8x8x513xf32, #tpu.memory_space<vmem>> -> memref<8x8x128xf32, #tpu.memory_space<vmem>>
        %dma_wait3A_423 = arith.constant 0 : i32
        %dma_wait3A_424 = arith.constant 0 : i32
        %dma_wait3A_425 = arith.constant 0 : i32
        %dma_wait3A_426 = tpu.memref_slice %arg4[%shift_right_logical3A_388, %dma_wait3A_423, %add3A_396, %dma_wait3A_424, %dma_wait3A_425] : memref<200x8x32x8x128xf32, #tpu.memory_space<hbm>> -> memref<1x8x1x8x128xf32, #tpu.memory_space<hbm>>
        %dma_wait3A_427 = tpu.memref_squeeze %dma_wait3A_426 : memref<1x8x1x8x128xf32, #tpu.memory_space<hbm>> -> memref<8x8x128xf32, #tpu.memory_space<hbm>>
        %dma_wait3A_428 = arith.constant 0 : i32
        %dma_wait3A_429 = arith.constant 0 : i32
        %dma_wait3A_430 = arith.constant 0 : i32
        %dma_wait3A_431 = tpu.memref_slice %arg4[%shift_right_logical3A_388, %dma_wait3A_428, %add3A_396, %dma_wait3A_429, %dma_wait3A_430] : memref<200x8x32x8x128xf32, #tpu.memory_space<hbm>> -> memref<1x8x1x8x128xf32, #tpu.memory_space<hbm>>
        %dma_wait3A_432 = tpu.memref_squeeze %dma_wait3A_431 : memref<1x8x1x8x128xf32, #tpu.memory_space<hbm>> -> memref<8x8x128xf32, #tpu.memory_space<hbm>>
        %dma_wait3A_433 = arith.constant 0 : i32
        %dma_wait3A_434 = arith.constant 0 : i32
        %dma_wait3A_435 = arith.constant 128 : i32
        %dma_wait3A_436 = tpu.memref_slice %arg7[%dma_wait3A_433, %dma_wait3A_434, %dma_wait3A_435] : memref<8x8x513xf32, #tpu.memory_space<vmem>> -> memref<8x8x128xf32, #tpu.memory_space<vmem>>
        tpu.wait_dma2 semaphore(%arg10 : memref<!tpu.dma_semaphore, #tpu.memory_space<semaphore_mem>>) src(%dma_wait3A_436 : memref<8x8x128xf32, #tpu.memory_space<vmem>>) dst(%dma_wait3A_432 : memref<8x8x128xf32, #tpu.memory_space<hbm>>)
        %dma_wait3A_437 = arith.constant 0 : i32
        %dma_wait3A_438 = arith.constant 0 : i32
        %dma_wait3A_439 = arith.constant 256 : i32
        %dma_wait3A_440 = tpu.memref_slice %arg7[%dma_wait3A_437, %dma_wait3A_438, %dma_wait3A_439] : memref<8x8x513xf32, #tpu.memory_space<vmem>> -> memref<8x8x128xf32, #tpu.memory_space<vmem>>
        %dma_wait3A_441 = arith.constant 0 : i32
        %dma_wait3A_442 = arith.constant 0 : i32
        %dma_wait3A_443 = arith.constant 0 : i32
        %dma_wait3A_444 = tpu.memref_slice %arg4[%shift_right_logical3A_388, %dma_wait3A_441, %add3A_398, %dma_wait3A_442, %dma_wait3A_443] : memref<200x8x32x8x128xf32, #tpu.memory_space<hbm>> -> memref<1x8x1x8x128xf32, #tpu.memory_space<hbm>>
        %dma_wait3A_445 = tpu.memref_squeeze %dma_wait3A_444 : memref<1x8x1x8x128xf32, #tpu.memory_space<hbm>> -> memref<8x8x128xf32, #tpu.memory_space<hbm>>
        %dma_wait3A_446 = arith.constant 0 : i32
        %dma_wait3A_447 = arith.constant 0 : i32
        %dma_wait3A_448 = arith.constant 0 : i32
        %dma_wait3A_449 = tpu.memref_slice %arg4[%shift_right_logical3A_388, %dma_wait3A_446, %add3A_398, %dma_wait3A_447, %dma_wait3A_448] : memref<200x8x32x8x128xf32, #tpu.memory_space<hbm>> -> memref<1x8x1x8x128xf32, #tpu.memory_space<hbm>>
        %dma_wait3A_450 = tpu.memref_squeeze %dma_wait3A_449 : memref<1x8x1x8x128xf32, #tpu.memory_space<hbm>> -> memref<8x8x128xf32, #tpu.memory_space<hbm>>
        %dma_wait3A_451 = arith.constant 0 : i32
        %dma_wait3A_452 = arith.constant 0 : i32
        %dma_wait3A_453 = arith.constant 256 : i32
        %dma_wait3A_454 = tpu.memref_slice %arg7[%dma_wait3A_451, %dma_wait3A_452, %dma_wait3A_453] : memref<8x8x513xf32, #tpu.memory_space<vmem>> -> memref<8x8x128xf32, #tpu.memory_space<vmem>>
        tpu.wait_dma2 semaphore(%arg10 : memref<!tpu.dma_semaphore, #tpu.memory_space<semaphore_mem>>) src(%dma_wait3A_454 : memref<8x8x128xf32, #tpu.memory_space<vmem>>) dst(%dma_wait3A_450 : memref<8x8x128xf32, #tpu.memory_space<hbm>>)
        %dma_wait3A_455 = arith.constant 0 : i32
        %dma_wait3A_456 = arith.constant 0 : i32
        %dma_wait3A_457 = arith.constant 384 : i32
        %dma_wait3A_458 = tpu.memref_slice %arg7[%dma_wait3A_455, %dma_wait3A_456, %dma_wait3A_457] : memref<8x8x513xf32, #tpu.memory_space<vmem>> -> memref<8x8x128xf32, #tpu.memory_space<vmem>>
        %dma_wait3A_459 = arith.constant 0 : i32
        %dma_wait3A_460 = arith.constant 0 : i32
        %dma_wait3A_461 = arith.constant 0 : i32
        %dma_wait3A_462 = tpu.memref_slice %arg4[%shift_right_logical3A_388, %dma_wait3A_459, %add3A_400, %dma_wait3A_460, %dma_wait3A_461] : memref<200x8x32x8x128xf32, #tpu.memory_space<hbm>> -> memref<1x8x1x8x128xf32, #tpu.memory_space<hbm>>
        %dma_wait3A_463 = tpu.memref_squeeze %dma_wait3A_462 : memref<1x8x1x8x128xf32, #tpu.memory_space<hbm>> -> memref<8x8x128xf32, #tpu.memory_space<hbm>>
        %dma_wait3A_464 = arith.constant 0 : i32
        %dma_wait3A_465 = arith.constant 0 : i32
        %dma_wait3A_466 = arith.constant 0 : i32
        %dma_wait3A_467 = tpu.memref_slice %arg4[%shift_right_logical3A_388, %dma_wait3A_464, %add3A_400, %dma_wait3A_465, %dma_wait3A_466] : memref<200x8x32x8x128xf32, #tpu.memory_space<hbm>> -> memref<1x8x1x8x128xf32, #tpu.memory_space<hbm>>
        %dma_wait3A_468 = tpu.memref_squeeze %dma_wait3A_467 : memref<1x8x1x8x128xf32, #tpu.memory_space<hbm>> -> memref<8x8x128xf32, #tpu.memory_space<hbm>>
        %dma_wait3A_469 = arith.constant 0 : i32
        %dma_wait3A_470 = arith.constant 0 : i32
        %dma_wait3A_471 = arith.constant 384 : i32
        %dma_wait3A_472 = tpu.memref_slice %arg7[%dma_wait3A_469, %dma_wait3A_470, %dma_wait3A_471] : memref<8x8x513xf32, #tpu.memory_space<vmem>> -> memref<8x8x128xf32, #tpu.memory_space<vmem>>
        tpu.wait_dma2 semaphore(%arg10 : memref<!tpu.dma_semaphore, #tpu.memory_space<semaphore_mem>>) src(%dma_wait3A_472 : memref<8x8x128xf32, #tpu.memory_space<vmem>>) dst(%dma_wait3A_468 : memref<8x8x128xf32, #tpu.memory_space<hbm>>)
      } else {
      }
      %scan3A_167 = arith.constant 0 : i32
      %scan3A_168 = arith.constant 0 : i32
      %scan3A_169 = arith.constant 0 : i32
      %scan3A_170 = arith.constant 64 : i32
      %scan3A_171 = arith.addi %scan3A_169, %scan3A_170 : i32
      %scan3A_172 = arith.constant 1 : i32
      scf.for %scan3A_384 = %scan3A_169 to %scan3A_171 step %scan3A_172  : i32 {
        %mul3A_385 = arith.constant 8 : i32
        %mul3A_386 = arith.muli %scan3A_384, %mul3A_385 : i32
        %add3A_387 = arith.constant 0 : i32
        %add3A_388 = arith.addi %mul3A_386, %add3A_387 : i32
        %broadcast_in_dim3A = arith.constant 0 : i32
        %broadcast_in_dim3A_389 = vector.broadcast %broadcast_in_dim3A : i32 to vector<16xi32>
        %add3A_390 = vector.broadcast %add3A_388 : i32 to vector<16xi32>
        %add3A_391 = arith.addi %broadcast_in_dim3A_389, %add3A_390 : vector<16xi32>
        %get3A = arith.constant 0 : i32
        %get3A_392 = arith.constant 0 : i32
        %get3A_393 = tpu.memref_slice %arg6[%scan3A_168, %get3A, %get3A_392] : memref<2x512x64xf32, #tpu.memory_space<vmem>> -> memref<1x512x64xf32, #tpu.memory_space<vmem>>
        %get3A_394 = tpu.memref_squeeze %get3A_393 : memref<1x512x64xf32, #tpu.memory_space<vmem>> -> memref<512x64xf32, #tpu.memory_space<vmem>>
        %get3A_395 = arith.index_cast %add3A_388 : i32 to index
        %get3A_396 = arith.constant 0 : index
        %get3A_397 = tpu.vector_load %get3A_394[%get3A_395, %get3A_396] {strides = array<i32>} : memref<512x64xf32, #tpu.memory_space<vmem>>, vector<16xf32>,
        tpu.vector_store_idx %arg7[%shift_right_logical3A_7, %and3A_9, %add3A_391], %get3A_397 : memref<8x8x513xf32, #tpu.memory_space<vmem>>[vector<16xi32>, vector<16xi32>, vector<16xi32>], vector<16xf32>,
        %get3A_398 = arith.constant 0 : i32
        %get3A_399 = arith.constant 0 : i32
        %get3A_400 = tpu.memref_slice %arg6[%scan3A_168, %get3A_398, %get3A_399] : memref<2x512x64xf32, #tpu.memory_space<vmem>> -> memref<1x512x64xf32, #tpu.memory_space<vmem>>
        %get3A_401 = tpu.memref_squeeze %get3A_400 : memref<1x512x64xf32, #tpu.memory_space<vmem>> -> memref<512x64xf32, #tpu.memory_space<vmem>>
        %get3A_402 = arith.index_cast %add3A_388 : i32 to index
        %get3A_403 = arith.constant 16 : index
        %get3A_404 = tpu.vector_load %get3A_401[%get3A_402, %get3A_403] {strides = array<i32>} : memref<512x64xf32, #tpu.memory_space<vmem>>, vector<16xf32>,
        tpu.vector_store_idx %arg7[%shift_right_logical3A_15, %and3A_18, %add3A_391], %get3A_404 : memref<8x8x513xf32, #tpu.memory_space<vmem>>[vector<16xi32>, vector<16xi32>, vector<16xi32>], vector<16xf32>,
        %get3A_405 = arith.constant 0 : i32
        %get3A_406 = arith.constant 0 : i32
        %get3A_407 = tpu.memref_slice %arg6[%scan3A_168, %get3A_405, %get3A_406] : memref<2x512x64xf32, #tpu.memory_space<vmem>> -> memref<1x512x64xf32, #tpu.memory_space<vmem>>
        %get3A_408 = tpu.memref_squeeze %get3A_407 : memref<1x512x64xf32, #tpu.memory_space<vmem>> -> memref<512x64xf32, #tpu.memory_space<vmem>>
        %get3A_409 = arith.index_cast %add3A_388 : i32 to index
        %get3A_410 = arith.constant 32 : index
        %get3A_411 = tpu.vector_load %get3A_408[%get3A_409, %get3A_410] {strides = array<i32>} : memref<512x64xf32, #tpu.memory_space<vmem>>, vector<16xf32>,
        tpu.vector_store_idx %arg7[%shift_right_logical3A_24, %and3A_27, %add3A_391], %get3A_411 : memref<8x8x513xf32, #tpu.memory_space<vmem>>[vector<16xi32>, vector<16xi32>, vector<16xi32>], vector<16xf32>,
        %get3A_412 = arith.constant 0 : i32
        %get3A_413 = arith.constant 0 : i32
        %get3A_414 = tpu.memref_slice %arg6[%scan3A_168, %get3A_412, %get3A_413] : memref<2x512x64xf32, #tpu.memory_space<vmem>> -> memref<1x512x64xf32, #tpu.memory_space<vmem>>
        %get3A_415 = tpu.memref_squeeze %get3A_414 : memref<1x512x64xf32, #tpu.memory_space<vmem>> -> memref<512x64xf32, #tpu.memory_space<vmem>>
        %get3A_416 = arith.index_cast %add3A_388 : i32 to index
        %get3A_417 = arith.constant 48 : index
        %get3A_418 = tpu.vector_load %get3A_415[%get3A_416, %get3A_417] {strides = array<i32>} : memref<512x64xf32, #tpu.memory_space<vmem>>, vector<16xf32>,
        tpu.vector_store_idx %arg7[%shift_right_logical3A_33, %and3A_36, %add3A_391], %get3A_418 : memref<8x8x513xf32, #tpu.memory_space<vmem>>[vector<16xi32>, vector<16xi32>, vector<16xi32>], vector<16xf32>,
        %mul3A_419 = arith.constant 8 : i32
        %mul3A_420 = arith.muli %scan3A_384, %mul3A_419 : i32
        %add3A_421 = arith.constant 1 : i32
        %add3A_422 = arith.addi %mul3A_420, %add3A_421 : i32
        %broadcast_in_dim3A_423 = arith.constant 0 : i32
        %broadcast_in_dim3A_424 = vector.broadcast %broadcast_in_dim3A_423 : i32 to vector<16xi32>
        %add3A_425 = vector.broadcast %add3A_422 : i32 to vector<16xi32>
        %add3A_426 = arith.addi %broadcast_in_dim3A_424, %add3A_425 : vector<16xi32>
        %get3A_427 = arith.constant 0 : i32
        %get3A_428 = arith.constant 0 : i32
        %get3A_429 = tpu.memref_slice %arg6[%scan3A_168, %get3A_427, %get3A_428] : memref<2x512x64xf32, #tpu.memory_space<vmem>> -> memref<1x512x64xf32, #tpu.memory_space<vmem>>
        %get3A_430 = tpu.memref_squeeze %get3A_429 : memref<1x512x64xf32, #tpu.memory_space<vmem>> -> memref<512x64xf32, #tpu.memory_space<vmem>>
        %get3A_431 = arith.index_cast %add3A_422 : i32 to index
        %get3A_432 = arith.constant 0 : index
        %get3A_433 = tpu.vector_load %get3A_430[%get3A_431, %get3A_432] {strides = array<i32>} : memref<512x64xf32, #tpu.memory_space<vmem>>, vector<16xf32>,
        tpu.vector_store_idx %arg7[%shift_right_logical3A_7, %and3A_9, %add3A_426], %get3A_433 : memref<8x8x513xf32, #tpu.memory_space<vmem>>[vector<16xi32>, vector<16xi32>, vector<16xi32>], vector<16xf32>,
        %get3A_434 = arith.constant 0 : i32
        %get3A_435 = arith.constant 0 : i32
        %get3A_436 = tpu.memref_slice %arg6[%scan3A_168, %get3A_434, %get3A_435] : memref<2x512x64xf32, #tpu.memory_space<vmem>> -> memref<1x512x64xf32, #tpu.memory_space<vmem>>
        %get3A_437 = tpu.memref_squeeze %get3A_436 : memref<1x512x64xf32, #tpu.memory_space<vmem>> -> memref<512x64xf32, #tpu.memory_space<vmem>>
        %get3A_438 = arith.index_cast %add3A_422 : i32 to index
        %get3A_439 = arith.constant 16 : index
        %get3A_440 = tpu.vector_load %get3A_437[%get3A_438, %get3A_439] {strides = array<i32>} : memref<512x64xf32, #tpu.memory_space<vmem>>, vector<16xf32>,
        tpu.vector_store_idx %arg7[%shift_right_logical3A_15, %and3A_18, %add3A_426], %get3A_440 : memref<8x8x513xf32, #tpu.memory_space<vmem>>[vector<16xi32>, vector<16xi32>, vector<16xi32>], vector<16xf32>,
        %get3A_441 = arith.constant 0 : i32
        %get3A_442 = arith.constant 0 : i32
        %get3A_443 = tpu.memref_slice %arg6[%scan3A_168, %get3A_441, %get3A_442] : memref<2x512x64xf32, #tpu.memory_space<vmem>> -> memref<1x512x64xf32, #tpu.memory_space<vmem>>
        %get3A_444 = tpu.memref_squeeze %get3A_443 : memref<1x512x64xf32, #tpu.memory_space<vmem>> -> memref<512x64xf32, #tpu.memory_space<vmem>>
        %get3A_445 = arith.index_cast %add3A_422 : i32 to index
        %get3A_446 = arith.constant 32 : index
        %get3A_447 = tpu.vector_load %get3A_444[%get3A_445, %get3A_446] {strides = array<i32>} : memref<512x64xf32, #tpu.memory_space<vmem>>, vector<16xf32>,
        tpu.vector_store_idx %arg7[%shift_right_logical3A_24, %and3A_27, %add3A_426], %get3A_447 : memref<8x8x513xf32, #tpu.memory_space<vmem>>[vector<16xi32>, vector<16xi32>, vector<16xi32>], vector<16xf32>,
        %get3A_448 = arith.constant 0 : i32
        %get3A_449 = arith.constant 0 : i32
        %get3A_450 = tpu.memref_slice %arg6[%scan3A_168, %get3A_448, %get3A_449] : memref<2x512x64xf32, #tpu.memory_space<vmem>> -> memref<1x512x64xf32, #tpu.memory_space<vmem>>
        %get3A_451 = tpu.memref_squeeze %get3A_450 : memref<1x512x64xf32, #tpu.memory_space<vmem>> -> memref<512x64xf32, #tpu.memory_space<vmem>>
        %get3A_452 = arith.index_cast %add3A_422 : i32 to index
        %get3A_453 = arith.constant 48 : index
        %get3A_454 = tpu.vector_load %get3A_451[%get3A_452, %get3A_453] {strides = array<i32>} : memref<512x64xf32, #tpu.memory_space<vmem>>, vector<16xf32>,
        tpu.vector_store_idx %arg7[%shift_right_logical3A_33, %and3A_36, %add3A_426], %get3A_454 : memref<8x8x513xf32, #tpu.memory_space<vmem>>[vector<16xi32>, vector<16xi32>, vector<16xi32>], vector<16xf32>,
        %mul3A_455 = arith.constant 8 : i32
        %mul3A_456 = arith.muli %scan3A_384, %mul3A_455 : i32
        %add3A_457 = arith.constant 2 : i32
        %add3A_458 = arith.addi %mul3A_456, %add3A_457 : i32
        %broadcast_in_dim3A_459 = arith.constant 0 : i32
        %broadcast_in_dim3A_460 = vector.broadcast %broadcast_in_dim3A_459 : i32 to vector<16xi32>
        %add3A_461 = vector.broadcast %add3A_458 : i32 to vector<16xi32>
        %add3A_462 = arith.addi %broadcast_in_dim3A_460, %add3A_461 : vector<16xi32>
        %get3A_463 = arith.constant 0 : i32
        %get3A_464 = arith.constant 0 : i32
        %get3A_465 = tpu.memref_slice %arg6[%scan3A_168, %get3A_463, %get3A_464] : memref<2x512x64xf32, #tpu.memory_space<vmem>> -> memref<1x512x64xf32, #tpu.memory_space<vmem>>
        %get3A_466 = tpu.memref_squeeze %get3A_465 : memref<1x512x64xf32, #tpu.memory_space<vmem>> -> memref<512x64xf32, #tpu.memory_space<vmem>>
        %get3A_467 = arith.index_cast %add3A_458 : i32 to index
        %get3A_468 = arith.constant 0 : index
        %get3A_469 = tpu.vector_load %get3A_466[%get3A_467, %get3A_468] {strides = array<i32>} : memref<512x64xf32, #tpu.memory_space<vmem>>, vector<16xf32>,
        tpu.vector_store_idx %arg7[%shift_right_logical3A_7, %and3A_9, %add3A_462], %get3A_469 : memref<8x8x513xf32, #tpu.memory_space<vmem>>[vector<16xi32>, vector<16xi32>, vector<16xi32>], vector<16xf32>,
        %get3A_470 = arith.constant 0 : i32
        %get3A_471 = arith.constant 0 : i32
        %get3A_472 = tpu.memref_slice %arg6[%scan3A_168, %get3A_470, %get3A_471] : memref<2x512x64xf32, #tpu.memory_space<vmem>> -> memref<1x512x64xf32, #tpu.memory_space<vmem>>
        %get3A_473 = tpu.memref_squeeze %get3A_472 : memref<1x512x64xf32, #tpu.memory_space<vmem>> -> memref<512x64xf32, #tpu.memory_space<vmem>>
        %get3A_474 = arith.index_cast %add3A_458 : i32 to index
        %get3A_475 = arith.constant 16 : index
        %get3A_476 = tpu.vector_load %get3A_473[%get3A_474, %get3A_475] {strides = array<i32>} : memref<512x64xf32, #tpu.memory_space<vmem>>, vector<16xf32>,
        tpu.vector_store_idx %arg7[%shift_right_logical3A_15, %and3A_18, %add3A_462], %get3A_476 : memref<8x8x513xf32, #tpu.memory_space<vmem>>[vector<16xi32>, vector<16xi32>, vector<16xi32>], vector<16xf32>,
        %get3A_477 = arith.constant 0 : i32
        %get3A_478 = arith.constant 0 : i32
        %get3A_479 = tpu.memref_slice %arg6[%scan3A_168, %get3A_477, %get3A_478] : memref<2x512x64xf32, #tpu.memory_space<vmem>> -> memref<1x512x64xf32, #tpu.memory_space<vmem>>
        %get3A_480 = tpu.memref_squeeze %get3A_479 : memref<1x512x64xf32, #tpu.memory_space<vmem>> -> memref<512x64xf32, #tpu.memory_space<vmem>>
        %get3A_481 = arith.index_cast %add3A_458 : i32 to index
        %get3A_482 = arith.constant 32 : index
        %get3A_483 = tpu.vector_load %get3A_480[%get3A_481, %get3A_482] {strides = array<i32>} : memref<512x64xf32, #tpu.memory_space<vmem>>, vector<16xf32>,
        tpu.vector_store_idx %arg7[%shift_right_logical3A_24, %and3A_27, %add3A_462], %get3A_483 : memref<8x8x513xf32, #tpu.memory_space<vmem>>[vector<16xi32>, vector<16xi32>, vector<16xi32>], vector<16xf32>,
        %get3A_484 = arith.constant 0 : i32
        %get3A_485 = arith.constant 0 : i32
        %get3A_486 = tpu.memref_slice %arg6[%scan3A_168, %get3A_484, %get3A_485] : memref<2x512x64xf32, #tpu.memory_space<vmem>> -> memref<1x512x64xf32, #tpu.memory_space<vmem>>
        %get3A_487 = tpu.memref_squeeze %get3A_486 : memref<1x512x64xf32, #tpu.memory_space<vmem>> -> memref<512x64xf32, #tpu.memory_space<vmem>>
        %get3A_488 = arith.index_cast %add3A_458 : i32 to index
        %get3A_489 = arith.constant 48 : index
        %get3A_490 = tpu.vector_load %get3A_487[%get3A_488, %get3A_489] {strides = array<i32>} : memref<512x64xf32, #tpu.memory_space<vmem>>, vector<16xf32>,
        tpu.vector_store_idx %arg7[%shift_right_logical3A_33, %and3A_36, %add3A_462], %get3A_490 : memref<8x8x513xf32, #tpu.memory_space<vmem>>[vector<16xi32>, vector<16xi32>, vector<16xi32>], vector<16xf32>,
        %mul3A_491 = arith.constant 8 : i32
        %mul3A_492 = arith.muli %scan3A_384, %mul3A_491 : i32
        %add3A_493 = arith.constant 3 : i32
        %add3A_494 = arith.addi %mul3A_492, %add3A_493 : i32
        %broadcast_in_dim3A_495 = arith.constant 0 : i32
        %broadcast_in_dim3A_496 = vector.broadcast %broadcast_in_dim3A_495 : i32 to vector<16xi32>
        %add3A_497 = vector.broadcast %add3A_494 : i32 to vector<16xi32>
        %add3A_498 = arith.addi %broadcast_in_dim3A_496, %add3A_497 : vector<16xi32>
        %get3A_499 = arith.constant 0 : i32
        %get3A_500 = arith.constant 0 : i32
        %get3A_501 = tpu.memref_slice %arg6[%scan3A_168, %get3A_499, %get3A_500] : memref<2x512x64xf32, #tpu.memory_space<vmem>> -> memref<1x512x64xf32, #tpu.memory_space<vmem>>
        %get3A_502 = tpu.memref_squeeze %get3A_501 : memref<1x512x64xf32, #tpu.memory_space<vmem>> -> memref<512x64xf32, #tpu.memory_space<vmem>>
        %get3A_503 = arith.index_cast %add3A_494 : i32 to index
        %get3A_504 = arith.constant 0 : index
        %get3A_505 = tpu.vector_load %get3A_502[%get3A_503, %get3A_504] {strides = array<i32>} : memref<512x64xf32, #tpu.memory_space<vmem>>, vector<16xf32>,
        tpu.vector_store_idx %arg7[%shift_right_logical3A_7, %and3A_9, %add3A_498], %get3A_505 : memref<8x8x513xf32, #tpu.memory_space<vmem>>[vector<16xi32>, vector<16xi32>, vector<16xi32>], vector<16xf32>,
        %get3A_506 = arith.constant 0 : i32
        %get3A_507 = arith.constant 0 : i32
        %get3A_508 = tpu.memref_slice %arg6[%scan3A_168, %get3A_506, %get3A_507] : memref<2x512x64xf32, #tpu.memory_space<vmem>> -> memref<1x512x64xf32, #tpu.memory_space<vmem>>
        %get3A_509 = tpu.memref_squeeze %get3A_508 : memref<1x512x64xf32, #tpu.memory_space<vmem>> -> memref<512x64xf32, #tpu.memory_space<vmem>>
        %get3A_510 = arith.index_cast %add3A_494 : i32 to index
        %get3A_511 = arith.constant 16 : index
        %get3A_512 = tpu.vector_load %get3A_509[%get3A_510, %get3A_511] {strides = array<i32>} : memref<512x64xf32, #tpu.memory_space<vmem>>, vector<16xf32>,
        tpu.vector_store_idx %arg7[%shift_right_logical3A_15, %and3A_18, %add3A_498], %get3A_512 : memref<8x8x513xf32, #tpu.memory_space<vmem>>[vector<16xi32>, vector<16xi32>, vector<16xi32>], vector<16xf32>,
        %get3A_513 = arith.constant 0 : i32
        %get3A_514 = arith.constant 0 : i32
        %get3A_515 = tpu.memref_slice %arg6[%scan3A_168, %get3A_513, %get3A_514] : memref<2x512x64xf32, #tpu.memory_space<vmem>> -> memref<1x512x64xf32, #tpu.memory_space<vmem>>
        %get3A_516 = tpu.memref_squeeze %get3A_515 : memref<1x512x64xf32, #tpu.memory_space<vmem>> -> memref<512x64xf32, #tpu.memory_space<vmem>>
        %get3A_517 = arith.index_cast %add3A_494 : i32 to index
        %get3A_518 = arith.constant 32 : index
        %get3A_519 = tpu.vector_load %get3A_516[%get3A_517, %get3A_518] {strides = array<i32>} : memref<512x64xf32, #tpu.memory_space<vmem>>, vector<16xf32>,
        tpu.vector_store_idx %arg7[%shift_right_logical3A_24, %and3A_27, %add3A_498], %get3A_519 : memref<8x8x513xf32, #tpu.memory_space<vmem>>[vector<16xi32>, vector<16xi32>, vector<16xi32>], vector<16xf32>,
        %get3A_520 = arith.constant 0 : i32
        %get3A_521 = arith.constant 0 : i32
        %get3A_522 = tpu.memref_slice %arg6[%scan3A_168, %get3A_520, %get3A_521] : memref<2x512x64xf32, #tpu.memory_space<vmem>> -> memref<1x512x64xf32, #tpu.memory_space<vmem>>
        %get3A_523 = tpu.memref_squeeze %get3A_522 : memref<1x512x64xf32, #tpu.memory_space<vmem>> -> memref<512x64xf32, #tpu.memory_space<vmem>>
        %get3A_524 = arith.index_cast %add3A_494 : i32 to index
        %get3A_525 = arith.constant 48 : index
        %get3A_526 = tpu.vector_load %get3A_523[%get3A_524, %get3A_525] {strides = array<i32>} : memref<512x64xf32, #tpu.memory_space<vmem>>, vector<16xf32>,
        tpu.vector_store_idx %arg7[%shift_right_logical3A_33, %and3A_36, %add3A_498], %get3A_526 : memref<8x8x513xf32, #tpu.memory_space<vmem>>[vector<16xi32>, vector<16xi32>, vector<16xi32>], vector<16xf32>,
        %mul3A_527 = arith.constant 8 : i32
        %mul3A_528 = arith.muli %scan3A_384, %mul3A_527 : i32
        %add3A_529 = arith.constant 4 : i32
        %add3A_530 = arith.addi %mul3A_528, %add3A_529 : i32
        %broadcast_in_dim3A_531 = arith.constant 0 : i32
        %broadcast_in_dim3A_532 = vector.broadcast %broadcast_in_dim3A_531 : i32 to vector<16xi32>
        %add3A_533 = vector.broadcast %add3A_530 : i32 to vector<16xi32>
        %add3A_534 = arith.addi %broadcast_in_dim3A_532, %add3A_533 : vector<16xi32>
        %get3A_535 = arith.constant 0 : i32
        %get3A_536 = arith.constant 0 : i32
        %get3A_537 = tpu.memref_slice %arg6[%scan3A_168, %get3A_535, %get3A_536] : memref<2x512x64xf32, #tpu.memory_space<vmem>> -> memref<1x512x64xf32, #tpu.memory_space<vmem>>
        %get3A_538 = tpu.memref_squeeze %get3A_537 : memref<1x512x64xf32, #tpu.memory_space<vmem>> -> memref<512x64xf32, #tpu.memory_space<vmem>>
        %get3A_539 = arith.index_cast %add3A_530 : i32 to index
        %get3A_540 = arith.constant 0 : index
        %get3A_541 = tpu.vector_load %get3A_538[%get3A_539, %get3A_540] {strides = array<i32>} : memref<512x64xf32, #tpu.memory_space<vmem>>, vector<16xf32>,
        tpu.vector_store_idx %arg7[%shift_right_logical3A_7, %and3A_9, %add3A_534], %get3A_541 : memref<8x8x513xf32, #tpu.memory_space<vmem>>[vector<16xi32>, vector<16xi32>, vector<16xi32>], vector<16xf32>,
        %get3A_542 = arith.constant 0 : i32
        %get3A_543 = arith.constant 0 : i32
        %get3A_544 = tpu.memref_slice %arg6[%scan3A_168, %get3A_542, %get3A_543] : memref<2x512x64xf32, #tpu.memory_space<vmem>> -> memref<1x512x64xf32, #tpu.memory_space<vmem>>
        %get3A_545 = tpu.memref_squeeze %get3A_544 : memref<1x512x64xf32, #tpu.memory_space<vmem>> -> memref<512x64xf32, #tpu.memory_space<vmem>>
        %get3A_546 = arith.index_cast %add3A_530 : i32 to index
        %get3A_547 = arith.constant 16 : index
        %get3A_548 = tpu.vector_load %get3A_545[%get3A_546, %get3A_547] {strides = array<i32>} : memref<512x64xf32, #tpu.memory_space<vmem>>, vector<16xf32>,
        tpu.vector_store_idx %arg7[%shift_right_logical3A_15, %and3A_18, %add3A_534], %get3A_548 : memref<8x8x513xf32, #tpu.memory_space<vmem>>[vector<16xi32>, vector<16xi32>, vector<16xi32>], vector<16xf32>,
        %get3A_549 = arith.constant 0 : i32
        %get3A_550 = arith.constant 0 : i32
        %get3A_551 = tpu.memref_slice %arg6[%scan3A_168, %get3A_549, %get3A_550] : memref<2x512x64xf32, #tpu.memory_space<vmem>> -> memref<1x512x64xf32, #tpu.memory_space<vmem>>
        %get3A_552 = tpu.memref_squeeze %get3A_551 : memref<1x512x64xf32, #tpu.memory_space<vmem>> -> memref<512x64xf32, #tpu.memory_space<vmem>>
        %get3A_553 = arith.index_cast %add3A_530 : i32 to index
        %get3A_554 = arith.constant 32 : index
        %get3A_555 = tpu.vector_load %get3A_552[%get3A_553, %get3A_554] {strides = array<i32>} : memref<512x64xf32, #tpu.memory_space<vmem>>, vector<16xf32>,
        tpu.vector_store_idx %arg7[%shift_right_logical3A_24, %and3A_27, %add3A_534], %get3A_555 : memref<8x8x513xf32, #tpu.memory_space<vmem>>[vector<16xi32>, vector<16xi32>, vector<16xi32>], vector<16xf32>,
        %get3A_556 = arith.constant 0 : i32
        %get3A_557 = arith.constant 0 : i32
        %get3A_558 = tpu.memref_slice %arg6[%scan3A_168, %get3A_556, %get3A_557] : memref<2x512x64xf32, #tpu.memory_space<vmem>> -> memref<1x512x64xf32, #tpu.memory_space<vmem>>
        %get3A_559 = tpu.memref_squeeze %get3A_558 : memref<1x512x64xf32, #tpu.memory_space<vmem>> -> memref<512x64xf32, #tpu.memory_space<vmem>>
        %get3A_560 = arith.index_cast %add3A_530 : i32 to index
        %get3A_561 = arith.constant 48 : index
        %get3A_562 = tpu.vector_load %get3A_559[%get3A_560, %get3A_561] {strides = array<i32>} : memref<512x64xf32, #tpu.memory_space<vmem>>, vector<16xf32>,
        tpu.vector_store_idx %arg7[%shift_right_logical3A_33, %and3A_36, %add3A_534], %get3A_562 : memref<8x8x513xf32, #tpu.memory_space<vmem>>[vector<16xi32>, vector<16xi32>, vector<16xi32>], vector<16xf32>,
        %mul3A_563 = arith.constant 8 : i32
        %mul3A_564 = arith.muli %scan3A_384, %mul3A_563 : i32
        %add3A_565 = arith.constant 5 : i32
        %add3A_566 = arith.addi %mul3A_564, %add3A_565 : i32
        %broadcast_in_dim3A_567 = arith.constant 0 : i32
        %broadcast_in_dim3A_568 = vector.broadcast %broadcast_in_dim3A_567 : i32 to vector<16xi32>
        %add3A_569 = vector.broadcast %add3A_566 : i32 to vector<16xi32>
        %add3A_570 = arith.addi %broadcast_in_dim3A_568, %add3A_569 : vector<16xi32>
        %get3A_571 = arith.constant 0 : i32
        %get3A_572 = arith.constant 0 : i32
        %get3A_573 = tpu.memref_slice %arg6[%scan3A_168, %get3A_571, %get3A_572] : memref<2x512x64xf32, #tpu.memory_space<vmem>> -> memref<1x512x64xf32, #tpu.memory_space<vmem>>
        %get3A_574 = tpu.memref_squeeze %get3A_573 : memref<1x512x64xf32, #tpu.memory_space<vmem>> -> memref<512x64xf32, #tpu.memory_space<vmem>>
        %get3A_575 = arith.index_cast %add3A_566 : i32 to index
        %get3A_576 = arith.constant 0 : index
        %get3A_577 = tpu.vector_load %get3A_574[%get3A_575, %get3A_576] {strides = array<i32>} : memref<512x64xf32, #tpu.memory_space<vmem>>, vector<16xf32>,
        tpu.vector_store_idx %arg7[%shift_right_logical3A_7, %and3A_9, %add3A_570], %get3A_577 : memref<8x8x513xf32, #tpu.memory_space<vmem>>[vector<16xi32>, vector<16xi32>, vector<16xi32>], vector<16xf32>,
        %get3A_578 = arith.constant 0 : i32
        %get3A_579 = arith.constant 0 : i32
        %get3A_580 = tpu.memref_slice %arg6[%scan3A_168, %get3A_578, %get3A_579] : memref<2x512x64xf32, #tpu.memory_space<vmem>> -> memref<1x512x64xf32, #tpu.memory_space<vmem>>
        %get3A_581 = tpu.memref_squeeze %get3A_580 : memref<1x512x64xf32, #tpu.memory_space<vmem>> -> memref<512x64xf32, #tpu.memory_space<vmem>>
        %get3A_582 = arith.index_cast %add3A_566 : i32 to index
        %get3A_583 = arith.constant 16 : index
        %get3A_584 = tpu.vector_load %get3A_581[%get3A_582, %get3A_583] {strides = array<i32>} : memref<512x64xf32, #tpu.memory_space<vmem>>, vector<16xf32>,
        tpu.vector_store_idx %arg7[%shift_right_logical3A_15, %and3A_18, %add3A_570], %get3A_584 : memref<8x8x513xf32, #tpu.memory_space<vmem>>[vector<16xi32>, vector<16xi32>, vector<16xi32>], vector<16xf32>,
        %get3A_585 = arith.constant 0 : i32
        %get3A_586 = arith.constant 0 : i32
        %get3A_587 = tpu.memref_slice %arg6[%scan3A_168, %get3A_585, %get3A_586] : memref<2x512x64xf32, #tpu.memory_space<vmem>> -> memref<1x512x64xf32, #tpu.memory_space<vmem>>
        %get3A_588 = tpu.memref_squeeze %get3A_587 : memref<1x512x64xf32, #tpu.memory_space<vmem>> -> memref<512x64xf32, #tpu.memory_space<vmem>>
        %get3A_589 = arith.index_cast %add3A_566 : i32 to index
        %get3A_590 = arith.constant 32 : index
        %get3A_591 = tpu.vector_load %get3A_588[%get3A_589, %get3A_590] {strides = array<i32>} : memref<512x64xf32, #tpu.memory_space<vmem>>, vector<16xf32>,
        tpu.vector_store_idx %arg7[%shift_right_logical3A_24, %and3A_27, %add3A_570], %get3A_591 : memref<8x8x513xf32, #tpu.memory_space<vmem>>[vector<16xi32>, vector<16xi32>, vector<16xi32>], vector<16xf32>,
        %get3A_592 = arith.constant 0 : i32
        %get3A_593 = arith.constant 0 : i32
        %get3A_594 = tpu.memref_slice %arg6[%scan3A_168, %get3A_592, %get3A_593] : memref<2x512x64xf32, #tpu.memory_space<vmem>> -> memref<1x512x64xf32, #tpu.memory_space<vmem>>
        %get3A_595 = tpu.memref_squeeze %get3A_594 : memref<1x512x64xf32, #tpu.memory_space<vmem>> -> memref<512x64xf32, #tpu.memory_space<vmem>>
        %get3A_596 = arith.index_cast %add3A_566 : i32 to index
        %get3A_597 = arith.constant 48 : index
        %get3A_598 = tpu.vector_load %get3A_595[%get3A_596, %get3A_597] {strides = array<i32>} : memref<512x64xf32, #tpu.memory_space<vmem>>, vector<16xf32>,
        tpu.vector_store_idx %arg7[%shift_right_logical3A_33, %and3A_36, %add3A_570], %get3A_598 : memref<8x8x513xf32, #tpu.memory_space<vmem>>[vector<16xi32>, vector<16xi32>, vector<16xi32>], vector<16xf32>,
        %mul3A_599 = arith.constant 8 : i32
        %mul3A_600 = arith.muli %scan3A_384, %mul3A_599 : i32
        %add3A_601 = arith.constant 6 : i32
        %add3A_602 = arith.addi %mul3A_600, %add3A_601 : i32
        %broadcast_in_dim3A_603 = arith.constant 0 : i32
        %broadcast_in_dim3A_604 = vector.broadcast %broadcast_in_dim3A_603 : i32 to vector<16xi32>
        %add3A_605 = vector.broadcast %add3A_602 : i32 to vector<16xi32>
        %add3A_606 = arith.addi %broadcast_in_dim3A_604, %add3A_605 : vector<16xi32>
        %get3A_607 = arith.constant 0 : i32
        %get3A_608 = arith.constant 0 : i32
        %get3A_609 = tpu.memref_slice %arg6[%scan3A_168, %get3A_607, %get3A_608] : memref<2x512x64xf32, #tpu.memory_space<vmem>> -> memref<1x512x64xf32, #tpu.memory_space<vmem>>
        %get3A_610 = tpu.memref_squeeze %get3A_609 : memref<1x512x64xf32, #tpu.memory_space<vmem>> -> memref<512x64xf32, #tpu.memory_space<vmem>>
        %get3A_611 = arith.index_cast %add3A_602 : i32 to index
        %get3A_612 = arith.constant 0 : index
        %get3A_613 = tpu.vector_load %get3A_610[%get3A_611, %get3A_612] {strides = array<i32>} : memref<512x64xf32, #tpu.memory_space<vmem>>, vector<16xf32>,
        tpu.vector_store_idx %arg7[%shift_right_logical3A_7, %and3A_9, %add3A_606], %get3A_613 : memref<8x8x513xf32, #tpu.memory_space<vmem>>[vector<16xi32>, vector<16xi32>, vector<16xi32>], vector<16xf32>,
        %get3A_614 = arith.constant 0 : i32
        %get3A_615 = arith.constant 0 : i32
        %get3A_616 = tpu.memref_slice %arg6[%scan3A_168, %get3A_614, %get3A_615] : memref<2x512x64xf32, #tpu.memory_space<vmem>> -> memref<1x512x64xf32, #tpu.memory_space<vmem>>
        %get3A_617 = tpu.memref_squeeze %get3A_616 : memref<1x512x64xf32, #tpu.memory_space<vmem>> -> memref<512x64xf32, #tpu.memory_space<vmem>>
        %get3A_618 = arith.index_cast %add3A_602 : i32 to index
        %get3A_619 = arith.constant 16 : index
        %get3A_620 = tpu.vector_load %get3A_617[%get3A_618, %get3A_619] {strides = array<i32>} : memref<512x64xf32, #tpu.memory_space<vmem>>, vector<16xf32>,
        tpu.vector_store_idx %arg7[%shift_right_logical3A_15, %and3A_18, %add3A_606], %get3A_620 : memref<8x8x513xf32, #tpu.memory_space<vmem>>[vector<16xi32>, vector<16xi32>, vector<16xi32>], vector<16xf32>,
        %get3A_621 = arith.constant 0 : i32
        %get3A_622 = arith.constant 0 : i32
        %get3A_623 = tpu.memref_slice %arg6[%scan3A_168, %get3A_621, %get3A_622] : memref<2x512x64xf32, #tpu.memory_space<vmem>> -> memref<1x512x64xf32, #tpu.memory_space<vmem>>
        %get3A_624 = tpu.memref_squeeze %get3A_623 : memref<1x512x64xf32, #tpu.memory_space<vmem>> -> memref<512x64xf32, #tpu.memory_space<vmem>>
        %get3A_625 = arith.index_cast %add3A_602 : i32 to index
        %get3A_626 = arith.constant 32 : index
        %get3A_627 = tpu.vector_load %get3A_624[%get3A_625, %get3A_626] {strides = array<i32>} : memref<512x64xf32, #tpu.memory_space<vmem>>, vector<16xf32>,
        tpu.vector_store_idx %arg7[%shift_right_logical3A_24, %and3A_27, %add3A_606], %get3A_627 : memref<8x8x513xf32, #tpu.memory_space<vmem>>[vector<16xi32>, vector<16xi32>, vector<16xi32>], vector<16xf32>,
        %get3A_628 = arith.constant 0 : i32
        %get3A_629 = arith.constant 0 : i32
        %get3A_630 = tpu.memref_slice %arg6[%scan3A_168, %get3A_628, %get3A_629] : memref<2x512x64xf32, #tpu.memory_space<vmem>> -> memref<1x512x64xf32, #tpu.memory_space<vmem>>
        %get3A_631 = tpu.memref_squeeze %get3A_630 : memref<1x512x64xf32, #tpu.memory_space<vmem>> -> memref<512x64xf32, #tpu.memory_space<vmem>>
        %get3A_632 = arith.index_cast %add3A_602 : i32 to index
        %get3A_633 = arith.constant 48 : index
        %get3A_634 = tpu.vector_load %get3A_631[%get3A_632, %get3A_633] {strides = array<i32>} : memref<512x64xf32, #tpu.memory_space<vmem>>, vector<16xf32>,
        tpu.vector_store_idx %arg7[%shift_right_logical3A_33, %and3A_36, %add3A_606], %get3A_634 : memref<8x8x513xf32, #tpu.memory_space<vmem>>[vector<16xi32>, vector<16xi32>, vector<16xi32>], vector<16xf32>,
        %mul3A_635 = arith.constant 8 : i32
        %mul3A_636 = arith.muli %scan3A_384, %mul3A_635 : i32
        %add3A_637 = arith.constant 7 : i32
        %add3A_638 = arith.addi %mul3A_636, %add3A_637 : i32
        %broadcast_in_dim3A_639 = arith.constant 0 : i32
        %broadcast_in_dim3A_640 = vector.broadcast %broadcast_in_dim3A_639 : i32 to vector<16xi32>
        %add3A_641 = vector.broadcast %add3A_638 : i32 to vector<16xi32>
        %add3A_642 = arith.addi %broadcast_in_dim3A_640, %add3A_641 : vector<16xi32>
        %get3A_643 = arith.constant 0 : i32
        %get3A_644 = arith.constant 0 : i32
        %get3A_645 = tpu.memref_slice %arg6[%scan3A_168, %get3A_643, %get3A_644] : memref<2x512x64xf32, #tpu.memory_space<vmem>> -> memref<1x512x64xf32, #tpu.memory_space<vmem>>
        %get3A_646 = tpu.memref_squeeze %get3A_645 : memref<1x512x64xf32, #tpu.memory_space<vmem>> -> memref<512x64xf32, #tpu.memory_space<vmem>>
        %get3A_647 = arith.index_cast %add3A_638 : i32 to index
        %get3A_648 = arith.constant 0 : index
        %get3A_649 = tpu.vector_load %get3A_646[%get3A_647, %get3A_648] {strides = array<i32>} : memref<512x64xf32, #tpu.memory_space<vmem>>, vector<16xf32>,
        tpu.vector_store_idx %arg7[%shift_right_logical3A_7, %and3A_9, %add3A_642], %get3A_649 : memref<8x8x513xf32, #tpu.memory_space<vmem>>[vector<16xi32>, vector<16xi32>, vector<16xi32>], vector<16xf32>,
        %get3A_650 = arith.constant 0 : i32
        %get3A_651 = arith.constant 0 : i32
        %get3A_652 = tpu.memref_slice %arg6[%scan3A_168, %get3A_650, %get3A_651] : memref<2x512x64xf32, #tpu.memory_space<vmem>> -> memref<1x512x64xf32, #tpu.memory_space<vmem>>
        %get3A_653 = tpu.memref_squeeze %get3A_652 : memref<1x512x64xf32, #tpu.memory_space<vmem>> -> memref<512x64xf32, #tpu.memory_space<vmem>>
        %get3A_654 = arith.index_cast %add3A_638 : i32 to index
        %get3A_655 = arith.constant 16 : index
        %get3A_656 = tpu.vector_load %get3A_653[%get3A_654, %get3A_655] {strides = array<i32>} : memref<512x64xf32, #tpu.memory_space<vmem>>, vector<16xf32>,
        tpu.vector_store_idx %arg7[%shift_right_logical3A_15, %and3A_18, %add3A_642], %get3A_656 : memref<8x8x513xf32, #tpu.memory_space<vmem>>[vector<16xi32>, vector<16xi32>, vector<16xi32>], vector<16xf32>,
        %get3A_657 = arith.constant 0 : i32
        %get3A_658 = arith.constant 0 : i32
        %get3A_659 = tpu.memref_slice %arg6[%scan3A_168, %get3A_657, %get3A_658] : memref<2x512x64xf32, #tpu.memory_space<vmem>> -> memref<1x512x64xf32, #tpu.memory_space<vmem>>
        %get3A_660 = tpu.memref_squeeze %get3A_659 : memref<1x512x64xf32, #tpu.memory_space<vmem>> -> memref<512x64xf32, #tpu.memory_space<vmem>>
        %get3A_661 = arith.index_cast %add3A_638 : i32 to index
        %get3A_662 = arith.constant 32 : index
        %get3A_663 = tpu.vector_load %get3A_660[%get3A_661, %get3A_662] {strides = array<i32>} : memref<512x64xf32, #tpu.memory_space<vmem>>, vector<16xf32>,
        tpu.vector_store_idx %arg7[%shift_right_logical3A_24, %and3A_27, %add3A_642], %get3A_663 : memref<8x8x513xf32, #tpu.memory_space<vmem>>[vector<16xi32>, vector<16xi32>, vector<16xi32>], vector<16xf32>,
        %get3A_664 = arith.constant 0 : i32
        %get3A_665 = arith.constant 0 : i32
        %get3A_666 = tpu.memref_slice %arg6[%scan3A_168, %get3A_664, %get3A_665] : memref<2x512x64xf32, #tpu.memory_space<vmem>> -> memref<1x512x64xf32, #tpu.memory_space<vmem>>
        %get3A_667 = tpu.memref_squeeze %get3A_666 : memref<1x512x64xf32, #tpu.memory_space<vmem>> -> memref<512x64xf32, #tpu.memory_space<vmem>>
        %get3A_668 = arith.index_cast %add3A_638 : i32 to index
        %get3A_669 = arith.constant 48 : index
        %get3A_670 = tpu.vector_load %get3A_667[%get3A_668, %get3A_669] {strides = array<i32>} : memref<512x64xf32, #tpu.memory_space<vmem>>, vector<16xf32>,
        tpu.vector_store_idx %arg7[%shift_right_logical3A_33, %and3A_36, %add3A_642], %get3A_670 : memref<8x8x513xf32, #tpu.memory_space<vmem>>[vector<16xi32>, vector<16xi32>, vector<16xi32>], vector<16xf32>,
      }
      %scan3A_173 = arith.constant 64 : i32
      %mul3A_174 = arith.constant 512 : i32
      %mul3A_175 = arith.muli %add3A_146, %mul3A_174 : i32
      %add3A_176 = arith.addi %mul3A_2, %mul3A_175 : i32
      %shift_right_logical3A_177 = arith.constant 12 : i32
      %shift_right_logical3A_178 = arith.shrui %add3A_176, %shift_right_logical3A_177 : i32
      %and3A_179 = arith.constant 4095 : i32
      %and3A_180 = arith.andi %add3A_176, %and3A_179 : i32
      %shift_right_logical3A_181 = arith.constant 7 : i32
      %shift_right_logical3A_182 = arith.shrui %and3A_180, %shift_right_logical3A_181 : i32
      %add3A_183 = arith.constant 0 : i32
      %add3A_184 = arith.addi %shift_right_logical3A_182, %add3A_183 : i32
      %add3A_185 = arith.constant 1 : i32
      %add3A_186 = arith.addi %shift_right_logical3A_182, %add3A_185 : i32
      %add3A_187 = arith.constant 2 : i32
      %add3A_188 = arith.addi %shift_right_logical3A_182, %add3A_187 : i32
      %add3A_189 = arith.constant 3 : i32
      %add3A_190 = arith.addi %shift_right_logical3A_182, %add3A_189 : i32
      %dma_start3A_191 = arith.constant 0 : i32
      %dma_start3A_192 = arith.constant 0 : i32
      %dma_start3A_193 = arith.constant 0 : i32
      %dma_start3A_194 = tpu.memref_slice %arg7[%dma_start3A_191, %dma_start3A_192, %dma_start3A_193] : memref<8x8x513xf32, #tpu.memory_space<vmem>> -> memref<8x8x128xf32, #tpu.memory_space<vmem>>
      %dma_start3A_195 = arith.constant 0 : i32
      %dma_start3A_196 = arith.constant 0 : i32
      %dma_start3A_197 = arith.constant 0 : i32
      %dma_start3A_198 = tpu.memref_slice %arg4[%shift_right_logical3A_178, %dma_start3A_195, %add3A_184, %dma_start3A_196, %dma_start3A_197] : memref<200x8x32x8x128xf32, #tpu.memory_space<hbm>> -> memref<1x8x1x8x128xf32, #tpu.memory_space<hbm>>
      %dma_start3A_199 = tpu.memref_squeeze %dma_start3A_198 : memref<1x8x1x8x128xf32, #tpu.memory_space<hbm>> -> memref<8x8x128xf32, #tpu.memory_space<hbm>>
      %dma_start3A_200 = arith.constant 0 : i32
      %dma_start3A_201 = arith.constant 0 : i32
      %dma_start3A_202 = arith.constant 0 : i32
      %dma_start3A_203 = tpu.memref_slice %arg4[%shift_right_logical3A_178, %dma_start3A_200, %add3A_184, %dma_start3A_201, %dma_start3A_202] : memref<200x8x32x8x128xf32, #tpu.memory_space<hbm>> -> memref<1x8x1x8x128xf32, #tpu.memory_space<hbm>>
      %dma_start3A_204 = tpu.memref_squeeze %dma_start3A_203 : memref<1x8x1x8x128xf32, #tpu.memory_space<hbm>> -> memref<8x8x128xf32, #tpu.memory_space<hbm>>
      %dma_start3A_205 = arith.constant 0 : i32
      %dma_start3A_206 = arith.constant 0 : i32
      %dma_start3A_207 = arith.constant 0 : i32
      %dma_start3A_208 = tpu.memref_slice %arg7[%dma_start3A_205, %dma_start3A_206, %dma_start3A_207] : memref<8x8x513xf32, #tpu.memory_space<vmem>> -> memref<8x8x128xf32, #tpu.memory_space<vmem>>
      tpu.enqueue_dma source(%dma_start3A_208 : memref<8x8x128xf32, #tpu.memory_space<vmem>>) target(%dma_start3A_204 : memref<8x8x128xf32, #tpu.memory_space<hbm>>) target_semaphore(%arg10 : memref<!tpu.dma_semaphore, #tpu.memory_space<semaphore_mem>>)
      %dma_start3A_209 = arith.constant 0 : i32
      %dma_start3A_210 = arith.constant 0 : i32
      %dma_start3A_211 = arith.constant 128 : i32
      %dma_start3A_212 = tpu.memref_slice %arg7[%dma_start3A_209, %dma_start3A_210, %dma_start3A_211] : memref<8x8x513xf32, #tpu.memory_space<vmem>> -> memref<8x8x128xf32, #tpu.memory_space<vmem>>
      %dma_start3A_213 = arith.constant 0 : i32
      %dma_start3A_214 = arith.constant 0 : i32
      %dma_start3A_215 = arith.constant 0 : i32
      %dma_start3A_216 = tpu.memref_slice %arg4[%shift_right_logical3A_178, %dma_start3A_213, %add3A_186, %dma_start3A_214, %dma_start3A_215] : memref<200x8x32x8x128xf32, #tpu.memory_space<hbm>> -> memref<1x8x1x8x128xf32, #tpu.memory_space<hbm>>
      %dma_start3A_217 = tpu.memref_squeeze %dma_start3A_216 : memref<1x8x1x8x128xf32, #tpu.memory_space<hbm>> -> memref<8x8x128xf32, #tpu.memory_space<hbm>>
      %dma_start3A_218 = arith.constant 0 : i32
      %dma_start3A_219 = arith.constant 0 : i32
      %dma_start3A_220 = arith.constant 0 : i32
      %dma_start3A_221 = tpu.memref_slice %arg4[%shift_right_logical3A_178, %dma_start3A_218, %add3A_186, %dma_start3A_219, %dma_start3A_220] : memref<200x8x32x8x128xf32, #tpu.memory_space<hbm>> -> memref<1x8x1x8x128xf32, #tpu.memory_space<hbm>>
      %dma_start3A_222 = tpu.memref_squeeze %dma_start3A_221 : memref<1x8x1x8x128xf32, #tpu.memory_space<hbm>> -> memref<8x8x128xf32, #tpu.memory_space<hbm>>
      %dma_start3A_223 = arith.constant 0 : i32
      %dma_start3A_224 = arith.constant 0 : i32
      %dma_start3A_225 = arith.constant 128 : i32
      %dma_start3A_226 = tpu.memref_slice %arg7[%dma_start3A_223, %dma_start3A_224, %dma_start3A_225] : memref<8x8x513xf32, #tpu.memory_space<vmem>> -> memref<8x8x128xf32, #tpu.memory_space<vmem>>
      tpu.enqueue_dma source(%dma_start3A_226 : memref<8x8x128xf32, #tpu.memory_space<vmem>>) target(%dma_start3A_222 : memref<8x8x128xf32, #tpu.memory_space<hbm>>) target_semaphore(%arg10 : memref<!tpu.dma_semaphore, #tpu.memory_space<semaphore_mem>>)
      %dma_start3A_227 = arith.constant 0 : i32
      %dma_start3A_228 = arith.constant 0 : i32
      %dma_start3A_229 = arith.constant 256 : i32
      %dma_start3A_230 = tpu.memref_slice %arg7[%dma_start3A_227, %dma_start3A_228, %dma_start3A_229] : memref<8x8x513xf32, #tpu.memory_space<vmem>> -> memref<8x8x128xf32, #tpu.memory_space<vmem>>
      %dma_start3A_231 = arith.constant 0 : i32
      %dma_start3A_232 = arith.constant 0 : i32
      %dma_start3A_233 = arith.constant 0 : i32
      %dma_start3A_234 = tpu.memref_slice %arg4[%shift_right_logical3A_178, %dma_start3A_231, %add3A_188, %dma_start3A_232, %dma_start3A_233] : memref<200x8x32x8x128xf32, #tpu.memory_space<hbm>> -> memref<1x8x1x8x128xf32, #tpu.memory_space<hbm>>
      %dma_start3A_235 = tpu.memref_squeeze %dma_start3A_234 : memref<1x8x1x8x128xf32, #tpu.memory_space<hbm>> -> memref<8x8x128xf32, #tpu.memory_space<hbm>>
      %dma_start3A_236 = arith.constant 0 : i32
      %dma_start3A_237 = arith.constant 0 : i32
      %dma_start3A_238 = arith.constant 0 : i32
      %dma_start3A_239 = tpu.memref_slice %arg4[%shift_right_logical3A_178, %dma_start3A_236, %add3A_188, %dma_start3A_237, %dma_start3A_238] : memref<200x8x32x8x128xf32, #tpu.memory_space<hbm>> -> memref<1x8x1x8x128xf32, #tpu.memory_space<hbm>>
      %dma_start3A_240 = tpu.memref_squeeze %dma_start3A_239 : memref<1x8x1x8x128xf32, #tpu.memory_space<hbm>> -> memref<8x8x128xf32, #tpu.memory_space<hbm>>
      %dma_start3A_241 = arith.constant 0 : i32
      %dma_start3A_242 = arith.constant 0 : i32
      %dma_start3A_243 = arith.constant 256 : i32
      %dma_start3A_244 = tpu.memref_slice %arg7[%dma_start3A_241, %dma_start3A_242, %dma_start3A_243] : memref<8x8x513xf32, #tpu.memory_space<vmem>> -> memref<8x8x128xf32, #tpu.memory_space<vmem>>
      tpu.enqueue_dma source(%dma_start3A_244 : memref<8x8x128xf32, #tpu.memory_space<vmem>>) target(%dma_start3A_240 : memref<8x8x128xf32, #tpu.memory_space<hbm>>) target_semaphore(%arg10 : memref<!tpu.dma_semaphore, #tpu.memory_space<semaphore_mem>>)
      %dma_start3A_245 = arith.constant 0 : i32
      %dma_start3A_246 = arith.constant 0 : i32
      %dma_start3A_247 = arith.constant 384 : i32
      %dma_start3A_248 = tpu.memref_slice %arg7[%dma_start3A_245, %dma_start3A_246, %dma_start3A_247] : memref<8x8x513xf32, #tpu.memory_space<vmem>> -> memref<8x8x128xf32, #tpu.memory_space<vmem>>
      %dma_start3A_249 = arith.constant 0 : i32
      %dma_start3A_250 = arith.constant 0 : i32
      %dma_start3A_251 = arith.constant 0 : i32
      %dma_start3A_252 = tpu.memref_slice %arg4[%shift_right_logical3A_178, %dma_start3A_249, %add3A_190, %dma_start3A_250, %dma_start3A_251] : memref<200x8x32x8x128xf32, #tpu.memory_space<hbm>> -> memref<1x8x1x8x128xf32, #tpu.memory_space<hbm>>
      %dma_start3A_253 = tpu.memref_squeeze %dma_start3A_252 : memref<1x8x1x8x128xf32, #tpu.memory_space<hbm>> -> memref<8x8x128xf32, #tpu.memory_space<hbm>>
      %dma_start3A_254 = arith.constant 0 : i32
      %dma_start3A_255 = arith.constant 0 : i32
      %dma_start3A_256 = arith.constant 0 : i32
      %dma_start3A_257 = tpu.memref_slice %arg4[%shift_right_logical3A_178, %dma_start3A_254, %add3A_190, %dma_start3A_255, %dma_start3A_256] : memref<200x8x32x8x128xf32, #tpu.memory_space<hbm>> -> memref<1x8x1x8x128xf32, #tpu.memory_space<hbm>>
      %dma_start3A_258 = tpu.memref_squeeze %dma_start3A_257 : memref<1x8x1x8x128xf32, #tpu.memory_space<hbm>> -> memref<8x8x128xf32, #tpu.memory_space<hbm>>
      %dma_start3A_259 = arith.constant 0 : i32
      %dma_start3A_260 = arith.constant 0 : i32
      %dma_start3A_261 = arith.constant 384 : i32
      %dma_start3A_262 = tpu.memref_slice %arg7[%dma_start3A_259, %dma_start3A_260, %dma_start3A_261] : memref<8x8x513xf32, #tpu.memory_space<vmem>> -> memref<8x8x128xf32, #tpu.memory_space<vmem>>
      tpu.enqueue_dma source(%dma_start3A_262 : memref<8x8x128xf32, #tpu.memory_space<vmem>>) target(%dma_start3A_258 : memref<8x8x128xf32, #tpu.memory_space<hbm>>) target_semaphore(%arg10 : memref<!tpu.dma_semaphore, #tpu.memory_space<semaphore_mem>>)
      %mul3A_263 = arith.constant 2 : i32
      %mul3A_264 = arith.muli %scan3A_142, %mul3A_263 : i32
      %add3A_265 = arith.constant 1 : i32
      %add3A_266 = arith.addi %mul3A_264, %add3A_265 : i32
      %lt3A = arith.constant 24 : i32
      %lt3A_267 = arith.cmpi slt, %scan3A_142, %lt3A : i32
      %convert_element_type3A_268 = arith.extui %lt3A_267 : i1 to i32
      %cond3A_269 = arith.constant 0 : i32
      %cond3A_270 = arith.cmpi ne, %convert_element_type3A_268, %cond3A_269 : i32
      scf.if %cond3A_270 {
        %add3A_384 = arith.constant 1 : i32
        %add3A_385 = arith.addi %add3A_266, %add3A_384 : i32
        %min3A = arith.constant 49 : i32
        %min3A_386 = arith.minsi %add3A_385, %min3A : i32
        %mul3A_387 = arith.constant 512 : i32
        %mul3A_388 = arith.muli %min3A_386, %mul3A_387 : i32
        %add3A_389 = arith.addi %mul3A_2, %mul3A_388 : i32
        %run_scoped3A_390 = arith.constant 0 : i32
        "tpu.region"() ({
          %run_scoped3A_403 = tpu.sem_alloc : memref<!tpu.dma_semaphore, #tpu.memory_space<semaphore_mem>>
          %dma_start3A_404 = arith.constant 0 : i32
          %dma_start3A_405 = tpu.memref_slice %arg5[%run_scoped3A_390, %dma_start3A_404] : memref<2x512xi32, #tpu.memory_space<vmem>> -> memref<1x512xi32, #tpu.memory_space<vmem>>
          %dma_start3A_406 = tpu.memref_squeeze %dma_start3A_405 : memref<1x512xi32, #tpu.memory_space<vmem>> -> memref<512xi32, #tpu.memory_space<vmem>>
          %dma_start3A_407 = tpu.memref_slice %arg3[%add3A_389] : memref<819200xi32, #tpu.memory_space<hbm>> -> memref<512xi32, #tpu.memory_space<hbm>>
          %dma_start3A_408 = arith.constant 0 : i32
          %dma_start3A_409 = tpu.memref_slice %arg5[%run_scoped3A_390, %dma_start3A_408] : memref<2x512xi32, #tpu.memory_space<vmem>> -> memref<1x512xi32, #tpu.memory_space<vmem>>
          %dma_start3A_410 = tpu.memref_squeeze %dma_start3A_409 : memref<1x512xi32, #tpu.memory_space<vmem>> -> memref<512xi32, #tpu.memory_space<vmem>>
          %dma_start3A_411 = tpu.memref_slice %arg3[%add3A_389] : memref<819200xi32, #tpu.memory_space<hbm>> -> memref<512xi32, #tpu.memory_space<hbm>>
          tpu.enqueue_dma source(%dma_start3A_411 : memref<512xi32, #tpu.memory_space<hbm>>) target(%dma_start3A_410 : memref<512xi32, #tpu.memory_space<vmem>>) target_semaphore(%run_scoped3A_403 : memref<!tpu.dma_semaphore, #tpu.memory_space<semaphore_mem>>)
          %dma_wait3A_412 = arith.constant 0 : i32
          %dma_wait3A_413 = tpu.memref_slice %arg5[%run_scoped3A_390, %dma_wait3A_412] : memref<2x512xi32, #tpu.memory_space<vmem>> -> memref<1x512xi32, #tpu.memory_space<vmem>>
          %dma_wait3A_414 = tpu.memref_squeeze %dma_wait3A_413 : memref<1x512xi32, #tpu.memory_space<vmem>> -> memref<512xi32, #tpu.memory_space<vmem>>
          %dma_wait3A_415 = tpu.memref_slice %arg3[%add3A_389] : memref<819200xi32, #tpu.memory_space<hbm>> -> memref<512xi32, #tpu.memory_space<hbm>>
          %dma_wait3A_416 = arith.constant 0 : i32
          %dma_wait3A_417 = tpu.memref_slice %arg5[%run_scoped3A_390, %dma_wait3A_416] : memref<2x512xi32, #tpu.memory_space<vmem>> -> memref<1x512xi32, #tpu.memory_space<vmem>>
          %dma_wait3A_418 = tpu.memref_squeeze %dma_wait3A_417 : memref<1x512xi32, #tpu.memory_space<vmem>> -> memref<512xi32, #tpu.memory_space<vmem>>
          %dma_wait3A_419 = tpu.memref_slice %arg3[%add3A_389] : memref<819200xi32, #tpu.memory_space<hbm>> -> memref<512xi32, #tpu.memory_space<hbm>>
          tpu.wait_dma2 semaphore(%run_scoped3A_403 : memref<!tpu.dma_semaphore, #tpu.memory_space<semaphore_mem>>) src(%dma_wait3A_419 : memref<512xi32, #tpu.memory_space<hbm>>) dst(%dma_wait3A_418 : memref<512xi32, #tpu.memory_space<vmem>>)
          tpu.yield
        }) : () -> ()
        %dma_start3A_391 = arith.constant 0 : i32
        %dma_start3A_392 = arith.constant 0 : i32
        %dma_start3A_393 = arith.constant 0 : i32
        %dma_start3A_394 = arith.constant 0 : i32
        %dma_start3A_395 = tpu.memref_slice %arg6[%dma_start3A_392, %dma_start3A_393, %dma_start3A_394] : memref<2x512x64xf32, #tpu.memory_space<vmem>> -> memref<1x512x64xf32, #tpu.memory_space<vmem>>
        %dma_start3A_396 = tpu.memref_squeeze %dma_start3A_395 : memref<1x512x64xf32, #tpu.memory_space<vmem>> -> memref<512x64xf32, #tpu.memory_space<vmem>>
        %dma_start3A_397 = arith.constant 0 : i32
        %dma_start3A_398 = tpu.memref_slice %arg5[%dma_start3A_391, %dma_start3A_397] : memref<2x512xi32, #tpu.memory_space<vmem>> -> memref<1x512xi32, #tpu.memory_space<vmem>>
        %dma_start3A_399 = tpu.memref_squeeze %dma_start3A_398 : memref<1x512xi32, #tpu.memory_space<vmem>> -> memref<512xi32, #tpu.memory_space<vmem>>
        %dma_start3A_400 = arith.constant 0 : i32
        %dma_start3A_401 = arith.constant 0 : i32
        %dma_start3A_402 = tpu.memref_slice %arg2[%dma_start3A_400, %dma_start3A_401] : memref<1000000x64xf32, #tpu.memory_space<hbm>> -> memref<1000000x64xf32, #tpu.memory_space<hbm>>
        tpu.enqueue_indirect_dma source(%dma_start3A_402 : memref<1000000x64xf32, #tpu.memory_space<hbm>>) target(%dma_start3A_396 : memref<512x64xf32, #tpu.memory_space<vmem>>) offsets(%dma_start3A_399 : memref<512xi32, #tpu.memory_space<vmem>>) semaphore(%arg8 : memref<!tpu.dma_semaphore, #tpu.memory_space<semaphore_mem>>)
      } else {
      }
      %dma_wait3A_271 = arith.constant 1 : i32
      %dma_wait3A_272 = arith.constant 1 : i32
      %dma_wait3A_273 = arith.constant 0 : i32
      %dma_wait3A_274 = arith.constant 0 : i32
      %dma_wait3A_275 = tpu.memref_slice %arg6[%dma_wait3A_272, %dma_wait3A_273, %dma_wait3A_274] : memref<2x512x64xf32, #tpu.memory_space<vmem>> -> memref<1x512x64xf32, #tpu.memory_space<vmem>>
      %dma_wait3A_276 = tpu.memref_squeeze %dma_wait3A_275 : memref<1x512x64xf32, #tpu.memory_space<vmem>> -> memref<512x64xf32, #tpu.memory_space<vmem>>
      %dma_wait3A_277 = arith.constant 0 : i32
      %dma_wait3A_278 = tpu.memref_slice %arg5[%dma_wait3A_271, %dma_wait3A_277] : memref<2x512xi32, #tpu.memory_space<vmem>> -> memref<1x512xi32, #tpu.memory_space<vmem>>
      %dma_wait3A_279 = tpu.memref_squeeze %dma_wait3A_278 : memref<1x512xi32, #tpu.memory_space<vmem>> -> memref<512xi32, #tpu.memory_space<vmem>>
      %dma_wait3A_280 = arith.constant 0 : i32
      %dma_wait3A_281 = arith.constant 0 : i32
      %dma_wait3A_282 = tpu.memref_slice %arg2[%dma_wait3A_280, %dma_wait3A_281] : memref<1000000x64xf32, #tpu.memory_space<hbm>> -> memref<1000000x64xf32, #tpu.memory_space<hbm>>
      tpu.wait_indirect_dma semaphore(%arg9 : memref<!tpu.dma_semaphore, #tpu.memory_space<semaphore_mem>>) src(%dma_wait3A_282 : memref<1000000x64xf32, #tpu.memory_space<hbm>>) dst(%dma_wait3A_276 : memref<512x64xf32, #tpu.memory_space<vmem>>)
      %ge3A_283 = arith.constant 1 : i32
      %ge3A_284 = arith.cmpi sge, %add3A_266, %ge3A_283 : i32
      %convert_element_type3A_285 = arith.extui %ge3A_284 : i1 to i32
      %cond3A_286 = arith.constant 0 : i32
      %cond3A_287 = arith.cmpi ne, %convert_element_type3A_285, %cond3A_286 : i32
      scf.if %cond3A_287 {
        %mul3A_384 = arith.constant 512 : i32
        %mul3A_385 = arith.muli %add3A_266, %mul3A_384 : i32
        %add3A_386 = arith.addi %mul3A_2, %mul3A_385 : i32
        %shift_right_logical3A_387 = arith.constant 12 : i32
        %shift_right_logical3A_388 = arith.shrui %add3A_386, %shift_right_logical3A_387 : i32
        %and3A_389 = arith.constant 4095 : i32
        %and3A_390 = arith.andi %add3A_386, %and3A_389 : i32
        %shift_right_logical3A_391 = arith.constant 7 : i32
        %shift_right_logical3A_392 = arith.shrui %and3A_390, %shift_right_logical3A_391 : i32
        %add3A_393 = arith.constant 0 : i32
        %add3A_394 = arith.addi %shift_right_logical3A_392, %add3A_393 : i32
        %add3A_395 = arith.constant 1 : i32
        %add3A_396 = arith.addi %shift_right_logical3A_392, %add3A_395 : i32
        %add3A_397 = arith.constant 2 : i32
        %add3A_398 = arith.addi %shift_right_logical3A_392, %add3A_397 : i32
        %add3A_399 = arith.constant 3 : i32
        %add3A_400 = arith.addi %shift_right_logical3A_392, %add3A_399 : i32
        %dma_wait3A_401 = arith.constant 0 : i32
        %dma_wait3A_402 = arith.constant 0 : i32
        %dma_wait3A_403 = arith.constant 0 : i32
        %dma_wait3A_404 = tpu.memref_slice %arg7[%dma_wait3A_401, %dma_wait3A_402, %dma_wait3A_403] : memref<8x8x513xf32, #tpu.memory_space<vmem>> -> memref<8x8x128xf32, #tpu.memory_space<vmem>>
        %dma_wait3A_405 = arith.constant 0 : i32
        %dma_wait3A_406 = arith.constant 0 : i32
        %dma_wait3A_407 = arith.constant 0 : i32
        %dma_wait3A_408 = tpu.memref_slice %arg4[%shift_right_logical3A_388, %dma_wait3A_405, %add3A_394, %dma_wait3A_406, %dma_wait3A_407] : memref<200x8x32x8x128xf32, #tpu.memory_space<hbm>> -> memref<1x8x1x8x128xf32, #tpu.memory_space<hbm>>
        %dma_wait3A_409 = tpu.memref_squeeze %dma_wait3A_408 : memref<1x8x1x8x128xf32, #tpu.memory_space<hbm>> -> memref<8x8x128xf32, #tpu.memory_space<hbm>>
        %dma_wait3A_410 = arith.constant 0 : i32
        %dma_wait3A_411 = arith.constant 0 : i32
        %dma_wait3A_412 = arith.constant 0 : i32
        %dma_wait3A_413 = tpu.memref_slice %arg4[%shift_right_logical3A_388, %dma_wait3A_410, %add3A_394, %dma_wait3A_411, %dma_wait3A_412] : memref<200x8x32x8x128xf32, #tpu.memory_space<hbm>> -> memref<1x8x1x8x128xf32, #tpu.memory_space<hbm>>
        %dma_wait3A_414 = tpu.memref_squeeze %dma_wait3A_413 : memref<1x8x1x8x128xf32, #tpu.memory_space<hbm>> -> memref<8x8x128xf32, #tpu.memory_space<hbm>>
        %dma_wait3A_415 = arith.constant 0 : i32
        %dma_wait3A_416 = arith.constant 0 : i32
        %dma_wait3A_417 = arith.constant 0 : i32
        %dma_wait3A_418 = tpu.memref_slice %arg7[%dma_wait3A_415, %dma_wait3A_416, %dma_wait3A_417] : memref<8x8x513xf32, #tpu.memory_space<vmem>> -> memref<8x8x128xf32, #tpu.memory_space<vmem>>
        tpu.wait_dma2 semaphore(%arg10 : memref<!tpu.dma_semaphore, #tpu.memory_space<semaphore_mem>>) src(%dma_wait3A_418 : memref<8x8x128xf32, #tpu.memory_space<vmem>>) dst(%dma_wait3A_414 : memref<8x8x128xf32, #tpu.memory_space<hbm>>)
        %dma_wait3A_419 = arith.constant 0 : i32
        %dma_wait3A_420 = arith.constant 0 : i32
        %dma_wait3A_421 = arith.constant 128 : i32
        %dma_wait3A_422 = tpu.memref_slice %arg7[%dma_wait3A_419, %dma_wait3A_420, %dma_wait3A_421] : memref<8x8x513xf32, #tpu.memory_space<vmem>> -> memref<8x8x128xf32, #tpu.memory_space<vmem>>
        %dma_wait3A_423 = arith.constant 0 : i32
        %dma_wait3A_424 = arith.constant 0 : i32
        %dma_wait3A_425 = arith.constant 0 : i32
        %dma_wait3A_426 = tpu.memref_slice %arg4[%shift_right_logical3A_388, %dma_wait3A_423, %add3A_396, %dma_wait3A_424, %dma_wait3A_425] : memref<200x8x32x8x128xf32, #tpu.memory_space<hbm>> -> memref<1x8x1x8x128xf32, #tpu.memory_space<hbm>>
        %dma_wait3A_427 = tpu.memref_squeeze %dma_wait3A_426 : memref<1x8x1x8x128xf32, #tpu.memory_space<hbm>> -> memref<8x8x128xf32, #tpu.memory_space<hbm>>
        %dma_wait3A_428 = arith.constant 0 : i32
        %dma_wait3A_429 = arith.constant 0 : i32
        %dma_wait3A_430 = arith.constant 0 : i32
        %dma_wait3A_431 = tpu.memref_slice %arg4[%shift_right_logical3A_388, %dma_wait3A_428, %add3A_396, %dma_wait3A_429, %dma_wait3A_430] : memref<200x8x32x8x128xf32, #tpu.memory_space<hbm>> -> memref<1x8x1x8x128xf32, #tpu.memory_space<hbm>>
        %dma_wait3A_432 = tpu.memref_squeeze %dma_wait3A_431 : memref<1x8x1x8x128xf32, #tpu.memory_space<hbm>> -> memref<8x8x128xf32, #tpu.memory_space<hbm>>
        %dma_wait3A_433 = arith.constant 0 : i32
        %dma_wait3A_434 = arith.constant 0 : i32
        %dma_wait3A_435 = arith.constant 128 : i32
        %dma_wait3A_436 = tpu.memref_slice %arg7[%dma_wait3A_433, %dma_wait3A_434, %dma_wait3A_435] : memref<8x8x513xf32, #tpu.memory_space<vmem>> -> memref<8x8x128xf32, #tpu.memory_space<vmem>>
        tpu.wait_dma2 semaphore(%arg10 : memref<!tpu.dma_semaphore, #tpu.memory_space<semaphore_mem>>) src(%dma_wait3A_436 : memref<8x8x128xf32, #tpu.memory_space<vmem>>) dst(%dma_wait3A_432 : memref<8x8x128xf32, #tpu.memory_space<hbm>>)
        %dma_wait3A_437 = arith.constant 0 : i32
        %dma_wait3A_438 = arith.constant 0 : i32
        %dma_wait3A_439 = arith.constant 256 : i32
        %dma_wait3A_440 = tpu.memref_slice %arg7[%dma_wait3A_437, %dma_wait3A_438, %dma_wait3A_439] : memref<8x8x513xf32, #tpu.memory_space<vmem>> -> memref<8x8x128xf32, #tpu.memory_space<vmem>>
        %dma_wait3A_441 = arith.constant 0 : i32
        %dma_wait3A_442 = arith.constant 0 : i32
        %dma_wait3A_443 = arith.constant 0 : i32
        %dma_wait3A_444 = tpu.memref_slice %arg4[%shift_right_logical3A_388, %dma_wait3A_441, %add3A_398, %dma_wait3A_442, %dma_wait3A_443] : memref<200x8x32x8x128xf32, #tpu.memory_space<hbm>> -> memref<1x8x1x8x128xf32, #tpu.memory_space<hbm>>
        %dma_wait3A_445 = tpu.memref_squeeze %dma_wait3A_444 : memref<1x8x1x8x128xf32, #tpu.memory_space<hbm>> -> memref<8x8x128xf32, #tpu.memory_space<hbm>>
        %dma_wait3A_446 = arith.constant 0 : i32
        %dma_wait3A_447 = arith.constant 0 : i32
        %dma_wait3A_448 = arith.constant 0 : i32
        %dma_wait3A_449 = tpu.memref_slice %arg4[%shift_right_logical3A_388, %dma_wait3A_446, %add3A_398, %dma_wait3A_447, %dma_wait3A_448] : memref<200x8x32x8x128xf32, #tpu.memory_space<hbm>> -> memref<1x8x1x8x128xf32, #tpu.memory_space<hbm>>
        %dma_wait3A_450 = tpu.memref_squeeze %dma_wait3A_449 : memref<1x8x1x8x128xf32, #tpu.memory_space<hbm>> -> memref<8x8x128xf32, #tpu.memory_space<hbm>>
        %dma_wait3A_451 = arith.constant 0 : i32
        %dma_wait3A_452 = arith.constant 0 : i32
        %dma_wait3A_453 = arith.constant 256 : i32
        %dma_wait3A_454 = tpu.memref_slice %arg7[%dma_wait3A_451, %dma_wait3A_452, %dma_wait3A_453] : memref<8x8x513xf32, #tpu.memory_space<vmem>> -> memref<8x8x128xf32, #tpu.memory_space<vmem>>
        tpu.wait_dma2 semaphore(%arg10 : memref<!tpu.dma_semaphore, #tpu.memory_space<semaphore_mem>>) src(%dma_wait3A_454 : memref<8x8x128xf32, #tpu.memory_space<vmem>>) dst(%dma_wait3A_450 : memref<8x8x128xf32, #tpu.memory_space<hbm>>)
        %dma_wait3A_455 = arith.constant 0 : i32
        %dma_wait3A_456 = arith.constant 0 : i32
        %dma_wait3A_457 = arith.constant 384 : i32
        %dma_wait3A_458 = tpu.memref_slice %arg7[%dma_wait3A_455, %dma_wait3A_456, %dma_wait3A_457] : memref<8x8x513xf32, #tpu.memory_space<vmem>> -> memref<8x8x128xf32, #tpu.memory_space<vmem>>
        %dma_wait3A_459 = arith.constant 0 : i32
        %dma_wait3A_460 = arith.constant 0 : i32
        %dma_wait3A_461 = arith.constant 0 : i32
        %dma_wait3A_462 = tpu.memref_slice %arg4[%shift_right_logical3A_388, %dma_wait3A_459, %add3A_400, %dma_wait3A_460, %dma_wait3A_461] : memref<200x8x32x8x128xf32, #tpu.memory_space<hbm>> -> memref<1x8x1x8x128xf32, #tpu.memory_space<hbm>>
        %dma_wait3A_463 = tpu.memref_squeeze %dma_wait3A_462 : memref<1x8x1x8x128xf32, #tpu.memory_space<hbm>> -> memref<8x8x128xf32, #tpu.memory_space<hbm>>
        %dma_wait3A_464 = arith.constant 0 : i32
        %dma_wait3A_465 = arith.constant 0 : i32
        %dma_wait3A_466 = arith.constant 0 : i32
        %dma_wait3A_467 = tpu.memref_slice %arg4[%shift_right_logical3A_388, %dma_wait3A_464, %add3A_400, %dma_wait3A_465, %dma_wait3A_466] : memref<200x8x32x8x128xf32, #tpu.memory_space<hbm>> -> memref<1x8x1x8x128xf32, #tpu.memory_space<hbm>>
        %dma_wait3A_468 = tpu.memref_squeeze %dma_wait3A_467 : memref<1x8x1x8x128xf32, #tpu.memory_space<hbm>> -> memref<8x8x128xf32, #tpu.memory_space<hbm>>
        %dma_wait3A_469 = arith.constant 0 : i32
        %dma_wait3A_470 = arith.constant 0 : i32
        %dma_wait3A_471 = arith.constant 384 : i32
        %dma_wait3A_472 = tpu.memref_slice %arg7[%dma_wait3A_469, %dma_wait3A_470, %dma_wait3A_471] : memref<8x8x513xf32, #tpu.memory_space<vmem>> -> memref<8x8x128xf32, #tpu.memory_space<vmem>>
        tpu.wait_dma2 semaphore(%arg10 : memref<!tpu.dma_semaphore, #tpu.memory_space<semaphore_mem>>) src(%dma_wait3A_472 : memref<8x8x128xf32, #tpu.memory_space<vmem>>) dst(%dma_wait3A_468 : memref<8x8x128xf32, #tpu.memory_space<hbm>>)
      } else {
      }
      %scan3A_288 = arith.constant 0 : i32
      %scan3A_289 = arith.constant 1 : i32
      %scan3A_290 = arith.constant 0 : i32
      %scan3A_291 = arith.constant 64 : i32
      %scan3A_292 = arith.addi %scan3A_290, %scan3A_291 : i32
      %scan3A_293 = arith.constant 1 : i32
      scf.for %scan3A_384 = %scan3A_290 to %scan3A_292 step %scan3A_293  : i32 {
        %mul3A_385 = arith.constant 8 : i32
        %mul3A_386 = arith.muli %scan3A_384, %mul3A_385 : i32
        %add3A_387 = arith.constant 0 : i32
        %add3A_388 = arith.addi %mul3A_386, %add3A_387 : i32
        %broadcast_in_dim3A = arith.constant 0 : i32
        %broadcast_in_dim3A_389 = vector.broadcast %broadcast_in_dim3A : i32 to vector<16xi32>
        %add3A_390 = vector.broadcast %add3A_388 : i32 to vector<16xi32>
        %add3A_391 = arith.addi %broadcast_in_dim3A_389, %add3A_390 : vector<16xi32>
        %get3A = arith.constant 0 : i32
        %get3A_392 = arith.constant 0 : i32
        %get3A_393 = tpu.memref_slice %arg6[%scan3A_289, %get3A, %get3A_392] : memref<2x512x64xf32, #tpu.memory_space<vmem>> -> memref<1x512x64xf32, #tpu.memory_space<vmem>>
        %get3A_394 = tpu.memref_squeeze %get3A_393 : memref<1x512x64xf32, #tpu.memory_space<vmem>> -> memref<512x64xf32, #tpu.memory_space<vmem>>
        %get3A_395 = arith.index_cast %add3A_388 : i32 to index
        %get3A_396 = arith.constant 0 : index
        %get3A_397 = tpu.vector_load %get3A_394[%get3A_395, %get3A_396] {strides = array<i32>} : memref<512x64xf32, #tpu.memory_space<vmem>>, vector<16xf32>,
        tpu.vector_store_idx %arg7[%shift_right_logical3A_7, %and3A_9, %add3A_391], %get3A_397 : memref<8x8x513xf32, #tpu.memory_space<vmem>>[vector<16xi32>, vector<16xi32>, vector<16xi32>], vector<16xf32>,
        %get3A_398 = arith.constant 0 : i32
        %get3A_399 = arith.constant 0 : i32
        %get3A_400 = tpu.memref_slice %arg6[%scan3A_289, %get3A_398, %get3A_399] : memref<2x512x64xf32, #tpu.memory_space<vmem>> -> memref<1x512x64xf32, #tpu.memory_space<vmem>>
        %get3A_401 = tpu.memref_squeeze %get3A_400 : memref<1x512x64xf32, #tpu.memory_space<vmem>> -> memref<512x64xf32, #tpu.memory_space<vmem>>
        %get3A_402 = arith.index_cast %add3A_388 : i32 to index
        %get3A_403 = arith.constant 16 : index
        %get3A_404 = tpu.vector_load %get3A_401[%get3A_402, %get3A_403] {strides = array<i32>} : memref<512x64xf32, #tpu.memory_space<vmem>>, vector<16xf32>,
        tpu.vector_store_idx %arg7[%shift_right_logical3A_15, %and3A_18, %add3A_391], %get3A_404 : memref<8x8x513xf32, #tpu.memory_space<vmem>>[vector<16xi32>, vector<16xi32>, vector<16xi32>], vector<16xf32>,
        %get3A_405 = arith.constant 0 : i32
        %get3A_406 = arith.constant 0 : i32
        %get3A_407 = tpu.memref_slice %arg6[%scan3A_289, %get3A_405, %get3A_406] : memref<2x512x64xf32, #tpu.memory_space<vmem>> -> memref<1x512x64xf32, #tpu.memory_space<vmem>>
        %get3A_408 = tpu.memref_squeeze %get3A_407 : memref<1x512x64xf32, #tpu.memory_space<vmem>> -> memref<512x64xf32, #tpu.memory_space<vmem>>
        %get3A_409 = arith.index_cast %add3A_388 : i32 to index
        %get3A_410 = arith.constant 32 : index
        %get3A_411 = tpu.vector_load %get3A_408[%get3A_409, %get3A_410] {strides = array<i32>} : memref<512x64xf32, #tpu.memory_space<vmem>>, vector<16xf32>,
        tpu.vector_store_idx %arg7[%shift_right_logical3A_24, %and3A_27, %add3A_391], %get3A_411 : memref<8x8x513xf32, #tpu.memory_space<vmem>>[vector<16xi32>, vector<16xi32>, vector<16xi32>], vector<16xf32>,
        %get3A_412 = arith.constant 0 : i32
        %get3A_413 = arith.constant 0 : i32
        %get3A_414 = tpu.memref_slice %arg6[%scan3A_289, %get3A_412, %get3A_413] : memref<2x512x64xf32, #tpu.memory_space<vmem>> -> memref<1x512x64xf32, #tpu.memory_space<vmem>>
        %get3A_415 = tpu.memref_squeeze %get3A_414 : memref<1x512x64xf32, #tpu.memory_space<vmem>> -> memref<512x64xf32, #tpu.memory_space<vmem>>
        %get3A_416 = arith.index_cast %add3A_388 : i32 to index
        %get3A_417 = arith.constant 48 : index
        %get3A_418 = tpu.vector_load %get3A_415[%get3A_416, %get3A_417] {strides = array<i32>} : memref<512x64xf32, #tpu.memory_space<vmem>>, vector<16xf32>,
        tpu.vector_store_idx %arg7[%shift_right_logical3A_33, %and3A_36, %add3A_391], %get3A_418 : memref<8x8x513xf32, #tpu.memory_space<vmem>>[vector<16xi32>, vector<16xi32>, vector<16xi32>], vector<16xf32>,
        %mul3A_419 = arith.constant 8 : i32
        %mul3A_420 = arith.muli %scan3A_384, %mul3A_419 : i32
        %add3A_421 = arith.constant 1 : i32
        %add3A_422 = arith.addi %mul3A_420, %add3A_421 : i32
        %broadcast_in_dim3A_423 = arith.constant 0 : i32
        %broadcast_in_dim3A_424 = vector.broadcast %broadcast_in_dim3A_423 : i32 to vector<16xi32>
        %add3A_425 = vector.broadcast %add3A_422 : i32 to vector<16xi32>
        %add3A_426 = arith.addi %broadcast_in_dim3A_424, %add3A_425 : vector<16xi32>
        %get3A_427 = arith.constant 0 : i32
        %get3A_428 = arith.constant 0 : i32
        %get3A_429 = tpu.memref_slice %arg6[%scan3A_289, %get3A_427, %get3A_428] : memref<2x512x64xf32, #tpu.memory_space<vmem>> -> memref<1x512x64xf32, #tpu.memory_space<vmem>>
        %get3A_430 = tpu.memref_squeeze %get3A_429 : memref<1x512x64xf32, #tpu.memory_space<vmem>> -> memref<512x64xf32, #tpu.memory_space<vmem>>
        %get3A_431 = arith.index_cast %add3A_422 : i32 to index
        %get3A_432 = arith.constant 0 : index
        %get3A_433 = tpu.vector_load %get3A_430[%get3A_431, %get3A_432] {strides = array<i32>} : memref<512x64xf32, #tpu.memory_space<vmem>>, vector<16xf32>,
        tpu.vector_store_idx %arg7[%shift_right_logical3A_7, %and3A_9, %add3A_426], %get3A_433 : memref<8x8x513xf32, #tpu.memory_space<vmem>>[vector<16xi32>, vector<16xi32>, vector<16xi32>], vector<16xf32>,
        %get3A_434 = arith.constant 0 : i32
        %get3A_435 = arith.constant 0 : i32
        %get3A_436 = tpu.memref_slice %arg6[%scan3A_289, %get3A_434, %get3A_435] : memref<2x512x64xf32, #tpu.memory_space<vmem>> -> memref<1x512x64xf32, #tpu.memory_space<vmem>>
        %get3A_437 = tpu.memref_squeeze %get3A_436 : memref<1x512x64xf32, #tpu.memory_space<vmem>> -> memref<512x64xf32, #tpu.memory_space<vmem>>
        %get3A_438 = arith.index_cast %add3A_422 : i32 to index
        %get3A_439 = arith.constant 16 : index
        %get3A_440 = tpu.vector_load %get3A_437[%get3A_438, %get3A_439] {strides = array<i32>} : memref<512x64xf32, #tpu.memory_space<vmem>>, vector<16xf32>,
        tpu.vector_store_idx %arg7[%shift_right_logical3A_15, %and3A_18, %add3A_426], %get3A_440 : memref<8x8x513xf32, #tpu.memory_space<vmem>>[vector<16xi32>, vector<16xi32>, vector<16xi32>], vector<16xf32>,
        %get3A_441 = arith.constant 0 : i32
        %get3A_442 = arith.constant 0 : i32
        %get3A_443 = tpu.memref_slice %arg6[%scan3A_289, %get3A_441, %get3A_442] : memref<2x512x64xf32, #tpu.memory_space<vmem>> -> memref<1x512x64xf32, #tpu.memory_space<vmem>>
        %get3A_444 = tpu.memref_squeeze %get3A_443 : memref<1x512x64xf32, #tpu.memory_space<vmem>> -> memref<512x64xf32, #tpu.memory_space<vmem>>
        %get3A_445 = arith.index_cast %add3A_422 : i32 to index
        %get3A_446 = arith.constant 32 : index
        %get3A_447 = tpu.vector_load %get3A_444[%get3A_445, %get3A_446] {strides = array<i32>} : memref<512x64xf32, #tpu.memory_space<vmem>>, vector<16xf32>,
        tpu.vector_store_idx %arg7[%shift_right_logical3A_24, %and3A_27, %add3A_426], %get3A_447 : memref<8x8x513xf32, #tpu.memory_space<vmem>>[vector<16xi32>, vector<16xi32>, vector<16xi32>], vector<16xf32>,
        %get3A_448 = arith.constant 0 : i32
        %get3A_449 = arith.constant 0 : i32
        %get3A_450 = tpu.memref_slice %arg6[%scan3A_289, %get3A_448, %get3A_449] : memref<2x512x64xf32, #tpu.memory_space<vmem>> -> memref<1x512x64xf32, #tpu.memory_space<vmem>>
        %get3A_451 = tpu.memref_squeeze %get3A_450 : memref<1x512x64xf32, #tpu.memory_space<vmem>> -> memref<512x64xf32, #tpu.memory_space<vmem>>
        %get3A_452 = arith.index_cast %add3A_422 : i32 to index
        %get3A_453 = arith.constant 48 : index
        %get3A_454 = tpu.vector_load %get3A_451[%get3A_452, %get3A_453] {strides = array<i32>} : memref<512x64xf32, #tpu.memory_space<vmem>>, vector<16xf32>,
        tpu.vector_store_idx %arg7[%shift_right_logical3A_33, %and3A_36, %add3A_426], %get3A_454 : memref<8x8x513xf32, #tpu.memory_space<vmem>>[vector<16xi32>, vector<16xi32>, vector<16xi32>], vector<16xf32>,
        %mul3A_455 = arith.constant 8 : i32
        %mul3A_456 = arith.muli %scan3A_384, %mul3A_455 : i32
        %add3A_457 = arith.constant 2 : i32
        %add3A_458 = arith.addi %mul3A_456, %add3A_457 : i32
        %broadcast_in_dim3A_459 = arith.constant 0 : i32
        %broadcast_in_dim3A_460 = vector.broadcast %broadcast_in_dim3A_459 : i32 to vector<16xi32>
        %add3A_461 = vector.broadcast %add3A_458 : i32 to vector<16xi32>
        %add3A_462 = arith.addi %broadcast_in_dim3A_460, %add3A_461 : vector<16xi32>
        %get3A_463 = arith.constant 0 : i32
        %get3A_464 = arith.constant 0 : i32
        %get3A_465 = tpu.memref_slice %arg6[%scan3A_289, %get3A_463, %get3A_464] : memref<2x512x64xf32, #tpu.memory_space<vmem>> -> memref<1x512x64xf32, #tpu.memory_space<vmem>>
        %get3A_466 = tpu.memref_squeeze %get3A_465 : memref<1x512x64xf32, #tpu.memory_space<vmem>> -> memref<512x64xf32, #tpu.memory_space<vmem>>
        %get3A_467 = arith.index_cast %add3A_458 : i32 to index
        %get3A_468 = arith.constant 0 : index
        %get3A_469 = tpu.vector_load %get3A_466[%get3A_467, %get3A_468] {strides = array<i32>} : memref<512x64xf32, #tpu.memory_space<vmem>>, vector<16xf32>,
        tpu.vector_store_idx %arg7[%shift_right_logical3A_7, %and3A_9, %add3A_462], %get3A_469 : memref<8x8x513xf32, #tpu.memory_space<vmem>>[vector<16xi32>, vector<16xi32>, vector<16xi32>], vector<16xf32>,
        %get3A_470 = arith.constant 0 : i32
        %get3A_471 = arith.constant 0 : i32
        %get3A_472 = tpu.memref_slice %arg6[%scan3A_289, %get3A_470, %get3A_471] : memref<2x512x64xf32, #tpu.memory_space<vmem>> -> memref<1x512x64xf32, #tpu.memory_space<vmem>>
        %get3A_473 = tpu.memref_squeeze %get3A_472 : memref<1x512x64xf32, #tpu.memory_space<vmem>> -> memref<512x64xf32, #tpu.memory_space<vmem>>
        %get3A_474 = arith.index_cast %add3A_458 : i32 to index
        %get3A_475 = arith.constant 16 : index
        %get3A_476 = tpu.vector_load %get3A_473[%get3A_474, %get3A_475] {strides = array<i32>} : memref<512x64xf32, #tpu.memory_space<vmem>>, vector<16xf32>,
        tpu.vector_store_idx %arg7[%shift_right_logical3A_15, %and3A_18, %add3A_462], %get3A_476 : memref<8x8x513xf32, #tpu.memory_space<vmem>>[vector<16xi32>, vector<16xi32>, vector<16xi32>], vector<16xf32>,
        %get3A_477 = arith.constant 0 : i32
        %get3A_478 = arith.constant 0 : i32
        %get3A_479 = tpu.memref_slice %arg6[%scan3A_289, %get3A_477, %get3A_478] : memref<2x512x64xf32, #tpu.memory_space<vmem>> -> memref<1x512x64xf32, #tpu.memory_space<vmem>>
        %get3A_480 = tpu.memref_squeeze %get3A_479 : memref<1x512x64xf32, #tpu.memory_space<vmem>> -> memref<512x64xf32, #tpu.memory_space<vmem>>
        %get3A_481 = arith.index_cast %add3A_458 : i32 to index
        %get3A_482 = arith.constant 32 : index
        %get3A_483 = tpu.vector_load %get3A_480[%get3A_481, %get3A_482] {strides = array<i32>} : memref<512x64xf32, #tpu.memory_space<vmem>>, vector<16xf32>,
        tpu.vector_store_idx %arg7[%shift_right_logical3A_24, %and3A_27, %add3A_462], %get3A_483 : memref<8x8x513xf32, #tpu.memory_space<vmem>>[vector<16xi32>, vector<16xi32>, vector<16xi32>], vector<16xf32>,
        %get3A_484 = arith.constant 0 : i32
        %get3A_485 = arith.constant 0 : i32
        %get3A_486 = tpu.memref_slice %arg6[%scan3A_289, %get3A_484, %get3A_485] : memref<2x512x64xf32, #tpu.memory_space<vmem>> -> memref<1x512x64xf32, #tpu.memory_space<vmem>>
        %get3A_487 = tpu.memref_squeeze %get3A_486 : memref<1x512x64xf32, #tpu.memory_space<vmem>> -> memref<512x64xf32, #tpu.memory_space<vmem>>
        %get3A_488 = arith.index_cast %add3A_458 : i32 to index
        %get3A_489 = arith.constant 48 : index
        %get3A_490 = tpu.vector_load %get3A_487[%get3A_488, %get3A_489] {strides = array<i32>} : memref<512x64xf32, #tpu.memory_space<vmem>>, vector<16xf32>,
        tpu.vector_store_idx %arg7[%shift_right_logical3A_33, %and3A_36, %add3A_462], %get3A_490 : memref<8x8x513xf32, #tpu.memory_space<vmem>>[vector<16xi32>, vector<16xi32>, vector<16xi32>], vector<16xf32>,
        %mul3A_491 = arith.constant 8 : i32
        %mul3A_492 = arith.muli %scan3A_384, %mul3A_491 : i32
        %add3A_493 = arith.constant 3 : i32
        %add3A_494 = arith.addi %mul3A_492, %add3A_493 : i32
        %broadcast_in_dim3A_495 = arith.constant 0 : i32
        %broadcast_in_dim3A_496 = vector.broadcast %broadcast_in_dim3A_495 : i32 to vector<16xi32>
        %add3A_497 = vector.broadcast %add3A_494 : i32 to vector<16xi32>
        %add3A_498 = arith.addi %broadcast_in_dim3A_496, %add3A_497 : vector<16xi32>
        %get3A_499 = arith.constant 0 : i32
        %get3A_500 = arith.constant 0 : i32
        %get3A_501 = tpu.memref_slice %arg6[%scan3A_289, %get3A_499, %get3A_500] : memref<2x512x64xf32, #tpu.memory_space<vmem>> -> memref<1x512x64xf32, #tpu.memory_space<vmem>>
        %get3A_502 = tpu.memref_squeeze %get3A_501 : memref<1x512x64xf32, #tpu.memory_space<vmem>> -> memref<512x64xf32, #tpu.memory_space<vmem>>
        %get3A_503 = arith.index_cast %add3A_494 : i32 to index
        %get3A_504 = arith.constant 0 : index
        %get3A_505 = tpu.vector_load %get3A_502[%get3A_503, %get3A_504] {strides = array<i32>} : memref<512x64xf32, #tpu.memory_space<vmem>>, vector<16xf32>,
        tpu.vector_store_idx %arg7[%shift_right_logical3A_7, %and3A_9, %add3A_498], %get3A_505 : memref<8x8x513xf32, #tpu.memory_space<vmem>>[vector<16xi32>, vector<16xi32>, vector<16xi32>], vector<16xf32>,
        %get3A_506 = arith.constant 0 : i32
        %get3A_507 = arith.constant 0 : i32
        %get3A_508 = tpu.memref_slice %arg6[%scan3A_289, %get3A_506, %get3A_507] : memref<2x512x64xf32, #tpu.memory_space<vmem>> -> memref<1x512x64xf32, #tpu.memory_space<vmem>>
        %get3A_509 = tpu.memref_squeeze %get3A_508 : memref<1x512x64xf32, #tpu.memory_space<vmem>> -> memref<512x64xf32, #tpu.memory_space<vmem>>
        %get3A_510 = arith.index_cast %add3A_494 : i32 to index
        %get3A_511 = arith.constant 16 : index
        %get3A_512 = tpu.vector_load %get3A_509[%get3A_510, %get3A_511] {strides = array<i32>} : memref<512x64xf32, #tpu.memory_space<vmem>>, vector<16xf32>,
        tpu.vector_store_idx %arg7[%shift_right_logical3A_15, %and3A_18, %add3A_498], %get3A_512 : memref<8x8x513xf32, #tpu.memory_space<vmem>>[vector<16xi32>, vector<16xi32>, vector<16xi32>], vector<16xf32>,
        %get3A_513 = arith.constant 0 : i32
        %get3A_514 = arith.constant 0 : i32
        %get3A_515 = tpu.memref_slice %arg6[%scan3A_289, %get3A_513, %get3A_514] : memref<2x512x64xf32, #tpu.memory_space<vmem>> -> memref<1x512x64xf32, #tpu.memory_space<vmem>>
        %get3A_516 = tpu.memref_squeeze %get3A_515 : memref<1x512x64xf32, #tpu.memory_space<vmem>> -> memref<512x64xf32, #tpu.memory_space<vmem>>
        %get3A_517 = arith.index_cast %add3A_494 : i32 to index
        %get3A_518 = arith.constant 32 : index
        %get3A_519 = tpu.vector_load %get3A_516[%get3A_517, %get3A_518] {strides = array<i32>} : memref<512x64xf32, #tpu.memory_space<vmem>>, vector<16xf32>,
        tpu.vector_store_idx %arg7[%shift_right_logical3A_24, %and3A_27, %add3A_498], %get3A_519 : memref<8x8x513xf32, #tpu.memory_space<vmem>>[vector<16xi32>, vector<16xi32>, vector<16xi32>], vector<16xf32>,
        %get3A_520 = arith.constant 0 : i32
        %get3A_521 = arith.constant 0 : i32
        %get3A_522 = tpu.memref_slice %arg6[%scan3A_289, %get3A_520, %get3A_521] : memref<2x512x64xf32, #tpu.memory_space<vmem>> -> memref<1x512x64xf32, #tpu.memory_space<vmem>>
        %get3A_523 = tpu.memref_squeeze %get3A_522 : memref<1x512x64xf32, #tpu.memory_space<vmem>> -> memref<512x64xf32, #tpu.memory_space<vmem>>
        %get3A_524 = arith.index_cast %add3A_494 : i32 to index
        %get3A_525 = arith.constant 48 : index
        %get3A_526 = tpu.vector_load %get3A_523[%get3A_524, %get3A_525] {strides = array<i32>} : memref<512x64xf32, #tpu.memory_space<vmem>>, vector<16xf32>,
        tpu.vector_store_idx %arg7[%shift_right_logical3A_33, %and3A_36, %add3A_498], %get3A_526 : memref<8x8x513xf32, #tpu.memory_space<vmem>>[vector<16xi32>, vector<16xi32>, vector<16xi32>], vector<16xf32>,
        %mul3A_527 = arith.constant 8 : i32
        %mul3A_528 = arith.muli %scan3A_384, %mul3A_527 : i32
        %add3A_529 = arith.constant 4 : i32
        %add3A_530 = arith.addi %mul3A_528, %add3A_529 : i32
        %broadcast_in_dim3A_531 = arith.constant 0 : i32
        %broadcast_in_dim3A_532 = vector.broadcast %broadcast_in_dim3A_531 : i32 to vector<16xi32>
        %add3A_533 = vector.broadcast %add3A_530 : i32 to vector<16xi32>
        %add3A_534 = arith.addi %broadcast_in_dim3A_532, %add3A_533 : vector<16xi32>
        %get3A_535 = arith.constant 0 : i32
        %get3A_536 = arith.constant 0 : i32
        %get3A_537 = tpu.memref_slice %arg6[%scan3A_289, %get3A_535, %get3A_536] : memref<2x512x64xf32, #tpu.memory_space<vmem>> -> memref<1x512x64xf32, #tpu.memory_space<vmem>>
        %get3A_538 = tpu.memref_squeeze %get3A_537 : memref<1x512x64xf32, #tpu.memory_space<vmem>> -> memref<512x64xf32, #tpu.memory_space<vmem>>
        %get3A_539 = arith.index_cast %add3A_530 : i32 to index
        %get3A_540 = arith.constant 0 : index
        %get3A_541 = tpu.vector_load %get3A_538[%get3A_539, %get3A_540] {strides = array<i32>} : memref<512x64xf32, #tpu.memory_space<vmem>>, vector<16xf32>,
        tpu.vector_store_idx %arg7[%shift_right_logical3A_7, %and3A_9, %add3A_534], %get3A_541 : memref<8x8x513xf32, #tpu.memory_space<vmem>>[vector<16xi32>, vector<16xi32>, vector<16xi32>], vector<16xf32>,
        %get3A_542 = arith.constant 0 : i32
        %get3A_543 = arith.constant 0 : i32
        %get3A_544 = tpu.memref_slice %arg6[%scan3A_289, %get3A_542, %get3A_543] : memref<2x512x64xf32, #tpu.memory_space<vmem>> -> memref<1x512x64xf32, #tpu.memory_space<vmem>>
        %get3A_545 = tpu.memref_squeeze %get3A_544 : memref<1x512x64xf32, #tpu.memory_space<vmem>> -> memref<512x64xf32, #tpu.memory_space<vmem>>
        %get3A_546 = arith.index_cast %add3A_530 : i32 to index
        %get3A_547 = arith.constant 16 : index
        %get3A_548 = tpu.vector_load %get3A_545[%get3A_546, %get3A_547] {strides = array<i32>} : memref<512x64xf32, #tpu.memory_space<vmem>>, vector<16xf32>,
        tpu.vector_store_idx %arg7[%shift_right_logical3A_15, %and3A_18, %add3A_534], %get3A_548 : memref<8x8x513xf32, #tpu.memory_space<vmem>>[vector<16xi32>, vector<16xi32>, vector<16xi32>], vector<16xf32>,
        %get3A_549 = arith.constant 0 : i32
        %get3A_550 = arith.constant 0 : i32
        %get3A_551 = tpu.memref_slice %arg6[%scan3A_289, %get3A_549, %get3A_550] : memref<2x512x64xf32, #tpu.memory_space<vmem>> -> memref<1x512x64xf32, #tpu.memory_space<vmem>>
        %get3A_552 = tpu.memref_squeeze %get3A_551 : memref<1x512x64xf32, #tpu.memory_space<vmem>> -> memref<512x64xf32, #tpu.memory_space<vmem>>
        %get3A_553 = arith.index_cast %add3A_530 : i32 to index
        %get3A_554 = arith.constant 32 : index
        %get3A_555 = tpu.vector_load %get3A_552[%get3A_553, %get3A_554] {strides = array<i32>} : memref<512x64xf32, #tpu.memory_space<vmem>>, vector<16xf32>,
        tpu.vector_store_idx %arg7[%shift_right_logical3A_24, %and3A_27, %add3A_534], %get3A_555 : memref<8x8x513xf32, #tpu.memory_space<vmem>>[vector<16xi32>, vector<16xi32>, vector<16xi32>], vector<16xf32>,
        %get3A_556 = arith.constant 0 : i32
        %get3A_557 = arith.constant 0 : i32
        %get3A_558 = tpu.memref_slice %arg6[%scan3A_289, %get3A_556, %get3A_557] : memref<2x512x64xf32, #tpu.memory_space<vmem>> -> memref<1x512x64xf32, #tpu.memory_space<vmem>>
        %get3A_559 = tpu.memref_squeeze %get3A_558 : memref<1x512x64xf32, #tpu.memory_space<vmem>> -> memref<512x64xf32, #tpu.memory_space<vmem>>
        %get3A_560 = arith.index_cast %add3A_530 : i32 to index
        %get3A_561 = arith.constant 48 : index
        %get3A_562 = tpu.vector_load %get3A_559[%get3A_560, %get3A_561] {strides = array<i32>} : memref<512x64xf32, #tpu.memory_space<vmem>>, vector<16xf32>,
        tpu.vector_store_idx %arg7[%shift_right_logical3A_33, %and3A_36, %add3A_534], %get3A_562 : memref<8x8x513xf32, #tpu.memory_space<vmem>>[vector<16xi32>, vector<16xi32>, vector<16xi32>], vector<16xf32>,
        %mul3A_563 = arith.constant 8 : i32
        %mul3A_564 = arith.muli %scan3A_384, %mul3A_563 : i32
        %add3A_565 = arith.constant 5 : i32
        %add3A_566 = arith.addi %mul3A_564, %add3A_565 : i32
        %broadcast_in_dim3A_567 = arith.constant 0 : i32
        %broadcast_in_dim3A_568 = vector.broadcast %broadcast_in_dim3A_567 : i32 to vector<16xi32>
        %add3A_569 = vector.broadcast %add3A_566 : i32 to vector<16xi32>
        %add3A_570 = arith.addi %broadcast_in_dim3A_568, %add3A_569 : vector<16xi32>
        %get3A_571 = arith.constant 0 : i32
        %get3A_572 = arith.constant 0 : i32
        %get3A_573 = tpu.memref_slice %arg6[%scan3A_289, %get3A_571, %get3A_572] : memref<2x512x64xf32, #tpu.memory_space<vmem>> -> memref<1x512x64xf32, #tpu.memory_space<vmem>>
        %get3A_574 = tpu.memref_squeeze %get3A_573 : memref<1x512x64xf32, #tpu.memory_space<vmem>> -> memref<512x64xf32, #tpu.memory_space<vmem>>
        %get3A_575 = arith.index_cast %add3A_566 : i32 to index
        %get3A_576 = arith.constant 0 : index
        %get3A_577 = tpu.vector_load %get3A_574[%get3A_575, %get3A_576] {strides = array<i32>} : memref<512x64xf32, #tpu.memory_space<vmem>>, vector<16xf32>,
        tpu.vector_store_idx %arg7[%shift_right_logical3A_7, %and3A_9, %add3A_570], %get3A_577 : memref<8x8x513xf32, #tpu.memory_space<vmem>>[vector<16xi32>, vector<16xi32>, vector<16xi32>], vector<16xf32>,
        %get3A_578 = arith.constant 0 : i32
        %get3A_579 = arith.constant 0 : i32
        %get3A_580 = tpu.memref_slice %arg6[%scan3A_289, %get3A_578, %get3A_579] : memref<2x512x64xf32, #tpu.memory_space<vmem>> -> memref<1x512x64xf32, #tpu.memory_space<vmem>>
        %get3A_581 = tpu.memref_squeeze %get3A_580 : memref<1x512x64xf32, #tpu.memory_space<vmem>> -> memref<512x64xf32, #tpu.memory_space<vmem>>
        %get3A_582 = arith.index_cast %add3A_566 : i32 to index
        %get3A_583 = arith.constant 16 : index
        %get3A_584 = tpu.vector_load %get3A_581[%get3A_582, %get3A_583] {strides = array<i32>} : memref<512x64xf32, #tpu.memory_space<vmem>>, vector<16xf32>,
        tpu.vector_store_idx %arg7[%shift_right_logical3A_15, %and3A_18, %add3A_570], %get3A_584 : memref<8x8x513xf32, #tpu.memory_space<vmem>>[vector<16xi32>, vector<16xi32>, vector<16xi32>], vector<16xf32>,
        %get3A_585 = arith.constant 0 : i32
        %get3A_586 = arith.constant 0 : i32
        %get3A_587 = tpu.memref_slice %arg6[%scan3A_289, %get3A_585, %get3A_586] : memref<2x512x64xf32, #tpu.memory_space<vmem>> -> memref<1x512x64xf32, #tpu.memory_space<vmem>>
        %get3A_588 = tpu.memref_squeeze %get3A_587 : memref<1x512x64xf32, #tpu.memory_space<vmem>> -> memref<512x64xf32, #tpu.memory_space<vmem>>
        %get3A_589 = arith.index_cast %add3A_566 : i32 to index
        %get3A_590 = arith.constant 32 : index
        %get3A_591 = tpu.vector_load %get3A_588[%get3A_589, %get3A_590] {strides = array<i32>} : memref<512x64xf32, #tpu.memory_space<vmem>>, vector<16xf32>,
        tpu.vector_store_idx %arg7[%shift_right_logical3A_24, %and3A_27, %add3A_570], %get3A_591 : memref<8x8x513xf32, #tpu.memory_space<vmem>>[vector<16xi32>, vector<16xi32>, vector<16xi32>], vector<16xf32>,
        %get3A_592 = arith.constant 0 : i32
        %get3A_593 = arith.constant 0 : i32
        %get3A_594 = tpu.memref_slice %arg6[%scan3A_289, %get3A_592, %get3A_593] : memref<2x512x64xf32, #tpu.memory_space<vmem>> -> memref<1x512x64xf32, #tpu.memory_space<vmem>>
        %get3A_595 = tpu.memref_squeeze %get3A_594 : memref<1x512x64xf32, #tpu.memory_space<vmem>> -> memref<512x64xf32, #tpu.memory_space<vmem>>
        %get3A_596 = arith.index_cast %add3A_566 : i32 to index
        %get3A_597 = arith.constant 48 : index
        %get3A_598 = tpu.vector_load %get3A_595[%get3A_596, %get3A_597] {strides = array<i32>} : memref<512x64xf32, #tpu.memory_space<vmem>>, vector<16xf32>,
        tpu.vector_store_idx %arg7[%shift_right_logical3A_33, %and3A_36, %add3A_570], %get3A_598 : memref<8x8x513xf32, #tpu.memory_space<vmem>>[vector<16xi32>, vector<16xi32>, vector<16xi32>], vector<16xf32>,
        %mul3A_599 = arith.constant 8 : i32
        %mul3A_600 = arith.muli %scan3A_384, %mul3A_599 : i32
        %add3A_601 = arith.constant 6 : i32
        %add3A_602 = arith.addi %mul3A_600, %add3A_601 : i32
        %broadcast_in_dim3A_603 = arith.constant 0 : i32
        %broadcast_in_dim3A_604 = vector.broadcast %broadcast_in_dim3A_603 : i32 to vector<16xi32>
        %add3A_605 = vector.broadcast %add3A_602 : i32 to vector<16xi32>
        %add3A_606 = arith.addi %broadcast_in_dim3A_604, %add3A_605 : vector<16xi32>
        %get3A_607 = arith.constant 0 : i32
        %get3A_608 = arith.constant 0 : i32
        %get3A_609 = tpu.memref_slice %arg6[%scan3A_289, %get3A_607, %get3A_608] : memref<2x512x64xf32, #tpu.memory_space<vmem>> -> memref<1x512x64xf32, #tpu.memory_space<vmem>>
        %get3A_610 = tpu.memref_squeeze %get3A_609 : memref<1x512x64xf32, #tpu.memory_space<vmem>> -> memref<512x64xf32, #tpu.memory_space<vmem>>
        %get3A_611 = arith.index_cast %add3A_602 : i32 to index
        %get3A_612 = arith.constant 0 : index
        %get3A_613 = tpu.vector_load %get3A_610[%get3A_611, %get3A_612] {strides = array<i32>} : memref<512x64xf32, #tpu.memory_space<vmem>>, vector<16xf32>,
        tpu.vector_store_idx %arg7[%shift_right_logical3A_7, %and3A_9, %add3A_606], %get3A_613 : memref<8x8x513xf32, #tpu.memory_space<vmem>>[vector<16xi32>, vector<16xi32>, vector<16xi32>], vector<16xf32>,
        %get3A_614 = arith.constant 0 : i32
        %get3A_615 = arith.constant 0 : i32
        %get3A_616 = tpu.memref_slice %arg6[%scan3A_289, %get3A_614, %get3A_615] : memref<2x512x64xf32, #tpu.memory_space<vmem>> -> memref<1x512x64xf32, #tpu.memory_space<vmem>>
        %get3A_617 = tpu.memref_squeeze %get3A_616 : memref<1x512x64xf32, #tpu.memory_space<vmem>> -> memref<512x64xf32, #tpu.memory_space<vmem>>
        %get3A_618 = arith.index_cast %add3A_602 : i32 to index
        %get3A_619 = arith.constant 16 : index
        %get3A_620 = tpu.vector_load %get3A_617[%get3A_618, %get3A_619] {strides = array<i32>} : memref<512x64xf32, #tpu.memory_space<vmem>>, vector<16xf32>,
        tpu.vector_store_idx %arg7[%shift_right_logical3A_15, %and3A_18, %add3A_606], %get3A_620 : memref<8x8x513xf32, #tpu.memory_space<vmem>>[vector<16xi32>, vector<16xi32>, vector<16xi32>], vector<16xf32>,
        %get3A_621 = arith.constant 0 : i32
        %get3A_622 = arith.constant 0 : i32
        %get3A_623 = tpu.memref_slice %arg6[%scan3A_289, %get3A_621, %get3A_622] : memref<2x512x64xf32, #tpu.memory_space<vmem>> -> memref<1x512x64xf32, #tpu.memory_space<vmem>>
        %get3A_624 = tpu.memref_squeeze %get3A_623 : memref<1x512x64xf32, #tpu.memory_space<vmem>> -> memref<512x64xf32, #tpu.memory_space<vmem>>
        %get3A_625 = arith.index_cast %add3A_602 : i32 to index
        %get3A_626 = arith.constant 32 : index
        %get3A_627 = tpu.vector_load %get3A_624[%get3A_625, %get3A_626] {strides = array<i32>} : memref<512x64xf32, #tpu.memory_space<vmem>>, vector<16xf32>,
        tpu.vector_store_idx %arg7[%shift_right_logical3A_24, %and3A_27, %add3A_606], %get3A_627 : memref<8x8x513xf32, #tpu.memory_space<vmem>>[vector<16xi32>, vector<16xi32>, vector<16xi32>], vector<16xf32>,
        %get3A_628 = arith.constant 0 : i32
        %get3A_629 = arith.constant 0 : i32
        %get3A_630 = tpu.memref_slice %arg6[%scan3A_289, %get3A_628, %get3A_629] : memref<2x512x64xf32, #tpu.memory_space<vmem>> -> memref<1x512x64xf32, #tpu.memory_space<vmem>>
        %get3A_631 = tpu.memref_squeeze %get3A_630 : memref<1x512x64xf32, #tpu.memory_space<vmem>> -> memref<512x64xf32, #tpu.memory_space<vmem>>
        %get3A_632 = arith.index_cast %add3A_602 : i32 to index
        %get3A_633 = arith.constant 48 : index
        %get3A_634 = tpu.vector_load %get3A_631[%get3A_632, %get3A_633] {strides = array<i32>} : memref<512x64xf32, #tpu.memory_space<vmem>>, vector<16xf32>,
        tpu.vector_store_idx %arg7[%shift_right_logical3A_33, %and3A_36, %add3A_606], %get3A_634 : memref<8x8x513xf32, #tpu.memory_space<vmem>>[vector<16xi32>, vector<16xi32>, vector<16xi32>], vector<16xf32>,
        %mul3A_635 = arith.constant 8 : i32
        %mul3A_636 = arith.muli %scan3A_384, %mul3A_635 : i32
        %add3A_637 = arith.constant 7 : i32
        %add3A_638 = arith.addi %mul3A_636, %add3A_637 : i32
        %broadcast_in_dim3A_639 = arith.constant 0 : i32
        %broadcast_in_dim3A_640 = vector.broadcast %broadcast_in_dim3A_639 : i32 to vector<16xi32>
        %add3A_641 = vector.broadcast %add3A_638 : i32 to vector<16xi32>
        %add3A_642 = arith.addi %broadcast_in_dim3A_640, %add3A_641 : vector<16xi32>
        %get3A_643 = arith.constant 0 : i32
        %get3A_644 = arith.constant 0 : i32
        %get3A_645 = tpu.memref_slice %arg6[%scan3A_289, %get3A_643, %get3A_644] : memref<2x512x64xf32, #tpu.memory_space<vmem>> -> memref<1x512x64xf32, #tpu.memory_space<vmem>>
        %get3A_646 = tpu.memref_squeeze %get3A_645 : memref<1x512x64xf32, #tpu.memory_space<vmem>> -> memref<512x64xf32, #tpu.memory_space<vmem>>
        %get3A_647 = arith.index_cast %add3A_638 : i32 to index
        %get3A_648 = arith.constant 0 : index
        %get3A_649 = tpu.vector_load %get3A_646[%get3A_647, %get3A_648] {strides = array<i32>} : memref<512x64xf32, #tpu.memory_space<vmem>>, vector<16xf32>,
        tpu.vector_store_idx %arg7[%shift_right_logical3A_7, %and3A_9, %add3A_642], %get3A_649 : memref<8x8x513xf32, #tpu.memory_space<vmem>>[vector<16xi32>, vector<16xi32>, vector<16xi32>], vector<16xf32>,
        %get3A_650 = arith.constant 0 : i32
        %get3A_651 = arith.constant 0 : i32
        %get3A_652 = tpu.memref_slice %arg6[%scan3A_289, %get3A_650, %get3A_651] : memref<2x512x64xf32, #tpu.memory_space<vmem>> -> memref<1x512x64xf32, #tpu.memory_space<vmem>>
        %get3A_653 = tpu.memref_squeeze %get3A_652 : memref<1x512x64xf32, #tpu.memory_space<vmem>> -> memref<512x64xf32, #tpu.memory_space<vmem>>
        %get3A_654 = arith.index_cast %add3A_638 : i32 to index
        %get3A_655 = arith.constant 16 : index
        %get3A_656 = tpu.vector_load %get3A_653[%get3A_654, %get3A_655] {strides = array<i32>} : memref<512x64xf32, #tpu.memory_space<vmem>>, vector<16xf32>,
        tpu.vector_store_idx %arg7[%shift_right_logical3A_15, %and3A_18, %add3A_642], %get3A_656 : memref<8x8x513xf32, #tpu.memory_space<vmem>>[vector<16xi32>, vector<16xi32>, vector<16xi32>], vector<16xf32>,
        %get3A_657 = arith.constant 0 : i32
        %get3A_658 = arith.constant 0 : i32
        %get3A_659 = tpu.memref_slice %arg6[%scan3A_289, %get3A_657, %get3A_658] : memref<2x512x64xf32, #tpu.memory_space<vmem>> -> memref<1x512x64xf32, #tpu.memory_space<vmem>>
        %get3A_660 = tpu.memref_squeeze %get3A_659 : memref<1x512x64xf32, #tpu.memory_space<vmem>> -> memref<512x64xf32, #tpu.memory_space<vmem>>
        %get3A_661 = arith.index_cast %add3A_638 : i32 to index
        %get3A_662 = arith.constant 32 : index
        %get3A_663 = tpu.vector_load %get3A_660[%get3A_661, %get3A_662] {strides = array<i32>} : memref<512x64xf32, #tpu.memory_space<vmem>>, vector<16xf32>,
        tpu.vector_store_idx %arg7[%shift_right_logical3A_24, %and3A_27, %add3A_642], %get3A_663 : memref<8x8x513xf32, #tpu.memory_space<vmem>>[vector<16xi32>, vector<16xi32>, vector<16xi32>], vector<16xf32>,
        %get3A_664 = arith.constant 0 : i32
        %get3A_665 = arith.constant 0 : i32
        %get3A_666 = tpu.memref_slice %arg6[%scan3A_289, %get3A_664, %get3A_665] : memref<2x512x64xf32, #tpu.memory_space<vmem>> -> memref<1x512x64xf32, #tpu.memory_space<vmem>>
        %get3A_667 = tpu.memref_squeeze %get3A_666 : memref<1x512x64xf32, #tpu.memory_space<vmem>> -> memref<512x64xf32, #tpu.memory_space<vmem>>
        %get3A_668 = arith.index_cast %add3A_638 : i32 to index
        %get3A_669 = arith.constant 48 : index
        %get3A_670 = tpu.vector_load %get3A_667[%get3A_668, %get3A_669] {strides = array<i32>} : memref<512x64xf32, #tpu.memory_space<vmem>>, vector<16xf32>,
        tpu.vector_store_idx %arg7[%shift_right_logical3A_33, %and3A_36, %add3A_642], %get3A_670 : memref<8x8x513xf32, #tpu.memory_space<vmem>>[vector<16xi32>, vector<16xi32>, vector<16xi32>], vector<16xf32>,
      }
      %scan3A_294 = arith.constant 64 : i32
      %mul3A_295 = arith.constant 512 : i32
      %mul3A_296 = arith.muli %add3A_266, %mul3A_295 : i32
      %add3A_297 = arith.addi %mul3A_2, %mul3A_296 : i32
      %shift_right_logical3A_298 = arith.constant 12 : i32
      %shift_right_logical3A_299 = arith.shrui %add3A_297, %shift_right_logical3A_298 : i32
      %and3A_300 = arith.constant 4095 : i32
      %and3A_301 = arith.andi %add3A_297, %and3A_300 : i32
      %shift_right_logical3A_302 = arith.constant 7 : i32
      %shift_right_logical3A_303 = arith.shrui %and3A_301, %shift_right_logical3A_302 : i32
      %add3A_304 = arith.constant 0 : i32
      %add3A_305 = arith.addi %shift_right_logical3A_303, %add3A_304 : i32
      %add3A_306 = arith.constant 1 : i32
      %add3A_307 = arith.addi %shift_right_logical3A_303, %add3A_306 : i32
      %add3A_308 = arith.constant 2 : i32
      %add3A_309 = arith.addi %shift_right_logical3A_303, %add3A_308 : i32
      %add3A_310 = arith.constant 3 : i32
      %add3A_311 = arith.addi %shift_right_logical3A_303, %add3A_310 : i32
      %dma_start3A_312 = arith.constant 0 : i32
      %dma_start3A_313 = arith.constant 0 : i32
      %dma_start3A_314 = arith.constant 0 : i32
      %dma_start3A_315 = tpu.memref_slice %arg7[%dma_start3A_312, %dma_start3A_313, %dma_start3A_314] : memref<8x8x513xf32, #tpu.memory_space<vmem>> -> memref<8x8x128xf32, #tpu.memory_space<vmem>>
      %dma_start3A_316 = arith.constant 0 : i32
      %dma_start3A_317 = arith.constant 0 : i32
      %dma_start3A_318 = arith.constant 0 : i32
      %dma_start3A_319 = tpu.memref_slice %arg4[%shift_right_logical3A_299, %dma_start3A_316, %add3A_305, %dma_start3A_317, %dma_start3A_318] : memref<200x8x32x8x128xf32, #tpu.memory_space<hbm>> -> memref<1x8x1x8x128xf32, #tpu.memory_space<hbm>>
      %dma_start3A_320 = tpu.memref_squeeze %dma_start3A_319 : memref<1x8x1x8x128xf32, #tpu.memory_space<hbm>> -> memref<8x8x128xf32, #tpu.memory_space<hbm>>
      %dma_start3A_321 = arith.constant 0 : i32
      %dma_start3A_322 = arith.constant 0 : i32
      %dma_start3A_323 = arith.constant 0 : i32
      %dma_start3A_324 = tpu.memref_slice %arg4[%shift_right_logical3A_299, %dma_start3A_321, %add3A_305, %dma_start3A_322, %dma_start3A_323] : memref<200x8x32x8x128xf32, #tpu.memory_space<hbm>> -> memref<1x8x1x8x128xf32, #tpu.memory_space<hbm>>
      %dma_start3A_325 = tpu.memref_squeeze %dma_start3A_324 : memref<1x8x1x8x128xf32, #tpu.memory_space<hbm>> -> memref<8x8x128xf32, #tpu.memory_space<hbm>>
      %dma_start3A_326 = arith.constant 0 : i32
      %dma_start3A_327 = arith.constant 0 : i32
      %dma_start3A_328 = arith.constant 0 : i32
      %dma_start3A_329 = tpu.memref_slice %arg7[%dma_start3A_326, %dma_start3A_327, %dma_start3A_328] : memref<8x8x513xf32, #tpu.memory_space<vmem>> -> memref<8x8x128xf32, #tpu.memory_space<vmem>>
      tpu.enqueue_dma source(%dma_start3A_329 : memref<8x8x128xf32, #tpu.memory_space<vmem>>) target(%dma_start3A_325 : memref<8x8x128xf32, #tpu.memory_space<hbm>>) target_semaphore(%arg10 : memref<!tpu.dma_semaphore, #tpu.memory_space<semaphore_mem>>)
      %dma_start3A_330 = arith.constant 0 : i32
      %dma_start3A_331 = arith.constant 0 : i32
      %dma_start3A_332 = arith.constant 128 : i32
      %dma_start3A_333 = tpu.memref_slice %arg7[%dma_start3A_330, %dma_start3A_331, %dma_start3A_332] : memref<8x8x513xf32, #tpu.memory_space<vmem>> -> memref<8x8x128xf32, #tpu.memory_space<vmem>>
      %dma_start3A_334 = arith.constant 0 : i32
      %dma_start3A_335 = arith.constant 0 : i32
      %dma_start3A_336 = arith.constant 0 : i32
      %dma_start3A_337 = tpu.memref_slice %arg4[%shift_right_logical3A_299, %dma_start3A_334, %add3A_307, %dma_start3A_335, %dma_start3A_336] : memref<200x8x32x8x128xf32, #tpu.memory_space<hbm>> -> memref<1x8x1x8x128xf32, #tpu.memory_space<hbm>>
      %dma_start3A_338 = tpu.memref_squeeze %dma_start3A_337 : memref<1x8x1x8x128xf32, #tpu.memory_space<hbm>> -> memref<8x8x128xf32, #tpu.memory_space<hbm>>
      %dma_start3A_339 = arith.constant 0 : i32
      %dma_start3A_340 = arith.constant 0 : i32
      %dma_start3A_341 = arith.constant 0 : i32
      %dma_start3A_342 = tpu.memref_slice %arg4[%shift_right_logical3A_299, %dma_start3A_339, %add3A_307, %dma_start3A_340, %dma_start3A_341] : memref<200x8x32x8x128xf32, #tpu.memory_space<hbm>> -> memref<1x8x1x8x128xf32, #tpu.memory_space<hbm>>
      %dma_start3A_343 = tpu.memref_squeeze %dma_start3A_342 : memref<1x8x1x8x128xf32, #tpu.memory_space<hbm>> -> memref<8x8x128xf32, #tpu.memory_space<hbm>>
      %dma_start3A_344 = arith.constant 0 : i32
      %dma_start3A_345 = arith.constant 0 : i32
      %dma_start3A_346 = arith.constant 128 : i32
      %dma_start3A_347 = tpu.memref_slice %arg7[%dma_start3A_344, %dma_start3A_345, %dma_start3A_346] : memref<8x8x513xf32, #tpu.memory_space<vmem>> -> memref<8x8x128xf32, #tpu.memory_space<vmem>>
      tpu.enqueue_dma source(%dma_start3A_347 : memref<8x8x128xf32, #tpu.memory_space<vmem>>) target(%dma_start3A_343 : memref<8x8x128xf32, #tpu.memory_space<hbm>>) target_semaphore(%arg10 : memref<!tpu.dma_semaphore, #tpu.memory_space<semaphore_mem>>)
      %dma_start3A_348 = arith.constant 0 : i32
      %dma_start3A_349 = arith.constant 0 : i32
      %dma_start3A_350 = arith.constant 256 : i32
      %dma_start3A_351 = tpu.memref_slice %arg7[%dma_start3A_348, %dma_start3A_349, %dma_start3A_350] : memref<8x8x513xf32, #tpu.memory_space<vmem>> -> memref<8x8x128xf32, #tpu.memory_space<vmem>>
      %dma_start3A_352 = arith.constant 0 : i32
      %dma_start3A_353 = arith.constant 0 : i32
      %dma_start3A_354 = arith.constant 0 : i32
      %dma_start3A_355 = tpu.memref_slice %arg4[%shift_right_logical3A_299, %dma_start3A_352, %add3A_309, %dma_start3A_353, %dma_start3A_354] : memref<200x8x32x8x128xf32, #tpu.memory_space<hbm>> -> memref<1x8x1x8x128xf32, #tpu.memory_space<hbm>>
      %dma_start3A_356 = tpu.memref_squeeze %dma_start3A_355 : memref<1x8x1x8x128xf32, #tpu.memory_space<hbm>> -> memref<8x8x128xf32, #tpu.memory_space<hbm>>
      %dma_start3A_357 = arith.constant 0 : i32
      %dma_start3A_358 = arith.constant 0 : i32
      %dma_start3A_359 = arith.constant 0 : i32
      %dma_start3A_360 = tpu.memref_slice %arg4[%shift_right_logical3A_299, %dma_start3A_357, %add3A_309, %dma_start3A_358, %dma_start3A_359] : memref<200x8x32x8x128xf32, #tpu.memory_space<hbm>> -> memref<1x8x1x8x128xf32, #tpu.memory_space<hbm>>
      %dma_start3A_361 = tpu.memref_squeeze %dma_start3A_360 : memref<1x8x1x8x128xf32, #tpu.memory_space<hbm>> -> memref<8x8x128xf32, #tpu.memory_space<hbm>>
      %dma_start3A_362 = arith.constant 0 : i32
      %dma_start3A_363 = arith.constant 0 : i32
      %dma_start3A_364 = arith.constant 256 : i32
      %dma_start3A_365 = tpu.memref_slice %arg7[%dma_start3A_362, %dma_start3A_363, %dma_start3A_364] : memref<8x8x513xf32, #tpu.memory_space<vmem>> -> memref<8x8x128xf32, #tpu.memory_space<vmem>>
      tpu.enqueue_dma source(%dma_start3A_365 : memref<8x8x128xf32, #tpu.memory_space<vmem>>) target(%dma_start3A_361 : memref<8x8x128xf32, #tpu.memory_space<hbm>>) target_semaphore(%arg10 : memref<!tpu.dma_semaphore, #tpu.memory_space<semaphore_mem>>)
      %dma_start3A_366 = arith.constant 0 : i32
      %dma_start3A_367 = arith.constant 0 : i32
      %dma_start3A_368 = arith.constant 384 : i32
      %dma_start3A_369 = tpu.memref_slice %arg7[%dma_start3A_366, %dma_start3A_367, %dma_start3A_368] : memref<8x8x513xf32, #tpu.memory_space<vmem>> -> memref<8x8x128xf32, #tpu.memory_space<vmem>>
      %dma_start3A_370 = arith.constant 0 : i32
      %dma_start3A_371 = arith.constant 0 : i32
      %dma_start3A_372 = arith.constant 0 : i32
      %dma_start3A_373 = tpu.memref_slice %arg4[%shift_right_logical3A_299, %dma_start3A_370, %add3A_311, %dma_start3A_371, %dma_start3A_372] : memref<200x8x32x8x128xf32, #tpu.memory_space<hbm>> -> memref<1x8x1x8x128xf32, #tpu.memory_space<hbm>>
      %dma_start3A_374 = tpu.memref_squeeze %dma_start3A_373 : memref<1x8x1x8x128xf32, #tpu.memory_space<hbm>> -> memref<8x8x128xf32, #tpu.memory_space<hbm>>
      %dma_start3A_375 = arith.constant 0 : i32
      %dma_start3A_376 = arith.constant 0 : i32
      %dma_start3A_377 = arith.constant 0 : i32
      %dma_start3A_378 = tpu.memref_slice %arg4[%shift_right_logical3A_299, %dma_start3A_375, %add3A_311, %dma_start3A_376, %dma_start3A_377] : memref<200x8x32x8x128xf32, #tpu.memory_space<hbm>> -> memref<1x8x1x8x128xf32, #tpu.memory_space<hbm>>
      %dma_start3A_379 = tpu.memref_squeeze %dma_start3A_378 : memref<1x8x1x8x128xf32, #tpu.memory_space<hbm>> -> memref<8x8x128xf32, #tpu.memory_space<hbm>>
      %dma_start3A_380 = arith.constant 0 : i32
      %dma_start3A_381 = arith.constant 0 : i32
      %dma_start3A_382 = arith.constant 384 : i32
      %dma_start3A_383 = tpu.memref_slice %arg7[%dma_start3A_380, %dma_start3A_381, %dma_start3A_382] : memref<8x8x513xf32, #tpu.memory_space<vmem>> -> memref<8x8x128xf32, #tpu.memory_space<vmem>>
      tpu.enqueue_dma source(%dma_start3A_383 : memref<8x8x128xf32, #tpu.memory_space<vmem>>) target(%dma_start3A_379 : memref<8x8x128xf32, #tpu.memory_space<hbm>>) target_semaphore(%arg10 : memref<!tpu.dma_semaphore, #tpu.memory_space<semaphore_mem>>)
    }
    %scan3A_54 = arith.constant 25 : i32
    %add3A_55 = arith.constant 25088 : i32
    %add3A_56 = arith.addi %mul3A_2, %add3A_55 : i32
    %shift_right_logical3A_57 = arith.constant 12 : i32
    %shift_right_logical3A_58 = arith.shrui %add3A_56, %shift_right_logical3A_57 : i32
    %and3A_59 = arith.constant 4095 : i32
    %and3A_60 = arith.andi %add3A_56, %and3A_59 : i32
    %shift_right_logical3A_61 = arith.constant 7 : i32
    %shift_right_logical3A_62 = arith.shrui %and3A_60, %shift_right_logical3A_61 : i32
    %add3A_63 = arith.constant 0 : i32
    %add3A_64 = arith.addi %shift_right_logical3A_62, %add3A_63 : i32
    %add3A_65 = arith.constant 1 : i32
    %add3A_66 = arith.addi %shift_right_logical3A_62, %add3A_65 : i32
    %add3A_67 = arith.constant 2 : i32
    %add3A_68 = arith.addi %shift_right_logical3A_62, %add3A_67 : i32
    %add3A_69 = arith.constant 3 : i32
    %add3A_70 = arith.addi %shift_right_logical3A_62, %add3A_69 : i32
    %dma_wait3A = arith.constant 0 : i32
    %dma_wait3A_71 = arith.constant 0 : i32
    %dma_wait3A_72 = arith.constant 0 : i32
    %dma_wait3A_73 = tpu.memref_slice %arg7[%dma_wait3A, %dma_wait3A_71, %dma_wait3A_72] : memref<8x8x513xf32, #tpu.memory_space<vmem>> -> memref<8x8x128xf32, #tpu.memory_space<vmem>>
    %dma_wait3A_74 = arith.constant 0 : i32
    %dma_wait3A_75 = arith.constant 0 : i32
    %dma_wait3A_76 = arith.constant 0 : i32
    %dma_wait3A_77 = tpu.memref_slice %arg4[%shift_right_logical3A_58, %dma_wait3A_74, %add3A_64, %dma_wait3A_75, %dma_wait3A_76] : memref<200x8x32x8x128xf32, #tpu.memory_space<hbm>> -> memref<1x8x1x8x128xf32, #tpu.memory_space<hbm>>
    %dma_wait3A_78 = tpu.memref_squeeze %dma_wait3A_77 : memref<1x8x1x8x128xf32, #tpu.memory_space<hbm>> -> memref<8x8x128xf32, #tpu.memory_space<hbm>>
    %dma_wait3A_79 = arith.constant 0 : i32
    %dma_wait3A_80 = arith.constant 0 : i32
    %dma_wait3A_81 = arith.constant 0 : i32
    %dma_wait3A_82 = tpu.memref_slice %arg4[%shift_right_logical3A_58, %dma_wait3A_79, %add3A_64, %dma_wait3A_80, %dma_wait3A_81] : memref<200x8x32x8x128xf32, #tpu.memory_space<hbm>> -> memref<1x8x1x8x128xf32, #tpu.memory_space<hbm>>
    %dma_wait3A_83 = tpu.memref_squeeze %dma_wait3A_82 : memref<1x8x1x8x128xf32, #tpu.memory_space<hbm>> -> memref<8x8x128xf32, #tpu.memory_space<hbm>>
    %dma_wait3A_84 = arith.constant 0 : i32
    %dma_wait3A_85 = arith.constant 0 : i32
    %dma_wait3A_86 = arith.constant 0 : i32
    %dma_wait3A_87 = tpu.memref_slice %arg7[%dma_wait3A_84, %dma_wait3A_85, %dma_wait3A_86] : memref<8x8x513xf32, #tpu.memory_space<vmem>> -> memref<8x8x128xf32, #tpu.memory_space<vmem>>
    tpu.wait_dma2 semaphore(%arg10 : memref<!tpu.dma_semaphore, #tpu.memory_space<semaphore_mem>>) src(%dma_wait3A_87 : memref<8x8x128xf32, #tpu.memory_space<vmem>>) dst(%dma_wait3A_83 : memref<8x8x128xf32, #tpu.memory_space<hbm>>)
    %dma_wait3A_88 = arith.constant 0 : i32
    %dma_wait3A_89 = arith.constant 0 : i32
    %dma_wait3A_90 = arith.constant 128 : i32
    %dma_wait3A_91 = tpu.memref_slice %arg7[%dma_wait3A_88, %dma_wait3A_89, %dma_wait3A_90] : memref<8x8x513xf32, #tpu.memory_space<vmem>> -> memref<8x8x128xf32, #tpu.memory_space<vmem>>
    %dma_wait3A_92 = arith.constant 0 : i32
    %dma_wait3A_93 = arith.constant 0 : i32
    %dma_wait3A_94 = arith.constant 0 : i32
    %dma_wait3A_95 = tpu.memref_slice %arg4[%shift_right_logical3A_58, %dma_wait3A_92, %add3A_66, %dma_wait3A_93, %dma_wait3A_94] : memref<200x8x32x8x128xf32, #tpu.memory_space<hbm>> -> memref<1x8x1x8x128xf32, #tpu.memory_space<hbm>>
    %dma_wait3A_96 = tpu.memref_squeeze %dma_wait3A_95 : memref<1x8x1x8x128xf32, #tpu.memory_space<hbm>> -> memref<8x8x128xf32, #tpu.memory_space<hbm>>
    %dma_wait3A_97 = arith.constant 0 : i32
    %dma_wait3A_98 = arith.constant 0 : i32
    %dma_wait3A_99 = arith.constant 0 : i32
    %dma_wait3A_100 = tpu.memref_slice %arg4[%shift_right_logical3A_58, %dma_wait3A_97, %add3A_66, %dma_wait3A_98, %dma_wait3A_99] : memref<200x8x32x8x128xf32, #tpu.memory_space<hbm>> -> memref<1x8x1x8x128xf32, #tpu.memory_space<hbm>>
    %dma_wait3A_101 = tpu.memref_squeeze %dma_wait3A_100 : memref<1x8x1x8x128xf32, #tpu.memory_space<hbm>> -> memref<8x8x128xf32, #tpu.memory_space<hbm>>
    %dma_wait3A_102 = arith.constant 0 : i32
    %dma_wait3A_103 = arith.constant 0 : i32
    %dma_wait3A_104 = arith.constant 128 : i32
    %dma_wait3A_105 = tpu.memref_slice %arg7[%dma_wait3A_102, %dma_wait3A_103, %dma_wait3A_104] : memref<8x8x513xf32, #tpu.memory_space<vmem>> -> memref<8x8x128xf32, #tpu.memory_space<vmem>>
    tpu.wait_dma2 semaphore(%arg10 : memref<!tpu.dma_semaphore, #tpu.memory_space<semaphore_mem>>) src(%dma_wait3A_105 : memref<8x8x128xf32, #tpu.memory_space<vmem>>) dst(%dma_wait3A_101 : memref<8x8x128xf32, #tpu.memory_space<hbm>>)
    %dma_wait3A_106 = arith.constant 0 : i32
    %dma_wait3A_107 = arith.constant 0 : i32
    %dma_wait3A_108 = arith.constant 256 : i32
    %dma_wait3A_109 = tpu.memref_slice %arg7[%dma_wait3A_106, %dma_wait3A_107, %dma_wait3A_108] : memref<8x8x513xf32, #tpu.memory_space<vmem>> -> memref<8x8x128xf32, #tpu.memory_space<vmem>>
    %dma_wait3A_110 = arith.constant 0 : i32
    %dma_wait3A_111 = arith.constant 0 : i32
    %dma_wait3A_112 = arith.constant 0 : i32
    %dma_wait3A_113 = tpu.memref_slice %arg4[%shift_right_logical3A_58, %dma_wait3A_110, %add3A_68, %dma_wait3A_111, %dma_wait3A_112] : memref<200x8x32x8x128xf32, #tpu.memory_space<hbm>> -> memref<1x8x1x8x128xf32, #tpu.memory_space<hbm>>
    %dma_wait3A_114 = tpu.memref_squeeze %dma_wait3A_113 : memref<1x8x1x8x128xf32, #tpu.memory_space<hbm>> -> memref<8x8x128xf32, #tpu.memory_space<hbm>>
    %dma_wait3A_115 = arith.constant 0 : i32
    %dma_wait3A_116 = arith.constant 0 : i32
    %dma_wait3A_117 = arith.constant 0 : i32
    %dma_wait3A_118 = tpu.memref_slice %arg4[%shift_right_logical3A_58, %dma_wait3A_115, %add3A_68, %dma_wait3A_116, %dma_wait3A_117] : memref<200x8x32x8x128xf32, #tpu.memory_space<hbm>> -> memref<1x8x1x8x128xf32, #tpu.memory_space<hbm>>
    %dma_wait3A_119 = tpu.memref_squeeze %dma_wait3A_118 : memref<1x8x1x8x128xf32, #tpu.memory_space<hbm>> -> memref<8x8x128xf32, #tpu.memory_space<hbm>>
    %dma_wait3A_120 = arith.constant 0 : i32
    %dma_wait3A_121 = arith.constant 0 : i32
    %dma_wait3A_122 = arith.constant 256 : i32
    %dma_wait3A_123 = tpu.memref_slice %arg7[%dma_wait3A_120, %dma_wait3A_121, %dma_wait3A_122] : memref<8x8x513xf32, #tpu.memory_space<vmem>> -> memref<8x8x128xf32, #tpu.memory_space<vmem>>
    tpu.wait_dma2 semaphore(%arg10 : memref<!tpu.dma_semaphore, #tpu.memory_space<semaphore_mem>>) src(%dma_wait3A_123 : memref<8x8x128xf32, #tpu.memory_space<vmem>>) dst(%dma_wait3A_119 : memref<8x8x128xf32, #tpu.memory_space<hbm>>)
    %dma_wait3A_124 = arith.constant 0 : i32
    %dma_wait3A_125 = arith.constant 0 : i32
    %dma_wait3A_126 = arith.constant 384 : i32
    %dma_wait3A_127 = tpu.memref_slice %arg7[%dma_wait3A_124, %dma_wait3A_125, %dma_wait3A_126] : memref<8x8x513xf32, #tpu.memory_space<vmem>> -> memref<8x8x128xf32, #tpu.memory_space<vmem>>
    %dma_wait3A_128 = arith.constant 0 : i32
    %dma_wait3A_129 = arith.constant 0 : i32
    %dma_wait3A_130 = arith.constant 0 : i32
    %dma_wait3A_131 = tpu.memref_slice %arg4[%shift_right_logical3A_58, %dma_wait3A_128, %add3A_70, %dma_wait3A_129, %dma_wait3A_130] : memref<200x8x32x8x128xf32, #tpu.memory_space<hbm>> -> memref<1x8x1x8x128xf32, #tpu.memory_space<hbm>>
    %dma_wait3A_132 = tpu.memref_squeeze %dma_wait3A_131 : memref<1x8x1x8x128xf32, #tpu.memory_space<hbm>> -> memref<8x8x128xf32, #tpu.memory_space<hbm>>
    %dma_wait3A_133 = arith.constant 0 : i32
    %dma_wait3A_134 = arith.constant 0 : i32
    %dma_wait3A_135 = arith.constant 0 : i32
    %dma_wait3A_136 = tpu.memref_slice %arg4[%shift_right_logical3A_58, %dma_wait3A_133, %add3A_70, %dma_wait3A_134, %dma_wait3A_135] : memref<200x8x32x8x128xf32, #tpu.memory_space<hbm>> -> memref<1x8x1x8x128xf32, #tpu.memory_space<hbm>>
    %dma_wait3A_137 = tpu.memref_squeeze %dma_wait3A_136 : memref<1x8x1x8x128xf32, #tpu.memory_space<hbm>> -> memref<8x8x128xf32, #tpu.memory_space<hbm>>
    %dma_wait3A_138 = arith.constant 0 : i32
    %dma_wait3A_139 = arith.constant 0 : i32
    %dma_wait3A_140 = arith.constant 384 : i32
    %dma_wait3A_141 = tpu.memref_slice %arg7[%dma_wait3A_138, %dma_wait3A_139, %dma_wait3A_140] : memref<8x8x513xf32, #tpu.memory_space<vmem>> -> memref<8x8x128xf32, #tpu.memory_space<vmem>>
    tpu.wait_dma2 semaphore(%arg10 : memref<!tpu.dma_semaphore, #tpu.memory_space<semaphore_mem>>) src(%dma_wait3A_141 : memref<8x8x128xf32, #tpu.memory_space<vmem>>) dst(%dma_wait3A_137 : memref<8x8x128xf32, #tpu.memory_space<hbm>>)
    return
  }
}

module attributes {stable_mosaic.version = 14 : i64} {
  func.func @body(%arg0: i32, %arg1: memref<64x16384xf32, #tpu.memory_space<vmem>>, %arg2: memref<8192x128xf32, #tpu.memory_space<vmem>>) attributes {dimension_semantics = [#tpu.dimension_semantics<arbitrary>], iteration_bounds = array<i64: 62>, scalar_prefetch = 0 : i64, scratch_operands = 0 : i64, tpu.core_type = #tpu.core_type<tc>, window_params = [{transform_indices = @transform_0, window_bounds = array<i64: 64, 16384>}, {transform_indices = @transform_1, window_bounds = array<i64: 8192, 128>}]} {
    %get3A = arith.constant 0 : index
    %get3A_0 = arith.constant 0 : index
    %get3A_1 = vector.load %arg1[%get3A, %get3A_0] : memref<64x16384xf32, #tpu.memory_space<vmem>>, vector<64x16384xf32>
    %transpose3A = tpu.transpose %get3A_1, [1, 0] : vector<64x16384xf32> -> vector<16384x64xf32>
    %lt3A = arith.constant 61 : i32
    %lt3A_2 = arith.cmpi slt, %arg0, %lt3A : i32
    %convert_element_type3A = arith.extui %lt3A_2 : i1 to i32
    %cond3A = arith.constant 0 : i32
    %cond3A_3 = arith.cmpi ne, %convert_element_type3A, %cond3A : i32
    scf.if %cond3A_3 {
      %slice3A = vector.extract_strided_slice %transpose3A {offsets = [0, 0], sizes = [8192, 64], strides = [1, 1]} : vector<16384x64xf32> to vector<8192x64xf32>
      %slice3A_8 = vector.extract_strided_slice %transpose3A {offsets = [8192, 0], sizes = [8192, 64], strides = [1, 1]} : vector<16384x64xf32> to vector<8192x64xf32>
      %concatenate3A = tpu.concatenate %slice3A, %slice3A_8 in 1 : vector<8192x64xf32>, vector<8192x64xf32> -> vector<8192x128xf32>
      %swap3A = arith.constant 0 : index
      %swap3A_9 = arith.constant 0 : index
      %swap3A_10 = vector.load %arg2[%swap3A, %swap3A_9] : memref<8192x128xf32, #tpu.memory_space<vmem>>, vector<8192x128xf32>
      tpu.vector_store %arg2[%swap3A, %swap3A_9], %concatenate3A {strides = array<i32>} : memref<8192x128xf32, #tpu.memory_space<vmem>>, vector<8192x128xf32>,
    } else {
    }
    %eq3A = arith.constant 61 : i32
    %eq3A_4 = arith.cmpi eq, %arg0, %eq3A : i32
    %convert_element_type3A_5 = arith.extui %eq3A_4 : i1 to i32
    %cond3A_6 = arith.constant 0 : i32
    %cond3A_7 = arith.cmpi ne, %convert_element_type3A_5, %cond3A_6 : i32
    scf.if %cond3A_7 {
      %slice3A = vector.extract_strided_slice %transpose3A {offsets = [0, 0], sizes = [288, 64], strides = [1, 1]} : vector<16384x64xf32> to vector<288x64xf32>
      %slice3A_8 = vector.extract_strided_slice %transpose3A {offsets = [288, 0], sizes = [288, 64], strides = [1, 1]} : vector<16384x64xf32> to vector<288x64xf32>
      %concatenate3A = tpu.concatenate %slice3A, %slice3A_8 in 1 : vector<288x64xf32>, vector<288x64xf32> -> vector<288x128xf32>
      %swap3A = arith.constant 0 : index
      %swap3A_9 = arith.constant 0 : index
      %swap3A_10 = vector.load %arg2[%swap3A, %swap3A_9] : memref<8192x128xf32, #tpu.memory_space<vmem>>, vector<288x128xf32>
      tpu.vector_store %arg2[%swap3A, %swap3A_9], %concatenate3A {strides = array<i32>} : memref<8192x128xf32, #tpu.memory_space<vmem>>, vector<288x128xf32>,
    } else {
    }
    return
  }
  func.func @transform_0(%arg0: i32) -> (i32, i32) {
    %c0_i32 = arith.constant 0 : i32
    %c0_i32_0 = arith.constant 0 : i32
    return %c0_i32, %arg0 : i32, i32
  }
  func.func @transform_1(%arg0: i32) -> (i32, i32) {
    %c0_i32 = arith.constant 0 : i32
    %c0_i32_0 = arith.constant 0 : i32
    return %arg0, %c0_i32 : i32, i32
  }
}

</mosaic_0001>

<sc_bundles>
// kernel: kernel.4.cloned.1.call-start
scs
__scs_entry_jumppad:
0x0: {  	(pc) =	sbr.rel $0x88, $3  }
0x1: {  	(tag) =	ssettag $0x0;
	lr =	simm.s32 $0x1  }
0x2: {  	[smem:$0x3F9F] =	sst lr;
	_ =	strace $0xD0000000  }
0x3: {  	_ = 	snop  }
0x4: {  	_ = 	snop  }
0x5: {  	_ = 	snop  }
0x6: {  	_ = 	snop  }
0x7: {  	_ = 	snop  }
__scs_overlays_trampoline_lowered:
0x8: {  	[smem:$0x3FAE] =	sst s0  }
0x9: {  	[smem:$0x3FAF] =	sst s1  }
0xa: {  	[smem:$0x3FB0] =	sst s2  }
0xb: {  	[smem:$0x3FB1] =	sst s3  }
0xc: {  	[smem:$0x3FB2] =	sst s4  }
0xd: {  	[smem:$0x3FB3] =	sst s5  }
0xe: {  	[smem:$0x3FB4] =	sst s6  }
0xf: {  	[smem:$0x3FB5] =	sst s7  }
0x10: {  	[smem:$0x3FB6] =	sst s8  }
0x11: {  	[smem:$0x3FB7] =	sst s9;
	s0 =	simm.s32 @!p0 $0x0  }
0x12: {  	s1 =	sld [smem:$0x3F9D];
	s0 =	simm.s32 @p0 $0x1  }
0x13: {  	[smem:$0x3FB8] =	sst s0;
	s0 =	simm.s32 @!p1 $0x0  }
0x14: {  	s2 =	sld [smem:$0x3F9C];
	s0 =	simm.s32 @p1 $0x1  }
0x15: {  	[smem:$0x3FB9] =	sst s0;
	s0 =	simm.s32 @!p2 $0x0  }
0x16: {  	s3 =	sld [smem:$0x3FDB];
	s0 =	simm.s32 @p2 $0x1  }
0x17: {  	s4 =	simm.s32 $0x1BF5;
	[smem:$0x3FBB] =	sst s0  }
0x18: {  	s0 =	sld [smem:$0x3F9E];
	_ =	swait.ge [sflag:s4], $0x0  }
0x19: {  	s7 =	sld [smem:$0x3F9F]  }
0x1a: {  	s8 =	sadd.s32 $0xFFFFE003, lr  }
0x1b: {  	s9 =	sadd.s32 $0xFFFFFEF7, lr;
	s5 =	simm.s32 $0xFFFFFFFF;
	p2 =	slt.u32 s8, $0xFFFFF086  }
0x1c: {  	p1 =	slt.u32 s9, $0xF7A;
	s5 =	simm.s32 @!p2 $0x0  }
0x1d: {  	s5 =	simm.s32 @p1 $0x1;
	p0 =	seq.s32 s7, s2  }
0x1e: {  	s7 =	smul.u32 @!p0 $0xF7A, s2;
	p2 =	seq.s32 @!p0 s5, $0x0  }
0x1f: {  	s9 =	smul.u32 $0xF7A, s1;
	s8 =	simm.s32 @!p0 $0x1BF5;
	p2 =	por !p2, p0  }
0x20: {  	[sflag:s8] =	ssyncset.s32 @!p0 $0xFFFFF086;
	s6 =	sadd.s32 @!p0 s3, s7;
	s7 =	simm.s32 @!p0 $0x108  }
0x21: {  	s3 =	sadd.s32 s3, s9;
	s6 =	sadd.s32 @!p0 $0x88, s6;
	s7 =	simm.s32 @p2 $0x1082  }
0x22: {  	[simem:s7], [sflag:s8] =	dma.local @!p0 [hbm:s6], $0xF7A  }
0x23: {  	s9 =	sor.u32 $0xD0000000, s2;
	s6 =	simm.s32 $0x108;
	_ =	swait.ge @!p0 [sflag:s8], $0x0  }
0x24: {  	s3 =	sadd.s32 $0x88, s3;
	s6 =	simm.s32 @!p1 $0x1082;
	[sflag:s4] =	ssyncset.s32 $0xFFFFF086  }
0x25: {  	[simem:s6], [sflag:s4] =	dma.local [hbm:s3], $0xF7A  }
0x26: {  	[smem:$0x3F9F] =	sst s1;
	(tag) =	ssettag s2;
	_ =	strace s9  }
0x27: {  	s1 =	sld [smem:$0x3FAF]  }
0x28: {  	s2 =	sld [smem:$0x3FB0]  }
0x29: {  	s4 =	sld [smem:$0x3FB2]  }
0x2a: {  	p0 =	seq.s32 s5, $0x0;
	s5 =	sld [smem:$0x3FB3]  }
0x2b: {  	s6 =	sld [smem:$0x3FB4]  }
0x2c: {  	s7 =	sld [smem:$0x3FB5]  }
0x2d: {  	s3 =	simm.s32 $0x108;
	s8 =	sld [smem:$0x3FB6]  }
0x2e: {  	s3 =	simm.s32 @!p0 $0x1082;
	s9 =	sld [smem:$0x3FB7]  }
0x2f: {  	lr =	sadd.s32 s0, s3;
	s0 =	sld [smem:$0x3FAE]  }
0x30: {  	s3 =	sld [smem:$0x3FB1]  }
0x31: {  	[smem:$0x3FBA] =	sst s10  }
0x32: {  	s10 =	sld [smem:$0x3FB8];
	_ =	sdelay $0x3  }
0x33: {  	p0 =	seq.s32 s10, $0x1;
	s10 =	sld [smem:$0x3FBA];
	_ =	sdelay $0x3  }
0x34: {  	[smem:$0x3FBA] =	sst s10  }
0x35: {  	s10 =	sld [smem:$0x3FB9];
	_ =	sdelay $0x3  }
0x36: {  	p1 =	seq.s32 s10, $0x1;
	s10 =	sld [smem:$0x3FBA];
	_ =	sdelay $0x3  }
0x37: {  	[smem:$0x3FBA] =	sst s10  }
0x38: {  	s10 =	sld [smem:$0x3FBB]  }
0x39: {  	_ = 	snop;
	(pc) =	sbr.ind lr, $3  }
0x3a: {  	_ = 	snop  }
0x3b: {  	_ = 	snop  }
0x3c: {  	p2 =	seq.s32 s10, $0x1;
	s10 =	sld [smem:$0x3FBA]  }
0x3d: {  	_ =	shalt  }
0x3e: {  	_ =	shalt  }
0x3f: {  	_ =	shalt  }
0x40: {  	_ =	shalt  }
0x41: {  	_ =	shalt  }
0x42: {  	_ =	shalt  }
0x43: {  	_ =	shalt  }
0x44: {  	_ =	shalt  }
0x45: {  	_ =	shalt  }
0x46: {  	_ =	shalt  }
0x47: {  	_ =	shalt  }
0x48: {  	_ =	shalt  }
0x49: {  	_ =	shalt  }
0x4a: {  	_ =	shalt  }
0x4b: {  	_ =	shalt  }
0x4c: {  	_ =	shalt  }
0x4d: {  	_ =	shalt  }
0x4e: {  	_ =	shalt  }
0x4f: {  	_ =	shalt  }
0x50: {  	_ =	shalt  }
0x51: {  	_ =	shalt  }
0x52: {  	_ =	shalt  }
0x53: {  	_ =	shalt  }
0x54: {  	_ =	shalt  }
0x55: {  	_ =	shalt  }
0x56: {  	_ =	shalt  }
0x57: {  	_ =	shalt  }
0x58: {  	_ =	shalt  }
0x59: {  	_ =	shalt  }
0x5a: {  	_ =	shalt  }
0x5b: {  	_ =	shalt  }
0x5c: {  	_ =	shalt  }
0x5d: {  	_ =	shalt  }
0x5e: {  	_ =	shalt  }
0x5f: {  	_ =	shalt  }
0x60: {  	_ =	shalt  }
0x61: {  	_ =	shalt  }
0x62: {  	_ =	shalt  }
0x63: {  	_ =	shalt  }
0x64: {  	_ =	shalt  }
0x65: {  	_ =	shalt  }
0x66: {  	_ =	shalt  }
0x67: {  	_ =	shalt  }
0x68: {  	_ =	shalt  }
0x69: {  	_ =	shalt  }
0x6a: {  	_ =	shalt  }
0x6b: {  	_ =	shalt  }
0x6c: {  	_ =	shalt  }
0x6d: {  	_ =	shalt  }
0x6e: {  	_ =	shalt  }
0x6f: {  	_ =	shalt  }
0x70: {  	_ =	shalt  }
0x71: {  	_ =	shalt  }
0x72: {  	_ =	shalt  }
0x73: {  	_ =	shalt  }
0x74: {  	_ =	shalt  }
0x75: {  	_ =	shalt  }
0x76: {  	_ =	shalt  }
0x77: {  	_ =	shalt  }
0x78: {  	_ =	shalt  }
0x79: {  	_ =	shalt  }
0x7a: {  	_ =	shalt  }
0x7b: {  	_ =	shalt  }
0x7c: {  	_ =	shalt  }
0x7d: {  	_ =	shalt  }
0x7e: {  	_ =	shalt  }
0x7f: {  	_ =	shalt  }
0x80: {  	_ =	shalt  }
0x81: {  	_ =	shalt  }
0x82: {  	_ =	shalt  }
0x83: {  	_ =	shalt  }
0x84: {  	_ =	shalt  }
0x85: {  	_ =	shalt  }
0x86: {  	_ =	shalt  }
0x87: {  	_ =	shalt  }
.Lfunc_end0:
.L_simem_size_0:
called_computation_lowered:
.L_overlay_start_0:
0x88: {  	s2 =	sld [smem:$0x3FD9]  }
0x89: {  	s3 =	sld [smem:$0x3FFE];
	_ =	sdelay $0x1  }
0x8a: {  	s1 =	srdreg.scid  }
0x8b: {  	s0 =	sand.u32 $0x1, s1  }
0x8c: {  	s17 =	sshll.u32 s0, $0xA;
	s2 =	sadd.s32 s3, s2  }
0x8d: {  	s2 =	sadd.s32 s2, s17  }
0x8e: {  	[smem:$0x3FC6] =	sst s2  }
0x8f: {  	_ = 	snop  }
0x90: {  	s2 =	sld [smem:$0x3FD0];
	(tm) =	ssettm $0x1  }
0x91: {  	s18 =	sld [smem:$0x3FFB];
	_ =	sdelay $0x3  }
0x92: {  	_ =	strace s18  }
0x93: {  	s3 =	sld [smem:$0x3FFC];
	_ =	sdelay $0x3  }
0x94: {  	_ =	strace s3  }
0x95: {  	s3 =	sld [smem:$0x3FFD];
	_ =	sdelay $0x3  }
0x96: {  	_ =	strace s3  }
0x97: {  	_ =	strace $0x8FFFFFFF  }
0x98: {  	s19 =	sld [smem:$0x3FDB];
	_ =	sdelay $0x1  }
0x99: {  	s4 =	simm.s32 $_scs_section_size  }
0x9a: {  	s5 =	simm.s32 $_size__tile_overlayer_lowered;
	s6 =	simm.s32 $_tile_overlayer_lowered  }
0x9b: {  	s22 =	simm.s32 $0x1BFF;
	s21 =	sshll.u32 s6, $0x1;
	s3 =	sadd.s32 s4, s19  }
0x9c: {  	s7 =	simm.s32 $0x0;
	s20 =	sshll.u32 s5, $0x1;
	s5 =	sadd.s32 s21, s3  }
0x9d: {  	[timem:s7], [sflag:s22] =	dma.local [hbm:s5], s20  }
0x9e: {  	_ =	swait.ge [sflag:s22], s20  }
0x9f: {  	s4 =	ssub.s32 $0x0, s20;
	[sflag:s22] =	ssyncset.done $0x0  }
0xa0: {  	[sflag:s22] =	ssyncadd.s32 s4;
	_ =	sdelay $0x1  }
0xa1: {  	s23 =	simm.s32 $0x1B8B  }
0xa2: {  	_ =	swait.ge [sflag:s23], $0x1  }
0xa3: {  	[sflag:s23] =	ssyncset.done $0x0  }
0xa4: {  	s25 =	simm.s32 $0x1B8E;
	s24 =	sld [smem:$0x3FFE];
	[sflag:s23] =	ssyncadd.s32 $0xFFFFFFFF  }
0xa5: {  	s26 =	simm.s32 $execute0_lowered;
	[smem:$0x3FD2] =	sst s25  }
0xa6: {  	s5 =	sshll.u32 s26, $0x1;
	_ =	strace $0x80000046;
	[dreg:$0x1] =	wrdreg $0xFFFFFFFF  }
0xa7: {  	s28 =	simm.s32 $_size_execute0_lowered;
	s3 =	sadd.s32 s3, s5;
	[dreg:$0x0] =	wrdreg $0x0  }
0xa8: {  	s5 =	sshll.u32 s28, $0x1;
	[dreg:$0x2] =	wrdreg s3  }
0xa9: {  	[dreg:$0x3] =	wrdreg s5  }
0xaa: {  	[dreg:$0x4] =	wrdreg $0xC0  }
0xab: {  	_ =	task [dreg:s7], $0x5FFFF  }
0xac: {  	[dreg:$0x1] =	wrdreg $0xFFFFFFFF  }
0xad: {  	[dreg:$0x0] =	wrdreg $0x60  }
0xae: {  	[dreg:$0x2] =	wrdreg s24  }
0xaf: {  	[dreg:$0x3] =	wrdreg s2  }
0xb0: {  	[dreg:$0x4] =	wrdreg $0x9  }
0xb1: {  	_ =	task.clear_ibuf [dreg:s7], $0x5FFFF;
	_ =	strace $0x90000046  }
0xb2: {  	s29 =	simm.s32 $0x9;
	_ =	strace $0x80000048  }
0xb3: {  	_ =	swait.ge [sflag:s29], $0x1  }
0xb4: {  	[sflag:s29] =	ssyncadd.s32 $0xFFFFFFFF  }
0xb5: {  	_ =	strace $0x90000048  }
0xb6: {  	_ =	sfence  }
0xb7: {  	s30 =	sld [smem:$0x0];
	_ =	sdelay $0x2  }
0xb8: {  	s31 =	sshll.u32 s1, $0xD;
	s1 =	sshrl.u32 s1, $0x2  }
0xb9: {  	s3 =	sand.u32 $0x4000, s31;
	s1 =	sadd.s32 s1, s30  }
0xba: {  	s0 =	sor.u32 s3, s0;
	s1 =	sshll.u32 s1, $0x11  }
0xbb: {  	s0 =	sor.u32 s1, s0  }
0xbc: {  	s0 =	sadd.s32 $0x8F2B, s0  }
0xbd: {  	[sflag:s0] =	ssyncadd.remote.s32 $0x1  }
0xbe: {  	_ =	sfence.sel $0xFFFF  }
0xbf: {  	[dreg:$0x0] =	wrdreg $0xFFFFFFFF;
	(pc) =	sbr.abs _section_cstart, $3  }
0xc0: {  	[dreg:$0x1] =	wrdreg $0xFFFFFFFF  }
0xc1: {  	_ =	task.clear_ibuf [dreg:s7], $0x2FFFF;
	_ =	strace $0x9FFFFFFF  }
0xc2: {  	(tm) =	ssettm $0x7FFFFFFF  }
0xc3: {  	_ =	shalt  }
tec
execute0_lowered:
.L_overlay_start_1:
0x0: {  	(tag) =	ssettag $0x1  }
0x1: {  	v0 =	vlaneseq.u32  }
0x2: {  	v0 =	vmul.u32 $0x208, v0  }
0x3: {  	v1 =	vimm.s32 $0x0;
	vm0 =	vcmask $0x300  }
0x4: {  	s6 =	rddreg [dreg:$0x0];
	s1 =	srdreg.scid;
	v1 =	vsel vm0, $0x3, v1;
	v2 =	vadd.s32 $0x2080, v0  }
0x5: {  	s0 =	stileid.u32;
	s2 =	rddreg [dreg:$0x1];
	v3 =	vadd.s32 $0x4100, v0;
	v4 =	vadd.s32 $0x6180, v0;
	v5 =	vor.u32 $0x1, v0  }
0x6: {  	s3 =	simm.s32 $0x0;
	s11 =	simm.s32 $0x4;
	s12 =	simm.s32 $0x200;
	v6 =	vadd.s32 $0x2081, v0;
	v7 =	vadd.s32 $0x4101, v0;
	v8 =	vadd.s32 $0x6181, v0  }
0x7: {  	s13 =	simm.s32 $0x400;
	s14 =	simm.s32 $0x8400;
	s15 =	simm.s32 $0x1;
	v9 =	vor.u32 $0x2, v0;
	v10 =	vadd.s32 $0x2082, v0;
	v11 =	vadd.s32 $0x4102, v0  }
0x8: {  	s16 =	simm.s32 $0x10400;
	s17 =	simm.s32 $0x2;
	s18 =	simm.s32 $0x3;
	v12 =	vadd.s32 $0x6182, v0;
	v13 =	vor.u32 $0x3, v0;
	v14 =	vadd.s32 $0x2083, v0  }
0x9: {  	s5 =	sand.u32 $0x1, s1;
	s4 =	sshll.u32 s0, $0x1;
	s1 =	rddreg [dreg:$0x2];
	v15 =	vadd.s32 $0x4103, v0;
	v16 =	vadd.s32 $0x6183, v0;
	v17 =	vor.u32 $0x4, v0  }
0xa: {  	s19 =	simm.s32 $0x0;
	[smem:$0x7FF] =	sst s3;
	s4 =	sor.u32 s5, s4;
	v18 =	vadd.s32 $0x2084, v0;
	v19 =	vadd.s32 $0x4104, v0;
	v20 =	vadd.s32 $0x6184, v0  }
0xb: {  	_ =	strace $0x80000047;
	s7 =	ssub.s32 $0x2, s5;
	s4 =	smul.u32 $0x6400, s4;
	v21 =	vor.u32 $0x5, v0;
	v22 =	vadd.s32 $0x2085, v0;
	v23 =	vadd.s32 $0x4105, v0  }
0xc: {  	s5 =	sadd.s32 $0x400, s6;
	s6 =	sadd.s32 $0x19400, s6;
	s8 =	sshrl.u32 s7, $0x1;
	v24 =	vadd.s32 $0x6185, v0;
	v25 =	vor.u32 $0x6, v0;
	v26 =	vadd.s32 $0x2086, v0  }
0xd: {  	v27 =	vadd.s32 $0x4106, v0;
	v28 =	vadd.s32 $0x6186, v0;
	v29 =	vor.u32 $0x7, v0;
	s10 =	ssub.s32 s7, s8;
	s9 =	sshrl.u32 s4, $0x3;
	s8 =	sor.u32 $0x200, s4  }
0xe: {  	v30 =	vadd.s32 $0x2087, v0;
	v31 =	vadd.s32 $0x4107, v0;
	v32 =	vadd.s32 $0x6187, v0;
	s10 =	smax.u32 s10, $0x1;
	s7 =	sadd.s32 s5, s9;
	s9 =	sadd.s32 $0x400, s4  }
.LBB2_1:
0xf: {  	[tilespmem:s3], [sflag:$0x4] =	stream.linear.gather [hbm4b:s7+s3], $0x200, $0x38;
	[tilespmem:$0x18600] =	vst v63  }
0x10: {  	_ =	swait.ge [sflag:s11], $0x200  }
0x11: {  	[sflag:s11] =	ssyncset.done $0x0  }
0x12: {  	s20 =	simm.s32 $0x0;
	[sflag:s11] =	ssyncadd.s32 $0xFFFFFE00  }
0x13: {  	[tilespmem:s13], [sflag:$0x1] =	stream.indirect.gather [hbm4b:s6+s12], $0x40, s3, s12, $0xb8;
	[tilespmem:$0x18600] =	vst v63  }
.LBB2_2:
0x14: {  	s23 =	sshll.u32 s20, $0xA  }
0x15: {  	s21 =	sadd.s32 s23, s8  }
0x16: {  	s22 =	sshrl.u32 s21, $0x3  }
0x17: {  	s22 =	sadd.s32 s5, s22  }
0x18: {  	[tilespmem:s12], [sflag:$0x4] =	stream.linear.gather [hbm4b:s22+s3], $0x200, $0x38;
	[tilespmem:$0x18600] =	vst v63  }
0x19: {  	_ =	swait.ge [sflag:s11], $0x200  }
0x1a: {  	[sflag:s11] =	ssyncset.done $0x0  }
0x1b: {  	[sflag:s11] =	ssyncadd.s32 $0xFFFFFE00  }
0x1c: {  	[tilespmem:s14], [sflag:$0x2] =	stream.indirect.gather [hbm4b:s6+s12], $0x40, s12, s12, $0xb8;
	[tilespmem:$0x18600] =	vst v63  }
0x1d: {  	_ =	swait.ge [sflag:s15], $0x8000  }
0x1e: {  	p0 =	seq.s32 s20, $0x0;
	[sflag:s15] =	ssyncset.done $0x0  }
0x1f: {  	s22 =	simm.s32 @!p0 $0x3;
	[sflag:s15] =	ssyncadd.s32 $0xFFFF8000  }
0x20: {  	_ =	swait.ge @!p0 [sflag:s22], $0x2000  }
0x21: {  	[sflag:s22] =	ssyncset.done @!p0 $0x0  }
0x22: {  	[sflag:s22] =	ssyncadd.s32 @!p0 $0xFFFFE000  }
0x23: {  	_ =	swait.ge @!p0 [sflag:s22], $0x2000  }
0x24: {  	[sflag:s22] =	ssyncset.done @!p0 $0x0  }
0x25: {  	[sflag:s22] =	ssyncadd.s32 @!p0 $0xFFFFE000  }
0x26: {  	s24 =	simm.s32 $0x0;
	_ =	swait.ge @!p0 [sflag:s22], $0x2000  }
0x27: {  	v33 =	vmov s24;
	[sflag:s22] =	ssyncset.done @!p0 $0x0  }
0x28: {  	v33 =	vshrl.u32 v33, $0x3;
	[sflag:s22] =	ssyncadd.s32 @!p0 $0xFFFFE000  }
0x29: {  	v33 =	vshll.u32 v33, v1;
	_ =	swait.ge @!p0 [sflag:s22], $0x2000  }
0x2a: {  	v33 =	vbroadcast v33, $0x0;
	[sflag:s22] =	ssyncset.done @!p0 $0x0  }
0x2b: {  	s24 =	simm.s32 $0x500;
	[sflag:s22] =	ssyncadd.s32 @!p0 $0xFFFFE000  }
0x2c: {  	v35 =	vadd.s32 v0, v33;
	v34 =	vld [tilespmem:s24+$0xFFFFFF00];
	_ =	sdelay $0x4  }
0x2d: {  	[tilespmem:v35+s16+$0x0] =	vst.idx.msk $0xffff, v34  }
0x2e: {  	v56 =	vadd.s32 v2, v33;
	v34 =	vld [tilespmem:s24+$0xFFFFFF10];
	_ =	sdelay $0x4  }
0x2f: {  	[tilespmem:v56+s16+$0x0] =	vst.idx.msk $0xffff, v34  }
0x30: {  	v57 =	vadd.s32 v3, v33;
	v34 =	vld [tilespmem:s24+$0xFFFFFF20];
	_ =	sdelay $0x4  }
0x31: {  	[tilespmem:v57+s16+$0x0] =	vst.idx.msk $0xffff, v34  }
0x32: {  	s30 =	simm.s32 $0x1;
	v33 =	vadd.s32 v4, v33;
	v34 =	vld [tilespmem:s24+$0xFFFFFF30]  }
0x33: {  	v58 =	vmov s30  }
0x34: {  	v35 =	vshrl.u32 v58, $0x3  }
0x35: {  	v35 =	vshll.u32 v35, v1  }
0x36: {  	v35 =	vbroadcast v35, $0x0  }
0x37: {  	[tilespmem:v33+s16+$0x0] =	vst.idx.msk $0xffff, v34  }
0x38: {  	v59 =	vadd.s32 v5, v35;
	v33 =	vld [tilespmem:s24+$0xFFFFFF40];
	_ =	sdelay $0x4  }
0x39: {  	[tilespmem:v59+s16+$0x0] =	vst.idx.msk $0xffff, v33  }
0x3a: {  	v60 =	vadd.s32 v6, v35;
	v33 =	vld [tilespmem:s24+$0xFFFFFF50];
	_ =	sdelay $0x4  }
0x3b: {  	[tilespmem:v60+s16+$0x0] =	vst.idx.msk $0xffff, v33  }
0x3c: {  	v61 =	vadd.s32 v7, v35;
	v33 =	vld [tilespmem:s24+$0xFFFFFF60];
	_ =	sdelay $0x4  }
0x3d: {  	[tilespmem:v61+s16+$0x0] =	vst.idx.msk $0xffff, v33  }
0x3e: {  	s31 =	simm.s32 $0x2;
	v62 =	vadd.s32 v8, v35;
	v33 =	vld [tilespmem:s24+$0xFFFFFF70]  }
0x3f: {  	v63 =	vmov s31  }
0x40: {  	v35 =	vshrl.u32 v63, $0x3  }
0x41: {  	v35 =	vshll.u32 v35, v1  }
0x42: {  	v35 =	vbroadcast v35, $0x0  }
0x43: {  	[tilespmem:v62+s16+$0x0] =	vst.idx.msk $0xffff, v33  }
0x44: {  	v36 =	vadd.s32 v9, v35;
	v33 =	vld [tilespmem:s24+$0xFFFFFF80];
	_ =	sdelay $0x4  }
0x45: {  	[tilespmem:v36+s16+$0x0] =	vst.idx.msk $0xffff, v33  }
0x46: {  	v37 =	vadd.s32 v10, v35;
	v33 =	vld [tilespmem:s24+$0xFFFFFF90];
	_ =	sdelay $0x4  }
0x47: {  	[tilespmem:v37+s16+$0x0] =	vst.idx.msk $0xffff, v33  }
0x48: {  	v38 =	vadd.s32 v11, v35;
	v33 =	vld [tilespmem:s24+$0xFFFFFFA0];
	_ =	sdelay $0x4  }
0x49: {  	[tilespmem:v38+s16+$0x0] =	vst.idx.msk $0xffff, v33  }
0x4a: {  	s25 =	simm.s32 $0x3;
	v39 =	vadd.s32 v12, v35;
	v33 =	vld [tilespmem:s24+$0xFFFFFFB0]  }
0x4b: {  	v40 =	vmov s25  }
0x4c: {  	v35 =	vshrl.u32 v40, $0x3  }
0x4d: {  	v35 =	vshll.u32 v35, v1  }
0x4e: {  	v35 =	vbroadcast v35, $0x0  }
0x4f: {  	[tilespmem:v39+s16+$0x0] =	vst.idx.msk $0xffff, v33  }
0x50: {  	v41 =	vadd.s32 v13, v35;
	v33 =	vld [tilespmem:s24+$0xFFFFFFC0];
	_ =	sdelay $0x4  }
0x51: {  	[tilespmem:v41+s16+$0x0] =	vst.idx.msk $0xffff, v33  }
0x52: {  	v42 =	vadd.s32 v14, v35;
	v33 =	vld [tilespmem:s24+$0xFFFFFFD0];
	_ =	sdelay $0x4  }
0x53: {  	[tilespmem:v42+s16+$0x0] =	vst.idx.msk $0xffff, v33  }
0x54: {  	v43 =	vadd.s32 v15, v35;
	v33 =	vld [tilespmem:s24+$0xFFFFFFE0];
	_ =	sdelay $0x4  }
0x55: {  	[tilespmem:v43+s16+$0x0] =	vst.idx.msk $0xffff, v33  }
0x56: {  	s26 =	simm.s32 $0x4;
	v44 =	vadd.s32 v16, v35;
	v33 =	vld [tilespmem:s24+$0xFFFFFFF0]  }
0x57: {  	v45 =	vmov s26  }
0x58: {  	v35 =	vshrl.u32 v45, $0x3  }
0x59: {  	v35 =	vshll.u32 v35, v1  }
0x5a: {  	v35 =	vbroadcast v35, $0x0  }
0x5b: {  	[tilespmem:v44+s16+$0x0] =	vst.idx.msk $0xffff, v33  }
0x5c: {  	v46 =	vadd.s32 v17, v35;
	v33 =	vld [tilespmem:s24+$0x0];
	_ =	sdelay $0x4  }
0x5d: {  	[tilespmem:v46+s16+$0x0] =	vst.idx.msk $0xffff, v33  }
0x5e: {  	v47 =	vadd.s32 v18, v35;
	v33 =	vld [tilespmem:s24+$0x10];
	_ =	sdelay $0x4  }
0x5f: {  	[tilespmem:v47+s16+$0x0] =	vst.idx.msk $0xffff, v33  }
0x60: {  	v48 =	vadd.s32 v19, v35;
	v33 =	vld [tilespmem:s24+$0x20];
	_ =	sdelay $0x4  }
0x61: {  	[tilespmem:v48+s16+$0x0] =	vst.idx.msk $0xffff, v33  }
0x62: {  	s29 =	simm.s32 $0x5;
	v49 =	vadd.s32 v20, v35;
	v33 =	vld [tilespmem:s24+$0x30]  }
0x63: {  	v50 =	vmov s29  }
0x64: {  	v35 =	vshrl.u32 v50, $0x3  }
0x65: {  	v35 =	vshll.u32 v35, v1  }
0x66: {  	v35 =	vbroadcast v35, $0x0  }
0x67: {  	[tilespmem:v49+s16+$0x0] =	vst.idx.msk $0xffff, v33  }
0x68: {  	v51 =	vadd.s32 v21, v35;
	v33 =	vld [tilespmem:s24+$0x40];
	_ =	sdelay $0x4  }
0x69: {  	[tilespmem:v51+s16+$0x0] =	vst.idx.msk $0xffff, v33  }
0x6a: {  	v52 =	vadd.s32 v22, v35;
	v33 =	vld [tilespmem:s24+$0x50];
	_ =	sdelay $0x4  }
0x6b: {  	[tilespmem:v52+s16+$0x0] =	vst.idx.msk $0xffff, v33  }
0x6c: {  	v53 =	vadd.s32 v23, v35;
	v33 =	vld [tilespmem:s24+$0x60];
	_ =	sdelay $0x4  }
0x6d: {  	[tilespmem:v53+s16+$0x0] =	vst.idx.msk $0xffff, v33  }
0x6e: {  	s30 =	simm.s32 $0x6;
	v54 =	vadd.s32 v24, v35;
	v33 =	vld [tilespmem:s24+$0x70]  }
0x6f: {  	v55 =	vmov s30  }
0x70: {  	v35 =	vshrl.u32 v55, $0x3  }
0x71: {  	v35 =	vshll.u32 v35, v1  }
0x72: {  	v35 =	vbroadcast v35, $0x0  }
0x73: {  	[tilespmem:v54+s16+$0x0] =	vst.idx.msk $0xffff, v33  }
0x74: {  	v56 =	vadd.s32 v25, v35;
	v33 =	vld [tilespmem:s24+$0x80];
	_ =	sdelay $0x4  }
0x75: {  	[tilespmem:v56+s16+$0x0] =	vst.idx.msk $0xffff, v33  }
0x76: {  	v57 =	vadd.s32 v26, v35;
	v33 =	vld [tilespmem:s24+$0x90];
	_ =	sdelay $0x4  }
0x77: {  	[tilespmem:v57+s16+$0x0] =	vst.idx.msk $0xffff, v33  }
0x78: {  	v58 =	vadd.s32 v27, v35;
	v33 =	vld [tilespmem:s24+$0xA0];
	_ =	sdelay $0x4  }
0x79: {  	[tilespmem:v58+s16+$0x0] =	vst.idx.msk $0xffff, v33  }
0x7a: {  	s31 =	simm.s32 $0x7;
	v59 =	vadd.s32 v28, v35;
	v33 =	vld [tilespmem:s24+$0xB0]  }
0x7b: {  	v60 =	vmov s31  }
0x7c: {  	v35 =	vshrl.u32 v60, $0x3  }
0x7d: {  	v35 =	vshll.u32 v35, v1  }
0x7e: {  	v35 =	vbroadcast v35, $0x0  }
0x7f: {  	[tilespmem:v59+s16+$0x0] =	vst.idx.msk $0xffff, v33  }
0x80: {  	v61 =	vadd.s32 v29, v35;
	v33 =	vld [tilespmem:s24+$0xC0];
	_ =	sdelay $0x4  }
0x81: {  	[tilespmem:v61+s16+$0x0] =	vst.idx.msk $0xffff, v33  }
0x82: {  	v62 =	vadd.s32 v30, v35;
	v33 =	vld [tilespmem:s24+$0xD0];
	_ =	sdelay $0x4  }
0x83: {  	[tilespmem:v62+s16+$0x0] =	vst.idx.msk $0xffff, v33  }
0x84: {  	v63 =	vadd.s32 v31, v35;
	v33 =	vld [tilespmem:s24+$0xE0];
	_ =	sdelay $0x4  }
0x85: {  	s28 =	simm.s32 $0x8;
	[tilespmem:v63+s16+$0x0] =	vst.idx.msk $0xffff, v33  }
0x86: {  	s25 =	simm.s32 $0xF;
	s26 =	simm.s32 $0x17;
	s22 =	sshll.u32 s20, $0x1;
	v34 =	vadd.s32 v32, v35;
	v33 =	vld [tilespmem:s24+$0xF0]  }
.LBB2_3:
0x87: {  	p0 =	sne.s32 s26, $0x1FF;
	v35 =	vmov s28  }
0x88: {  	v35 =	vshrl.u32 v35, $0x3  }
0x89: {  	v35 =	vshll.u32 v35, v1  }
0x8a: {  	v35 =	vbroadcast v35, $0x0  }
0x8b: {  	s24 =	sadd.s32 $0x200, s24;
	[tilespmem:v34+s16+$0x0] =	vst.idx.msk $0xffff, v33  }
0x8c: {  	v33 =	vld [tilespmem:s24+$0xFFFFFF00];
	v34 =	vadd.s32 v0, v35;
	_ =	sdelay $0x4  }
0x8d: {  	[tilespmem:v34+s16+$0x0] =	vst.idx.msk $0xffff, v33  }
0x8e: {  	v34 =	vadd.s32 v2, v35;
	v33 =	vld [tilespmem:s24+$0xFFFFFF10];
	_ =	sdelay $0x4  }
0x8f: {  	[tilespmem:v34+s16+$0x0] =	vst.idx.msk $0xffff, v33  }
0x90: {  	v34 =	vadd.s32 v3, v35;
	v33 =	vld [tilespmem:s24+$0xFFFFFF20];
	_ =	sdelay $0x4  }
0x91: {  	[tilespmem:v34+s16+$0x0] =	vst.idx.msk $0xffff, v33  }
0x92: {  	s28 =	sadd.s32 $0xFFFFFFFA, s25;
	v34 =	vadd.s32 v4, v35;
	v33 =	vld [tilespmem:s24+$0xFFFFFF30]  }
0x93: {  	v35 =	vmov s28  }
0x94: {  	v35 =	vshrl.u32 v35, $0x3  }
0x95: {  	v35 =	vshll.u32 v35, v1  }
0x96: {  	v35 =	vbroadcast v35, $0x0  }
0x97: {  	[tilespmem:v34+s16+$0x0] =	vst.idx.msk $0xffff, v33  }
0x98: {  	v34 =	vadd.s32 v5, v35;
	v33 =	vld [tilespmem:s24+$0xFFFFFF40];
	_ =	sdelay $0x4  }
0x99: {  	[tilespmem:v34+s16+$0x0] =	vst.idx.msk $0xffff, v33  }
0x9a: {  	v34 =	vadd.s32 v6, v35;
	v33 =	vld [tilespmem:s24+$0xFFFFFF50];
	_ =	sdelay $0x4  }
0x9b: {  	[tilespmem:v34+s16+$0x0] =	vst.idx.msk $0xffff, v33  }
0x9c: {  	v34 =	vadd.s32 v7, v35;
	v33 =	vld [tilespmem:s24+$0xFFFFFF60];
	_ =	sdelay $0x4  }
0x9d: {  	[tilespmem:v34+s16+$0x0] =	vst.idx.msk $0xffff, v33  }
0x9e: {  	s28 =	sadd.s32 $0xFFFFFFFB, s25;
	v34 =	vadd.s32 v8, v35;
	v33 =	vld [tilespmem:s24+$0xFFFFFF70]  }
0x9f: {  	v35 =	vmov s28  }
0xa0: {  	v35 =	vshrl.u32 v35, $0x3  }
0xa1: {  	v35 =	vshll.u32 v35, v1  }
0xa2: {  	v35 =	vbroadcast v35, $0x0  }
0xa3: {  	[tilespmem:v34+s16+$0x0] =	vst.idx.msk $0xffff, v33  }
0xa4: {  	v34 =	vadd.s32 v9, v35;
	v33 =	vld [tilespmem:s24+$0xFFFFFF80];
	_ =	sdelay $0x4  }
0xa5: {  	[tilespmem:v34+s16+$0x0] =	vst.idx.msk $0xffff, v33  }
0xa6: {  	v34 =	vadd.s32 v10, v35;
	v33 =	vld [tilespmem:s24+$0xFFFFFF90];
	_ =	sdelay $0x4  }
0xa7: {  	[tilespmem:v34+s16+$0x0] =	vst.idx.msk $0xffff, v33  }
0xa8: {  	v34 =	vadd.s32 v11, v35;
	v33 =	vld [tilespmem:s24+$0xFFFFFFA0];
	_ =	sdelay $0x4  }
0xa9: {  	[tilespmem:v34+s16+$0x0] =	vst.idx.msk $0xffff, v33  }
0xaa: {  	s28 =	sadd.s32 $0xFFFFFFFC, s25;
	v34 =	vadd.s32 v12, v35;
	v33 =	vld [tilespmem:s24+$0xFFFFFFB0]  }
0xab: {  	v35 =	vmov s28  }
0xac: {  	v35 =	vshrl.u32 v35, $0x3  }
0xad: {  	v35 =	vshll.u32 v35, v1  }
0xae: {  	v35 =	vbroadcast v35, $0x0  }
0xaf: {  	[tilespmem:v34+s16+$0x0] =	vst.idx.msk $0xffff, v33  }
0xb0: {  	v34 =	vadd.s32 v13, v35;
	v33 =	vld [tilespmem:s24+$0xFFFFFFC0];
	_ =	sdelay $0x4  }
0xb1: {  	[tilespmem:v34+s16+$0x0] =	vst.idx.msk $0xffff, v33  }
0xb2: {  	v34 =	vadd.s32 v14, v35;
	v33 =	vld [tilespmem:s24+$0xFFFFFFD0];
	_ =	sdelay $0x4  }
0xb3: {  	[tilespmem:v34+s16+$0x0] =	vst.idx.msk $0xffff, v33  }
0xb4: {  	v34 =	vadd.s32 v15, v35;
	v33 =	vld [tilespmem:s24+$0xFFFFFFE0];
	_ =	sdelay $0x4  }
0xb5: {  	[tilespmem:v34+s16+$0x0] =	vst.idx.msk $0xffff, v33  }
0xb6: {  	s28 =	sadd.s32 $0xFFFFFFFD, s25;
	v34 =	vadd.s32 v16, v35;
	v33 =	vld [tilespmem:s24+$0xFFFFFFF0]  }
0xb7: {  	v35 =	vmov s28  }
0xb8: {  	v35 =	vshrl.u32 v35, $0x3  }
0xb9: {  	v35 =	vshll.u32 v35, v1  }
0xba: {  	v35 =	vbroadcast v35, $0x0  }
0xbb: {  	[tilespmem:v34+s16+$0x0] =	vst.idx.msk $0xffff, v33  }
0xbc: {  	v34 =	vadd.s32 v17, v35;
	v33 =	vld [tilespmem:s24+$0x0];
	_ =	sdelay $0x4  }
0xbd: {  	[tilespmem:v34+s16+$0x0] =	vst.idx.msk $0xffff, v33  }
0xbe: {  	v34 =	vadd.s32 v18, v35;
	v33 =	vld [tilespmem:s24+$0x10];
	_ =	sdelay $0x4  }
0xbf: {  	[tilespmem:v34+s16+$0x0] =	vst.idx.msk $0xffff, v33  }
0xc0: {  	v34 =	vadd.s32 v19, v35;
	v33 =	vld [tilespmem:s24+$0x20];
	_ =	sdelay $0x4  }
0xc1: {  	[tilespmem:v34+s16+$0x0] =	vst.idx.msk $0xffff, v33  }
0xc2: {  	s28 =	sadd.s32 $0xFFFFFFFE, s25;
	v34 =	vadd.s32 v20, v35;
	v33 =	vld [tilespmem:s24+$0x30]  }
0xc3: {  	v35 =	vmov s28  }
0xc4: {  	v35 =	vshrl.u32 v35, $0x3  }
0xc5: {  	v35 =	vshll.u32 v35, v1  }
0xc6: {  	v35 =	vbroadcast v35, $0x0  }
0xc7: {  	[tilespmem:v34+s16+$0x0] =	vst.idx.msk $0xffff, v33  }
0xc8: {  	v34 =	vadd.s32 v21, v35;
	v33 =	vld [tilespmem:s24+$0x40];
	_ =	sdelay $0x4  }
0xc9: {  	[tilespmem:v34+s16+$0x0] =	vst.idx.msk $0xffff, v33  }
0xca: {  	v34 =	vadd.s32 v22, v35;
	v33 =	vld [tilespmem:s24+$0x50];
	_ =	sdelay $0x4  }
0xcb: {  	[tilespmem:v34+s16+$0x0] =	vst.idx.msk $0xffff, v33  }
0xcc: {  	v34 =	vadd.s32 v23, v35;
	v33 =	vld [tilespmem:s24+$0x60];
	_ =	sdelay $0x4  }
0xcd: {  	[tilespmem:v34+s16+$0x0] =	vst.idx.msk $0xffff, v33  }
0xce: {  	s28 =	sadd.s32 $0xFFFFFFFF, s25;
	v34 =	vadd.s32 v24, v35;
	v33 =	vld [tilespmem:s24+$0x70]  }
0xcf: {  	v35 =	vmov s28  }
0xd0: {  	v35 =	vshrl.u32 v35, $0x3  }
0xd1: {  	v35 =	vshll.u32 v35, v1  }
0xd2: {  	v35 =	vbroadcast v35, $0x0  }
0xd3: {  	[tilespmem:v34+s16+$0x0] =	vst.idx.msk $0xffff, v33  }
0xd4: {  	v34 =	vadd.s32 v25, v35;
	v33 =	vld [tilespmem:s24+$0x80];
	_ =	sdelay $0x4  }
0xd5: {  	[tilespmem:v34+s16+$0x0] =	vst.idx.msk $0xffff, v33  }
0xd6: {  	v34 =	vadd.s32 v26, v35;
	v33 =	vld [tilespmem:s24+$0x90];
	_ =	sdelay $0x4  }
0xd7: {  	[tilespmem:v34+s16+$0x0] =	vst.idx.msk $0xffff, v33  }
0xd8: {  	v34 =	vadd.s32 v27, v35;
	v33 =	vld [tilespmem:s24+$0xA0];
	_ =	sdelay $0x4  }
0xd9: {  	[tilespmem:v34+s16+$0x0] =	vst.idx.msk $0xffff, v33  }
0xda: {  	v34 =	vadd.s32 v28, v35;
	v33 =	vld [tilespmem:s24+$0xB0]  }
0xdb: {  	v35 =	vmov s25;
	s25 =	smov.u32 s26  }
0xdc: {  	v35 =	vshrl.u32 v35, $0x3  }
0xdd: {  	v35 =	vshll.u32 v35, v1  }
0xde: {  	v35 =	vbroadcast v35, $0x0  }
0xdf: {  	[tilespmem:v34+s16+$0x0] =	vst.idx.msk $0xffff, v33  }
0xe0: {  	v34 =	vadd.s32 v29, v35;
	v33 =	vld [tilespmem:s24+$0xC0];
	_ =	sdelay $0x4  }
0xe1: {  	[tilespmem:v34+s16+$0x0] =	vst.idx.msk $0xffff, v33  }
0xe2: {  	v34 =	vadd.s32 v30, v35;
	v33 =	vld [tilespmem:s24+$0xD0];
	_ =	sdelay $0x4  }
0xe3: {  	[tilespmem:v34+s16+$0x0] =	vst.idx.msk $0xffff, v33  }
0xe4: {  	v34 =	vadd.s32 v31, v35;
	v33 =	vld [tilespmem:s24+$0xE0];
	_ =	sdelay $0x1  }
.Ltmp0:
0xe5: {  	(pc) =	sbr.rel @p0 .LBB2_3-.Ltmp0, $3  }
0xe6: {  	_ =	sdelay $0x1  }
0xe7: {  	[tilespmem:v34+s16+$0x0] =	vst.idx.msk $0xffff, v33  }
0xe8: {  	s26 =	sadd.s32 $0x8, s26;
	s28 =	sadd.s32 $0xFFFFFFF9, s25;
	v34 =	vadd.s32 v32, v35;
	v33 =	vld [tilespmem:s24+$0xF0]  }
0xe9: {  	v35 =	vmov s28  }
0xea: {  	v35 =	vshrl.u32 v35, $0x3  }
0xeb: {  	v35 =	vshll.u32 v35, v1  }
0xec: {  	v35 =	vbroadcast v35, $0x0  }
0xed: {  	s24 =	sadd.s32 $0x200, s24;
	[tilespmem:v34+s16+$0x0] =	vst.idx.msk $0xffff, v33  }
0xee: {  	v33 =	vld [tilespmem:s24+$0xFFFFFF00];
	v53 =	vadd.s32 v0, v35;
	_ =	sdelay $0x4  }
0xef: {  	[tilespmem:v53+s16+$0x0] =	vst.idx.msk $0xffff, v33  }
0xf0: {  	v54 =	vadd.s32 v2, v35;
	v33 =	vld [tilespmem:s24+$0xFFFFFF10];
	_ =	sdelay $0x4  }
0xf1: {  	[tilespmem:v54+s16+$0x0] =	vst.idx.msk $0xffff, v33  }
0xf2: {  	v55 =	vadd.s32 v3, v35;
	v33 =	vld [tilespmem:s24+$0xFFFFFF20];
	_ =	sdelay $0x4  }
0xf3: {  	[tilespmem:v55+s16+$0x0] =	vst.idx.msk $0xffff, v33  }
0xf4: {  	s26 =	sadd.s32 $0xFFFFFFFA, s25;
	v56 =	vadd.s32 v4, v35;
	v33 =	vld [tilespmem:s24+$0xFFFFFF30]  }
0xf5: {  	v57 =	vmov s26  }
0xf6: {  	v35 =	vshrl.u32 v57, $0x3  }
0xf7: {  	v35 =	vshll.u32 v35, v1  }
0xf8: {  	v35 =	vbroadcast v35, $0x0  }
0xf9: {  	[tilespmem:v56+s16+$0x0] =	vst.idx.msk $0xffff, v33  }
0xfa: {  	v58 =	vadd.s32 v5, v35;
	v33 =	vld [tilespmem:s24+$0xFFFFFF40];
	_ =	sdelay $0x4  }
0xfb: {  	[tilespmem:v58+s16+$0x0] =	vst.idx.msk $0xffff, v33  }
0xfc: {  	v59 =	vadd.s32 v6, v35;
	v33 =	vld [tilespmem:s24+$0xFFFFFF50];
	_ =	sdelay $0x4  }
0xfd: {  	[tilespmem:v59+s16+$0x0] =	vst.idx.msk $0xffff, v33  }
0xfe: {  	v60 =	vadd.s32 v7, v35;
	v33 =	vld [tilespmem:s24+$0xFFFFFF60];
	_ =	sdelay $0x4  }
0xff: {  	[tilespmem:v60+s16+$0x0] =	vst.idx.msk $0xffff, v33  }
0x100: {  	s31 =	sadd.s32 $0xFFFFFFFB, s25;
	v61 =	vadd.s32 v8, v35;
	v33 =	vld [tilespmem:s24+$0xFFFFFF70]  }
0x101: {  	v62 =	vmov s31  }
0x102: {  	v35 =	vshrl.u32 v62, $0x3  }
0x103: {  	v35 =	vshll.u32 v35, v1  }
0x104: {  	v35 =	vbroadcast v35, $0x0  }
0x105: {  	[tilespmem:v61+s16+$0x0] =	vst.idx.msk $0xffff, v33  }
0x106: {  	v63 =	vadd.s32 v9, v35;
	v33 =	vld [tilespmem:s24+$0xFFFFFF80];
	_ =	sdelay $0x4  }
0x107: {  	[tilespmem:v63+s16+$0x0] =	vst.idx.msk $0xffff, v33  }
0x108: {  	v36 =	vadd.s32 v10, v35;
	v33 =	vld [tilespmem:s24+$0xFFFFFF90];
	_ =	sdelay $0x4  }
0x109: {  	[tilespmem:v36+s16+$0x0] =	vst.idx.msk $0xffff, v33  }
0x10a: {  	v37 =	vadd.s32 v11, v35;
	v33 =	vld [tilespmem:s24+$0xFFFFFFA0];
	_ =	sdelay $0x4  }
0x10b: {  	[tilespmem:v37+s16+$0x0] =	vst.idx.msk $0xffff, v33  }
0x10c: {  	s30 =	sadd.s32 $0xFFFFFFFC, s25;
	v38 =	vadd.s32 v12, v35;
	v33 =	vld [tilespmem:s24+$0xFFFFFFB0]  }
0x10d: {  	v39 =	vmov s30  }
0x10e: {  	v35 =	vshrl.u32 v39, $0x3  }
0x10f: {  	v35 =	vshll.u32 v35, v1  }
0x110: {  	v35 =	vbroadcast v35, $0x0  }
0x111: {  	[tilespmem:v38+s16+$0x0] =	vst.idx.msk $0xffff, v33  }
0x112: {  	v40 =	vadd.s32 v13, v35;
	v33 =	vld [tilespmem:s24+$0xFFFFFFC0];
	_ =	sdelay $0x4  }
0x113: {  	[tilespmem:v40+s16+$0x0] =	vst.idx.msk $0xffff, v33  }
0x114: {  	v41 =	vadd.s32 v14, v35;
	v33 =	vld [tilespmem:s24+$0xFFFFFFD0];
	_ =	sdelay $0x4  }
0x115: {  	[tilespmem:v41+s16+$0x0] =	vst.idx.msk $0xffff, v33  }
0x116: {  	v42 =	vadd.s32 v15, v35;
	v33 =	vld [tilespmem:s24+$0xFFFFFFE0];
	_ =	sdelay $0x4  }
0x117: {  	[tilespmem:v42+s16+$0x0] =	vst.idx.msk $0xffff, v33  }
0x118: {  	s31 =	sadd.s32 $0xFFFFFFFD, s25;
	v43 =	vadd.s32 v16, v35;
	v33 =	vld [tilespmem:s24+$0xFFFFFFF0]  }
0x119: {  	v44 =	vmov s31  }
0x11a: {  	v35 =	vshrl.u32 v44, $0x3  }
0x11b: {  	v35 =	vshll.u32 v35, v1  }
0x11c: {  	v35 =	vbroadcast v35, $0x0  }
0x11d: {  	[tilespmem:v43+s16+$0x0] =	vst.idx.msk $0xffff, v33  }
0x11e: {  	v45 =	vadd.s32 v17, v35;
	v33 =	vld [tilespmem:s24+$0x0];
	_ =	sdelay $0x4  }
0x11f: {  	[tilespmem:v45+s16+$0x0] =	vst.idx.msk $0xffff, v33  }
0x120: {  	v46 =	vadd.s32 v18, v35;
	v33 =	vld [tilespmem:s24+$0x10];
	_ =	sdelay $0x4  }
0x121: {  	[tilespmem:v46+s16+$0x0] =	vst.idx.msk $0xffff, v33  }
0x122: {  	v47 =	vadd.s32 v19, v35;
	v33 =	vld [tilespmem:s24+$0x20];
	_ =	sdelay $0x4  }
0x123: {  	[tilespmem:v47+s16+$0x0] =	vst.idx.msk $0xffff, v33  }
0x124: {  	s30 =	sadd.s32 $0xFFFFFFFE, s25;
	v48 =	vadd.s32 v20, v35;
	v33 =	vld [tilespmem:s24+$0x30]  }
0x125: {  	v49 =	vmov s30  }
0x126: {  	v35 =	vshrl.u32 v49, $0x3  }
0x127: {  	v35 =	vshll.u32 v35, v1  }
0x128: {  	v35 =	vbroadcast v35, $0x0  }
0x129: {  	[tilespmem:v48+s16+$0x0] =	vst.idx.msk $0xffff, v33  }
0x12a: {  	v50 =	vadd.s32 v21, v35;
	v33 =	vld [tilespmem:s24+$0x40];
	_ =	sdelay $0x4  }
0x12b: {  	[tilespmem:v50+s16+$0x0] =	vst.idx.msk $0xffff, v33  }
0x12c: {  	v51 =	vadd.s32 v22, v35;
	v33 =	vld [tilespmem:s24+$0x50];
	_ =	sdelay $0x4  }
0x12d: {  	[tilespmem:v51+s16+$0x0] =	vst.idx.msk $0xffff, v33  }
0x12e: {  	v52 =	vadd.s32 v23, v35;
	v33 =	vld [tilespmem:s24+$0x60];
	_ =	sdelay $0x4  }
0x12f: {  	[tilespmem:v52+s16+$0x0] =	vst.idx.msk $0xffff, v33  }
0x130: {  	s31 =	sadd.s32 $0xFFFFFFFF, s25;
	v53 =	vadd.s32 v24, v35;
	v33 =	vld [tilespmem:s24+$0x70]  }
0x131: {  	v54 =	vmov s31  }
0x132: {  	v35 =	vshrl.u32 v54, $0x3  }
0x133: {  	v35 =	vshll.u32 v35, v1  }
0x134: {  	v35 =	vbroadcast v35, $0x0  }
0x135: {  	[tilespmem:v53+s16+$0x0] =	vst.idx.msk $0xffff, v33  }
0x136: {  	v55 =	vadd.s32 v25, v35;
	v33 =	vld [tilespmem:s24+$0x80];
	_ =	sdelay $0x4  }
0x137: {  	[tilespmem:v55+s16+$0x0] =	vst.idx.msk $0xffff, v33  }
0x138: {  	v56 =	vadd.s32 v26, v35;
	v33 =	vld [tilespmem:s24+$0x90];
	_ =	sdelay $0x4  }
0x139: {  	[tilespmem:v56+s16+$0x0] =	vst.idx.msk $0xffff, v33  }
0x13a: {  	v57 =	vadd.s32 v27, v35;
	v33 =	vld [tilespmem:s24+$0xA0];
	_ =	sdelay $0x4  }
0x13b: {  	[tilespmem:v57+s16+$0x0] =	vst.idx.msk $0xffff, v33  }
0x13c: {  	v58 =	vadd.s32 v28, v35;
	v33 =	vld [tilespmem:s24+$0xB0]  }
0x13d: {  	v59 =	vmov s25  }
0x13e: {  	v35 =	vshrl.u32 v59, $0x3  }
0x13f: {  	v35 =	vshll.u32 v35, v1  }
0x140: {  	v35 =	vbroadcast v35, $0x0  }
0x141: {  	[tilespmem:v58+s16+$0x0] =	vst.idx.msk $0xffff, v33  }
0x142: {  	v60 =	vadd.s32 v29, v35;
	v33 =	vld [tilespmem:s24+$0xC0];
	_ =	sdelay $0x4  }
0x143: {  	[tilespmem:v60+s16+$0x0] =	vst.idx.msk $0xffff, v33  }
0x144: {  	v61 =	vadd.s32 v30, v35;
	v33 =	vld [tilespmem:s24+$0xD0];
	_ =	sdelay $0x4  }
0x145: {  	[tilespmem:v61+s16+$0x0] =	vst.idx.msk $0xffff, v33  }
0x146: {  	v62 =	vadd.s32 v31, v35;
	v33 =	vld [tilespmem:s24+$0xE0];
	_ =	sdelay $0x4  }
0x147: {  	[tilespmem:v62+s16+$0x0] =	vst.idx.msk $0xffff, v33  }
0x148: {  	s23 =	sadd.s32 s4, s23;
	v63 =	vadd.s32 v32, v35;
	v33 =	vld [tilespmem:s24+$0xF0]  }
0x149: {  	s25 =	sshll.u32 s23, $0x6;
	s23 =	sshll.u32 s23, $0x3  }
0x14a: {  	s23 =	sand.u32 $0x6000, s23;
	s24 =	sand.u32 $0x7FFC0000, s25  }
0x14b: {  	s23 =	sor.u32 s23, s24  }
0x14c: {  	s23 =	sshrl.u32 s23, $0x3  }
0x14d: {  	s26 =	simm.s32 $0x10400;
	s25 =	sadd.s32 s2, s23;
	[tilespmem:v63+s16+$0x0] =	vst.idx.msk $0xffff, v33  }
0x14e: {  	[hbm4b:s25+s3] =	stream.linear.scatter [tilespmem:s26], [sflag:$0x3], $0x80, $0x38;
	[tilespmem:$0x18600] =	vst v63  }
0x14f: {  	s30 =	simm.s32 $0x10608;
	s31 =	sadd.s32 $0x10, s25  }
0x150: {  	[hbm4b:s31+s3] =	stream.linear.scatter [tilespmem:s30], [sflag:$0x3], $0x80, $0x38;
	[tilespmem:$0x18600] =	vst v63  }
0x151: {  	s28 =	simm.s32 $0x11238;
	s30 =	simm.s32 $0x10810;
	s31 =	sadd.s32 $0x20, s25  }
0x152: {  	[hbm4b:s31+s3] =	stream.linear.scatter [tilespmem:s30], [sflag:$0x3], $0x80, $0x38;
	[tilespmem:$0x18600] =	vst v63  }
0x153: {  	s24 =	simm.s32 $0x1040;
	s30 =	simm.s32 $0x10A18;
	s31 =	sadd.s32 $0x30, s25  }
0x154: {  	[hbm4b:s31+s3] =	stream.linear.scatter [tilespmem:s30], [sflag:$0x3], $0x80, $0x38;
	[tilespmem:$0x18600] =	vst v63  }
0x155: {  	s29 =	sadd.s32 $0x70, s25;
	s30 =	simm.s32 $0x10C20;
	s31 =	sadd.s32 $0x40, s25  }
0x156: {  	[hbm4b:s31+s3] =	stream.linear.scatter [tilespmem:s30], [sflag:$0x3], $0x80, $0x38;
	[tilespmem:$0x18600] =	vst v63  }
0x157: {  	s26 =	simm.s32 $0x8200;
	s30 =	simm.s32 $0x10E28;
	s31 =	sadd.s32 $0x50, s25  }
0x158: {  	[hbm4b:s31+s3] =	stream.linear.scatter [tilespmem:s30], [sflag:$0x3], $0x80, $0x38;
	[tilespmem:$0x18600] =	vst v63  }
0x159: {  	s30 =	simm.s32 $0x11030;
	s31 =	sadd.s32 $0x60, s25;
	s25 =	sadd.s32 $0x1000, s25  }
0x15a: {  	[hbm4b:s31+s3] =	stream.linear.scatter [tilespmem:s30], [sflag:$0x3], $0x80, $0x38;
	[tilespmem:$0x18600] =	vst v63  }
.LBB2_5:
0x15b: {  	[hbm4b:s29+s3] =	stream.linear.scatter [tilespmem:s28], [sflag:$0x3], $0x80, $0x38;
	[tilespmem:$0x18600] =	vst v63  }
0x15c: {  	s28 =	smov.u32 s24;
	s24 =	smov.u32 s26  }
0x15d: {  	s30 =	sadd.s32 $0x4100, s26;
	s24 =	sshra.s32 s24, $0x2;
	s29 =	sadd.s32 $0x10400, s28  }
0x15e: {  	[hbm4b:s25+s3] =	stream.linear.scatter [tilespmem:s29], [sflag:$0x3], $0x80, $0x38;
	[tilespmem:$0x18600] =	vst v63  }
0x15f: {  	p0 =	sne.s32 s26, $0x1C700;
	s26 =	sadd.s32 $0x10608, s28;
	s29 =	sadd.s32 $0x10, s25  }
0x160: {  	[hbm4b:s29+s3] =	stream.linear.scatter [tilespmem:s26], [sflag:$0x3], $0x80, $0x38;
	[tilespmem:$0x18600] =	vst v63  }
0x161: {  	s26 =	sadd.s32 $0x10810, s28;
	s29 =	sadd.s32 $0x20, s25  }
0x162: {  	[hbm4b:s29+s3] =	stream.linear.scatter [tilespmem:s26], [sflag:$0x3], $0x80, $0x38;
	[tilespmem:$0x18600] =	vst v63  }
0x163: {  	s26 =	sadd.s32 $0x10A18, s28;
	s29 =	sadd.s32 $0x30, s25  }
0x164: {  	[hbm4b:s29+s3] =	stream.linear.scatter [tilespmem:s26], [sflag:$0x3], $0x80, $0x38;
	[tilespmem:$0x18600] =	vst v63  }
0x165: {  	s26 =	sadd.s32 $0x10C20, s28;
	s29 =	sadd.s32 $0x40, s25  }
0x166: {  	[hbm4b:s29+s3] =	stream.linear.scatter [tilespmem:s26], [sflag:$0x3], $0x80, $0x38;
	[tilespmem:$0x18600] =	vst v63  }
.Ltmp1:
0x167: {  	s26 =	sadd.s32 $0x10E28, s28;
	s29 =	sadd.s32 $0x50, s25;
	(pc) =	sbr.rel @p0 .LBB2_5-.Ltmp1, $4  }
0x168: {  	[hbm4b:s29+s3] =	stream.linear.scatter [tilespmem:s26], [sflag:$0x3], $0x80, $0x38;
	[tilespmem:$0x18600] =	vst v63  }
0x169: {  	s26 =	sadd.s32 $0x11030, s28;
	s29 =	sadd.s32 $0x60, s25;
	s28 =	sadd.s32 $0x11238, s28  }
0x16a: {  	[hbm4b:s29+s3] =	stream.linear.scatter [tilespmem:s26], [sflag:$0x3], $0x80, $0x38;
	[tilespmem:$0x18600] =	vst v63  }
0x16b: {  	s29 =	sadd.s32 $0x70, s25;
	s25 =	sadd.s32 $0x1000, s25;
	s26 =	smov.u32 s30  }
0x16c: {  	[hbm4b:s29+s3] =	stream.linear.scatter [tilespmem:s28], [sflag:$0x3], $0x80, $0x38;
	[tilespmem:$0x18600] =	vst v63  }
0x16d: {  	s26 =	sadd.s32 $0x10400, s24  }
0x16e: {  	[hbm4b:s25+s3] =	stream.linear.scatter [tilespmem:s26], [sflag:$0x3], $0x80, $0x38;
	[tilespmem:$0x18600] =	vst v63  }
0x16f: {  	s30 =	sadd.s32 $0x10608, s24;
	s28 =	sadd.s32 $0x10, s25  }
0x170: {  	[hbm4b:s28+s3] =	stream.linear.scatter [tilespmem:s30], [sflag:$0x3], $0x80, $0x38;
	[tilespmem:$0x18600] =	vst v63  }
0x171: {  	s31 =	sadd.s32 $0x10810, s24;
	s28 =	sadd.s32 $0x20, s25  }
0x172: {  	[hbm4b:s28+s3] =	stream.linear.scatter [tilespmem:s31], [sflag:$0x3], $0x80, $0x38;
	[tilespmem:$0x18600] =	vst v63  }
0x173: {  	s30 =	sadd.s32 $0x10A18, s24;
	s28 =	sadd.s32 $0x30, s25  }
0x174: {  	[hbm4b:s28+s3] =	stream.linear.scatter [tilespmem:s30], [sflag:$0x3], $0x80, $0x38;
	[tilespmem:$0x18600] =	vst v63  }
0x175: {  	s31 =	sadd.s32 $0x10C20, s24;
	s28 =	sadd.s32 $0x40, s25  }
0x176: {  	[hbm4b:s28+s3] =	stream.linear.scatter [tilespmem:s31], [sflag:$0x3], $0x80, $0x38;
	[tilespmem:$0x18600] =	vst v63  }
0x177: {  	s30 =	sadd.s32 $0x10E28, s24;
	s28 =	sadd.s32 $0x50, s25  }
0x178: {  	[hbm4b:s28+s3] =	stream.linear.scatter [tilespmem:s30], [sflag:$0x3], $0x80, $0x38;
	[tilespmem:$0x18600] =	vst v63  }
0x179: {  	s31 =	sadd.s32 $0x11030, s24;
	s28 =	sadd.s32 $0x60, s25  }
0x17a: {  	[hbm4b:s28+s3] =	stream.linear.scatter [tilespmem:s31], [sflag:$0x3], $0x80, $0x38;
	[tilespmem:$0x18600] =	vst v63  }
0x17b: {  	s23 =	sadd.s32 s23, s2;
	s30 =	sadd.s32 $0x11238, s24;
	s31 =	sadd.s32 $0x70, s25  }
0x17c: {  	[hbm4b:s31+s3] =	stream.linear.scatter [tilespmem:s30], [sflag:$0x3], $0x80, $0x38;
	[tilespmem:$0x18600] =	vst v63  }
0x17d: {  	s26 =	simm.s32 $0x10480;
	s25 =	sadd.s32 $0x80, s23  }
0x17e: {  	[hbm4b:s25+s3] =	stream.linear.scatter [tilespmem:s26], [sflag:$0x3], $0x80, $0x38;
	[tilespmem:$0x18600] =	vst v63  }
0x17f: {  	s30 =	simm.s32 $0x10688;
	s31 =	sadd.s32 $0x10, s25  }
0x180: {  	[hbm4b:s31+s3] =	stream.linear.scatter [tilespmem:s30], [sflag:$0x3], $0x80, $0x38;
	[tilespmem:$0x18600] =	vst v63  }
0x181: {  	s24 =	simm.s32 $0x1040;
	s30 =	simm.s32 $0x10890;
	s31 =	sadd.s32 $0x20, s25  }
0x182: {  	[hbm4b:s31+s3] =	stream.linear.scatter [tilespmem:s30], [sflag:$0x3], $0x80, $0x38;
	[tilespmem:$0x18600] =	vst v63  }
0x183: {  	s28 =	simm.s32 $0x112B8;
	s30 =	simm.s32 $0x10A98;
	s31 =	sadd.s32 $0x30, s25  }
0x184: {  	[hbm4b:s31+s3] =	stream.linear.scatter [tilespmem:s30], [sflag:$0x3], $0x80, $0x38;
	[tilespmem:$0x18600] =	vst v63  }
0x185: {  	s29 =	sadd.s32 $0x70, s25;
	s30 =	simm.s32 $0x10CA0;
	s31 =	sadd.s32 $0x40, s25  }
0x186: {  	[hbm4b:s31+s3] =	stream.linear.scatter [tilespmem:s30], [sflag:$0x3], $0x80, $0x38;
	[tilespmem:$0x18600] =	vst v63  }
0x187: {  	s26 =	simm.s32 $0x8200;
	s30 =	simm.s32 $0x10EA8;
	s31 =	sadd.s32 $0x50, s25  }
0x188: {  	[hbm4b:s31+s3] =	stream.linear.scatter [tilespmem:s30], [sflag:$0x3], $0x80, $0x38;
	[tilespmem:$0x18600] =	vst v63  }
0x189: {  	s30 =	simm.s32 $0x110B0;
	s31 =	sadd.s32 $0x60, s25;
	s25 =	sadd.s32 $0x1000, s25  }
0x18a: {  	[hbm4b:s31+s3] =	stream.linear.scatter [tilespmem:s30], [sflag:$0x3], $0x80, $0x38;
	[tilespmem:$0x18600] =	vst v63  }
.LBB2_7:
0x18b: {  	[hbm4b:s29+s3] =	stream.linear.scatter [tilespmem:s28], [sflag:$0x3], $0x80, $0x38;
	[tilespmem:$0x18600] =	vst v63  }
0x18c: {  	s28 =	smov.u32 s24;
	s24 =	smov.u32 s26  }
0x18d: {  	s30 =	sadd.s32 $0x4100, s26;
	s24 =	sshra.s32 s24, $0x2;
	s29 =	sadd.s32 $0x10480, s28  }
0x18e: {  	[hbm4b:s25+s3] =	stream.linear.scatter [tilespmem:s29], [sflag:$0x3], $0x80, $0x38;
	[tilespmem:$0x18600] =	vst v63  }
0x18f: {  	p0 =	sne.s32 s26, $0x1C700;
	s26 =	sadd.s32 $0x10688, s28;
	s29 =	sadd.s32 $0x10, s25  }
0x190: {  	[hbm4b:s29+s3] =	stream.linear.scatter [tilespmem:s26], [sflag:$0x3], $0x80, $0x38;
	[tilespmem:$0x18600] =	vst v63  }
0x191: {  	s26 =	sadd.s32 $0x10890, s28;
	s29 =	sadd.s32 $0x20, s25  }
0x192: {  	[hbm4b:s29+s3] =	stream.linear.scatter [tilespmem:s26], [sflag:$0x3], $0x80, $0x38;
	[tilespmem:$0x18600] =	vst v63  }
0x193: {  	s26 =	sadd.s32 $0x10A98, s28;
	s29 =	sadd.s32 $0x30, s25  }
0x194: {  	[hbm4b:s29+s3] =	stream.linear.scatter [tilespmem:s26], [sflag:$0x3], $0x80, $0x38;
	[tilespmem:$0x18600] =	vst v63  }
0x195: {  	s26 =	sadd.s32 $0x10CA0, s28;
	s29 =	sadd.s32 $0x40, s25  }
0x196: {  	[hbm4b:s29+s3] =	stream.linear.scatter [tilespmem:s26], [sflag:$0x3], $0x80, $0x38;
	[tilespmem:$0x18600] =	vst v63  }
.Ltmp2:
0x197: {  	s26 =	sadd.s32 $0x10EA8, s28;
	s29 =	sadd.s32 $0x50, s25;
	(pc) =	sbr.rel @p0 .LBB2_7-.Ltmp2, $4  }
0x198: {  	[hbm4b:s29+s3] =	stream.linear.scatter [tilespmem:s26], [sflag:$0x3], $0x80, $0x38;
	[tilespmem:$0x18600] =	vst v63  }
0x199: {  	s26 =	sadd.s32 $0x110B0, s28;
	s29 =	sadd.s32 $0x60, s25;
	s28 =	sadd.s32 $0x112B8, s28  }
0x19a: {  	[hbm4b:s29+s3] =	stream.linear.scatter [tilespmem:s26], [sflag:$0x3], $0x80, $0x38;
	[tilespmem:$0x18600] =	vst v63  }
0x19b: {  	s29 =	sadd.s32 $0x70, s25;
	s25 =	sadd.s32 $0x1000, s25;
	s26 =	smov.u32 s30  }
0x19c: {  	[hbm4b:s29+s3] =	stream.linear.scatter [tilespmem:s28], [sflag:$0x3], $0x80, $0x38;
	[tilespmem:$0x18600] =	vst v63  }
0x19d: {  	s26 =	sadd.s32 $0x10480, s24  }
0x19e: {  	[hbm4b:s25+s3] =	stream.linear.scatter [tilespmem:s26], [sflag:$0x3], $0x80, $0x38;
	[tilespmem:$0x18600] =	vst v63  }
0x19f: {  	s30 =	sadd.s32 $0x10688, s24;
	s28 =	sadd.s32 $0x10, s25  }
0x1a0: {  	[hbm4b:s28+s3] =	stream.linear.scatter [tilespmem:s30], [sflag:$0x3], $0x80, $0x38;
	[tilespmem:$0x18600] =	vst v63  }
0x1a1: {  	s31 =	sadd.s32 $0x10890, s24;
	s28 =	sadd.s32 $0x20, s25  }
0x1a2: {  	[hbm4b:s28+s3] =	stream.linear.scatter [tilespmem:s31], [sflag:$0x3], $0x80, $0x38;
	[tilespmem:$0x18600] =	vst v63  }
0x1a3: {  	s30 =	sadd.s32 $0x10A98, s24;
	s28 =	sadd.s32 $0x30, s25  }
0x1a4: {  	[hbm4b:s28+s3] =	stream.linear.scatter [tilespmem:s30], [sflag:$0x3], $0x80, $0x38;
	[tilespmem:$0x18600] =	vst v63  }
0x1a5: {  	s31 =	sadd.s32 $0x10CA0, s24;
	s28 =	sadd.s32 $0x40, s25  }
0x1a6: {  	[hbm4b:s28+s3] =	stream.linear.scatter [tilespmem:s31], [sflag:$0x3], $0x80, $0x38;
	[tilespmem:$0x18600] =	vst v63  }
0x1a7: {  	s30 =	sadd.s32 $0x10EA8, s24;
	s28 =	sadd.s32 $0x50, s25  }
0x1a8: {  	[hbm4b:s28+s3] =	stream.linear.scatter [tilespmem:s30], [sflag:$0x3], $0x80, $0x38;
	[tilespmem:$0x18600] =	vst v63  }
0x1a9: {  	s31 =	sadd.s32 $0x110B0, s24;
	s28 =	sadd.s32 $0x60, s25  }
0x1aa: {  	[hbm4b:s28+s3] =	stream.linear.scatter [tilespmem:s31], [sflag:$0x3], $0x80, $0x38;
	[tilespmem:$0x18600] =	vst v63  }
0x1ab: {  	s30 =	sadd.s32 $0x112B8, s24;
	s31 =	sadd.s32 $0x70, s25  }
0x1ac: {  	[hbm4b:s31+s3] =	stream.linear.scatter [tilespmem:s30], [sflag:$0x3], $0x80, $0x38;
	[tilespmem:$0x18600] =	vst v63  }
0x1ad: {  	s26 =	simm.s32 $0x10500;
	s25 =	sadd.s32 $0x100, s23  }
0x1ae: {  	[hbm4b:s25+s3] =	stream.linear.scatter [tilespmem:s26], [sflag:$0x3], $0x80, $0x38;
	[tilespmem:$0x18600] =	vst v63  }
0x1af: {  	s30 =	simm.s32 $0x10708;
	s31 =	sadd.s32 $0x10, s25  }
0x1b0: {  	[hbm4b:s31+s3] =	stream.linear.scatter [tilespmem:s30], [sflag:$0x3], $0x80, $0x38;
	[tilespmem:$0x18600] =	vst v63  }
0x1b1: {  	s24 =	simm.s32 $0x1040;
	s30 =	simm.s32 $0x10910;
	s31 =	sadd.s32 $0x20, s25  }
0x1b2: {  	[hbm4b:s31+s3] =	stream.linear.scatter [tilespmem:s30], [sflag:$0x3], $0x80, $0x38;
	[tilespmem:$0x18600] =	vst v63  }
0x1b3: {  	s28 =	simm.s32 $0x11338;
	s30 =	simm.s32 $0x10B18;
	s31 =	sadd.s32 $0x30, s25  }
0x1b4: {  	[hbm4b:s31+s3] =	stream.linear.scatter [tilespmem:s30], [sflag:$0x3], $0x80, $0x38;
	[tilespmem:$0x18600] =	vst v63  }
0x1b5: {  	s29 =	sadd.s32 $0x70, s25;
	s30 =	simm.s32 $0x10D20;
	s31 =	sadd.s32 $0x40, s25  }
0x1b6: {  	[hbm4b:s31+s3] =	stream.linear.scatter [tilespmem:s30], [sflag:$0x3], $0x80, $0x38;
	[tilespmem:$0x18600] =	vst v63  }
0x1b7: {  	s26 =	simm.s32 $0x8200;
	s30 =	simm.s32 $0x10F28;
	s31 =	sadd.s32 $0x50, s25  }
0x1b8: {  	[hbm4b:s31+s3] =	stream.linear.scatter [tilespmem:s30], [sflag:$0x3], $0x80, $0x38;
	[tilespmem:$0x18600] =	vst v63  }
0x1b9: {  	s30 =	simm.s32 $0x11130;
	s31 =	sadd.s32 $0x60, s25;
	s25 =	sadd.s32 $0x1000, s25  }
0x1ba: {  	[hbm4b:s31+s3] =	stream.linear.scatter [tilespmem:s30], [sflag:$0x3], $0x80, $0x38;
	[tilespmem:$0x18600] =	vst v63  }
.LBB2_9:
0x1bb: {  	[hbm4b:s29+s3] =	stream.linear.scatter [tilespmem:s28], [sflag:$0x3], $0x80, $0x38;
	[tilespmem:$0x18600] =	vst v63  }
0x1bc: {  	s28 =	smov.u32 s24;
	s24 =	smov.u32 s26  }
0x1bd: {  	s30 =	sadd.s32 $0x4100, s26;
	s24 =	sshra.s32 s24, $0x2;
	s29 =	sadd.s32 $0x10500, s28  }
0x1be: {  	[hbm4b:s25+s3] =	stream.linear.scatter [tilespmem:s29], [sflag:$0x3], $0x80, $0x38;
	[tilespmem:$0x18600] =	vst v63  }
0x1bf: {  	p0 =	sne.s32 s26, $0x1C700;
	s26 =	sadd.s32 $0x10708, s28;
	s29 =	sadd.s32 $0x10, s25  }
0x1c0: {  	[hbm4b:s29+s3] =	stream.linear.scatter [tilespmem:s26], [sflag:$0x3], $0x80, $0x38;
	[tilespmem:$0x18600] =	vst v63  }
0x1c1: {  	s26 =	sadd.s32 $0x10910, s28;
	s29 =	sadd.s32 $0x20, s25  }
0x1c2: {  	[hbm4b:s29+s3] =	stream.linear.scatter [tilespmem:s26], [sflag:$0x3], $0x80, $0x38;
	[tilespmem:$0x18600] =	vst v63  }
0x1c3: {  	s26 =	sadd.s32 $0x10B18, s28;
	s29 =	sadd.s32 $0x30, s25  }
0x1c4: {  	[hbm4b:s29+s3] =	stream.linear.scatter [tilespmem:s26], [sflag:$0x3], $0x80, $0x38;
	[tilespmem:$0x18600] =	vst v63  }
0x1c5: {  	s26 =	sadd.s32 $0x10D20, s28;
	s29 =	sadd.s32 $0x40, s25  }
0x1c6: {  	[hbm4b:s29+s3] =	stream.linear.scatter [tilespmem:s26], [sflag:$0x3], $0x80, $0x38;
	[tilespmem:$0x18600] =	vst v63  }
.Ltmp3:
0x1c7: {  	s26 =	sadd.s32 $0x10F28, s28;
	s29 =	sadd.s32 $0x50, s25;
	(pc) =	sbr.rel @p0 .LBB2_9-.Ltmp3, $4  }
0x1c8: {  	[hbm4b:s29+s3] =	stream.linear.scatter [tilespmem:s26], [sflag:$0x3], $0x80, $0x38;
	[tilespmem:$0x18600] =	vst v63  }
0x1c9: {  	s26 =	sadd.s32 $0x11130, s28;
	s29 =	sadd.s32 $0x60, s25;
	s28 =	sadd.s32 $0x11338, s28  }
0x1ca: {  	[hbm4b:s29+s3] =	stream.linear.scatter [tilespmem:s26], [sflag:$0x3], $0x80, $0x38;
	[tilespmem:$0x18600] =	vst v63  }
0x1cb: {  	s29 =	sadd.s32 $0x70, s25;
	s25 =	sadd.s32 $0x1000, s25;
	s26 =	smov.u32 s30  }
0x1cc: {  	[hbm4b:s29+s3] =	stream.linear.scatter [tilespmem:s28], [sflag:$0x3], $0x80, $0x38;
	[tilespmem:$0x18600] =	vst v63  }
0x1cd: {  	s26 =	sadd.s32 $0x10500, s24  }
0x1ce: {  	[hbm4b:s25+s3] =	stream.linear.scatter [tilespmem:s26], [sflag:$0x3], $0x80, $0x38;
	[tilespmem:$0x18600] =	vst v63  }
0x1cf: {  	s30 =	sadd.s32 $0x10708, s24;
	s28 =	sadd.s32 $0x10, s25  }
0x1d0: {  	[hbm4b:s28+s3] =	stream.linear.scatter [tilespmem:s30], [sflag:$0x3], $0x80, $0x38;
	[tilespmem:$0x18600] =	vst v63  }
0x1d1: {  	s31 =	sadd.s32 $0x10910, s24;
	s28 =	sadd.s32 $0x20, s25  }
0x1d2: {  	[hbm4b:s28+s3] =	stream.linear.scatter [tilespmem:s31], [sflag:$0x3], $0x80, $0x38;
	[tilespmem:$0x18600] =	vst v63  }
0x1d3: {  	s29 =	sadd.s32 $0x10B18, s24;
	s28 =	sadd.s32 $0x30, s25  }
0x1d4: {  	[hbm4b:s28+s3] =	stream.linear.scatter [tilespmem:s29], [sflag:$0x3], $0x80, $0x38;
	[tilespmem:$0x18600] =	vst v63  }
0x1d5: {  	s30 =	sadd.s32 $0x10D20, s24;
	s28 =	sadd.s32 $0x40, s25  }
0x1d6: {  	[hbm4b:s28+s3] =	stream.linear.scatter [tilespmem:s30], [sflag:$0x3], $0x80, $0x38;
	[tilespmem:$0x18600] =	vst v63  }
0x1d7: {  	s31 =	sadd.s32 $0x10F28, s24;
	s28 =	sadd.s32 $0x50, s25  }
0x1d8: {  	[hbm4b:s28+s3] =	stream.linear.scatter [tilespmem:s31], [sflag:$0x3], $0x80, $0x38;
	[tilespmem:$0x18600] =	vst v63  }
0x1d9: {  	s29 =	sadd.s32 $0x11130, s24;
	s28 =	sadd.s32 $0x60, s25  }
0x1da: {  	[hbm4b:s28+s3] =	stream.linear.scatter [tilespmem:s29], [sflag:$0x3], $0x80, $0x38;
	[tilespmem:$0x18600] =	vst v63  }
0x1db: {  	s30 =	sadd.s32 $0x11338, s24;
	s31 =	sadd.s32 $0x70, s25  }
0x1dc: {  	[hbm4b:s31+s3] =	stream.linear.scatter [tilespmem:s30], [sflag:$0x3], $0x80, $0x38;
	[tilespmem:$0x18600] =	vst v63  }
0x1dd: {  	s24 =	sadd.s32 $0x180, s23;
	s25 =	simm.s32 $0x10580  }
0x1de: {  	[hbm4b:s24+s3] =	stream.linear.scatter [tilespmem:s25], [sflag:$0x3], $0x80, $0x38;
	[tilespmem:$0x18600] =	vst v63  }
0x1df: {  	s26 =	simm.s32 $0x10788;
	s29 =	sadd.s32 $0x10, s24  }
0x1e0: {  	[hbm4b:s29+s3] =	stream.linear.scatter [tilespmem:s26], [sflag:$0x3], $0x80, $0x38;
	[tilespmem:$0x18600] =	vst v63  }
0x1e1: {  	s23 =	simm.s32 $0x1040;
	s30 =	simm.s32 $0x10990;
	s31 =	sadd.s32 $0x20, s24  }
0x1e2: {  	[hbm4b:s31+s3] =	stream.linear.scatter [tilespmem:s30], [sflag:$0x3], $0x80, $0x38;
	[tilespmem:$0x18600] =	vst v63  }
0x1e3: {  	s28 =	sadd.s32 $0x70, s24;
	s26 =	simm.s32 $0x10B98;
	s29 =	sadd.s32 $0x30, s24  }
0x1e4: {  	[hbm4b:s29+s3] =	stream.linear.scatter [tilespmem:s26], [sflag:$0x3], $0x80, $0x38;
	[tilespmem:$0x18600] =	vst v63  }
0x1e5: {  	s25 =	simm.s32 $0x8200;
	s30 =	simm.s32 $0x10DA0;
	s31 =	sadd.s32 $0x40, s24  }
0x1e6: {  	[hbm4b:s31+s3] =	stream.linear.scatter [tilespmem:s30], [sflag:$0x3], $0x80, $0x38;
	[tilespmem:$0x18600] =	vst v63  }
0x1e7: {  	s26 =	simm.s32 $0x10FA8;
	s29 =	sadd.s32 $0x50, s24;
	s30 =	simm.s32 $0x111B0  }
0x1e8: {  	[hbm4b:s29+s3] =	stream.linear.scatter [tilespmem:s26], [sflag:$0x3], $0x80, $0x38;
	[tilespmem:$0x18600] =	vst v63  }
0x1e9: {  	s31 =	sadd.s32 $0x60, s24;
	s24 =	sadd.s32 $0x1000, s24;
	s26 =	simm.s32 $0x113B8  }
0x1ea: {  	[hbm4b:s31+s3] =	stream.linear.scatter [tilespmem:s30], [sflag:$0x3], $0x80, $0x38;
	[tilespmem:$0x18600] =	vst v63  }
.LBB2_11:
0x1eb: {  	[hbm4b:s28+s3] =	stream.linear.scatter [tilespmem:s26], [sflag:$0x3], $0x80, $0x38;
	[tilespmem:$0x18600] =	vst v63  }
0x1ec: {  	s26 =	smov.u32 s23;
	s23 =	smov.u32 s25  }
0x1ed: {  	s29 =	sadd.s32 $0x4100, s25;
	s23 =	sshra.s32 s23, $0x2;
	s28 =	sadd.s32 $0x10580, s26  }
0x1ee: {  	[hbm4b:s24+s3] =	stream.linear.scatter [tilespmem:s28], [sflag:$0x3], $0x80, $0x38;
	[tilespmem:$0x18600] =	vst v63  }
0x1ef: {  	p0 =	sne.s32 s25, $0x1C700;
	s25 =	sadd.s32 $0x10788, s26;
	s28 =	sadd.s32 $0x10, s24  }
0x1f0: {  	[hbm4b:s28+s3] =	stream.linear.scatter [tilespmem:s25], [sflag:$0x3], $0x80, $0x38;
	[tilespmem:$0x18600] =	vst v63  }
0x1f1: {  	s25 =	sadd.s32 $0x10990, s26;
	s28 =	sadd.s32 $0x20, s24  }
0x1f2: {  	[hbm4b:s28+s3] =	stream.linear.scatter [tilespmem:s25], [sflag:$0x3], $0x80, $0x38;
	[tilespmem:$0x18600] =	vst v63  }
0x1f3: {  	s25 =	sadd.s32 $0x10B98, s26;
	s28 =	sadd.s32 $0x30, s24  }
0x1f4: {  	[hbm4b:s28+s3] =	stream.linear.scatter [tilespmem:s25], [sflag:$0x3], $0x80, $0x38;
	[tilespmem:$0x18600] =	vst v63  }
0x1f5: {  	s25 =	sadd.s32 $0x10DA0, s26;
	s28 =	sadd.s32 $0x40, s24  }
0x1f6: {  	[hbm4b:s28+s3] =	stream.linear.scatter [tilespmem:s25], [sflag:$0x3], $0x80, $0x38;
	[tilespmem:$0x18600] =	vst v63  }
.Ltmp4:
0x1f7: {  	s25 =	sadd.s32 $0x10FA8, s26;
	s28 =	sadd.s32 $0x50, s24;
	(pc) =	sbr.rel @p0 .LBB2_11-.Ltmp4, $4  }
0x1f8: {  	[hbm4b:s28+s3] =	stream.linear.scatter [tilespmem:s25], [sflag:$0x3], $0x80, $0x38;
	[tilespmem:$0x18600] =	vst v63  }
0x1f9: {  	s25 =	sadd.s32 $0x111B0, s26;
	s28 =	sadd.s32 $0x60, s24;
	s26 =	sadd.s32 $0x113B8, s26  }
0x1fa: {  	[hbm4b:s28+s3] =	stream.linear.scatter [tilespmem:s25], [sflag:$0x3], $0x80, $0x38;
	[tilespmem:$0x18600] =	vst v63  }
0x1fb: {  	s28 =	sadd.s32 $0x70, s24;
	s24 =	sadd.s32 $0x1000, s24;
	s25 =	smov.u32 s29  }
0x1fc: {  	[hbm4b:s28+s3] =	stream.linear.scatter [tilespmem:s26], [sflag:$0x3], $0x80, $0x38;
	[tilespmem:$0x18600] =	vst v63  }
0x1fd: {  	s25 =	sadd.s32 $0x10580, s23  }
0x1fe: {  	[hbm4b:s24+s3] =	stream.linear.scatter [tilespmem:s25], [sflag:$0x3], $0x80, $0x38;
	[tilespmem:$0x18600] =	vst v63  }
0x1ff: {  	s30 =	sadd.s32 $0x10788, s23;
	s31 =	sadd.s32 $0x10, s24  }
0x200: {  	[hbm4b:s31+s3] =	stream.linear.scatter [tilespmem:s30], [sflag:$0x3], $0x80, $0x38;
	[tilespmem:$0x18600] =	vst v63  }
0x201: {  	s28 =	sadd.s32 $0x10990, s23;
	s29 =	sadd.s32 $0x20, s24  }
0x202: {  	[hbm4b:s29+s3] =	stream.linear.scatter [tilespmem:s28], [sflag:$0x3], $0x80, $0x38;
	[tilespmem:$0x18600] =	vst v63  }
0x203: {  	p0 =	seq.s32 s20, $0x18;
	s30 =	sadd.s32 $0x10B98, s23;
	s31 =	sadd.s32 $0x30, s24  }
0x204: {  	[hbm4b:s31+s3] =	stream.linear.scatter [tilespmem:s30], [sflag:$0x3], $0x80, $0x38;
	[tilespmem:$0x18600] =	vst v63  }
0x205: {  	s22 =	smin.u32 @!p0 s22, $0x2F;
	s28 =	sadd.s32 $0x10DA0, s23;
	s29 =	sadd.s32 $0x40, s24  }
0x206: {  	[hbm4b:s29+s3] =	stream.linear.scatter [tilespmem:s28], [sflag:$0x3], $0x80, $0x38;
	[tilespmem:$0x18600] =	vst v63  }
0x207: {  	s22 =	sshll.u32 @!p0 s22, $0x9;
	s30 =	sadd.s32 $0x10FA8, s23;
	s31 =	sadd.s32 $0x50, s24  }
0x208: {  	[hbm4b:s31+s3] =	stream.linear.scatter [tilespmem:s30], [sflag:$0x3], $0x80, $0x38;
	[tilespmem:$0x18600] =	vst v63  }
0x209: {  	s26 =	sadd.s32 $0x111B0, s23;
	s22 =	sadd.s32 @!p0 s22, s9;
	s28 =	sadd.s32 $0x60, s24  }
0x20a: {  	[hbm4b:s28+s3] =	stream.linear.scatter [tilespmem:s26], [sflag:$0x3], $0x80, $0x38;
	[tilespmem:$0x18600] =	vst v63  }
0x20b: {  	s22 =	sshrl.u32 @!p0 s22, $0x3;
	s29 =	sadd.s32 $0x113B8, s23;
	s30 =	sadd.s32 $0x70, s24  }
0x20c: {  	[hbm4b:s30+s3] =	stream.linear.scatter [tilespmem:s29], [sflag:$0x3], $0x80, $0x38;
	[tilespmem:$0x18600] =	vst v63  }
0x20d: {  	s22 =	sadd.s32 @!p0 s5, s22;
	s23 =	simm.s32 @!p0 $0x0  }
0x20e: {  	[tilespmem:s23], [sflag:$0x4] =	stream.linear.gather @!p0 [hbm4b:s22+s23], $0x200, $0x38;
	[tilespmem:$0x18600] =	vst v63  }
0x20f: {  	s22 =	simm.s32 @!p0 $0x4  }
0x210: {  	_ =	swait.ge @!p0 [sflag:s22], $0x200  }
0x211: {  	[sflag:s22] =	ssyncset.done @!p0 $0x0  }
0x212: {  	s24 =	simm.s32 @!p0 $0x400;
	[sflag:s22] =	ssyncadd.s32 @!p0 $0xFFFFFE00;
	s22 =	simm.s32 @!p0 $0x200  }
0x213: {  	[tilespmem:s24], [sflag:$0x1] =	stream.indirect.gather @!p0 [hbm4b:s6+s22], $0x40, s23, s22, $0xb8;
	[tilespmem:$0x18600] =	vst v63  }
0x214: {  	_ =	swait.ge [sflag:s17], $0x8000  }
0x215: {  	[sflag:s17] =	ssyncset.done $0x0  }
0x216: {  	[sflag:s17] =	ssyncadd.s32 $0xFFFF8000  }
0x217: {  	_ =	swait.ge [sflag:s18], $0x2000  }
0x218: {  	[sflag:s18] =	ssyncset.done $0x0  }
0x219: {  	[sflag:s18] =	ssyncadd.s32 $0xFFFFE000  }
0x21a: {  	_ =	swait.ge [sflag:s18], $0x2000  }
0x21b: {  	[sflag:s18] =	ssyncset.done $0x0  }
0x21c: {  	[sflag:s18] =	ssyncadd.s32 $0xFFFFE000  }
0x21d: {  	s31 =	simm.s32 $0x0;
	_ =	swait.ge [sflag:s18], $0x2000  }
0x21e: {  	v33 =	vmov s31;
	[sflag:s18] =	ssyncset.done $0x0  }
0x21f: {  	v33 =	vshrl.u32 v33, $0x3;
	[sflag:s18] =	ssyncadd.s32 $0xFFFFE000  }
0x220: {  	v33 =	vshll.u32 v33, v1;
	_ =	swait.ge [sflag:s18], $0x2000  }
0x221: {  	v33 =	vbroadcast v33, $0x0;
	[sflag:s18] =	ssyncset.done $0x0  }
0x222: {  	s25 =	simm.s32 $0x0;
	[sflag:s18] =	ssyncadd.s32 $0xFFFFE000  }
0x223: {  	v35 =	vadd.s32 v0, v33;
	v34 =	vld [tilespmem:s25+$0x8400];
	_ =	sdelay $0x4  }
0x224: {  	[tilespmem:v35+s16+$0x0] =	vst.idx.msk $0xffff, v34  }
0x225: {  	v56 =	vadd.s32 v2, v33;
	v34 =	vld [tilespmem:s25+$0x8410];
	_ =	sdelay $0x4  }
0x226: {  	[tilespmem:v56+s16+$0x0] =	vst.idx.msk $0xffff, v34  }
0x227: {  	v57 =	vadd.s32 v3, v33;
	v34 =	vld [tilespmem:s25+$0x8420];
	_ =	sdelay $0x4  }
0x228: {  	[tilespmem:v57+s16+$0x0] =	vst.idx.msk $0xffff, v34  }
0x229: {  	v33 =	vadd.s32 v4, v33;
	s23 =	simm.s32 $0x1;
	v34 =	vld [tilespmem:s25+$0x8430]  }
0x22a: {  	v58 =	vmov s23  }
0x22b: {  	v35 =	vshrl.u32 v58, $0x3  }
0x22c: {  	v35 =	vshll.u32 v35, v1  }
0x22d: {  	v35 =	vbroadcast v35, $0x0  }
0x22e: {  	[tilespmem:v33+s16+$0x0] =	vst.idx.msk $0xffff, v34  }
0x22f: {  	v59 =	vadd.s32 v5, v35;
	v33 =	vld [tilespmem:s25+$0x8440];
	_ =	sdelay $0x4  }
0x230: {  	[tilespmem:v59+s16+$0x0] =	vst.idx.msk $0xffff, v33  }
0x231: {  	v60 =	vadd.s32 v6, v35;
	v33 =	vld [tilespmem:s25+$0x8450];
	_ =	sdelay $0x4  }
0x232: {  	[tilespmem:v60+s16+$0x0] =	vst.idx.msk $0xffff, v33  }
0x233: {  	v61 =	vadd.s32 v7, v35;
	v33 =	vld [tilespmem:s25+$0x8460];
	_ =	sdelay $0x4  }
0x234: {  	[tilespmem:v61+s16+$0x0] =	vst.idx.msk $0xffff, v33  }
0x235: {  	s24 =	simm.s32 $0x2;
	v62 =	vadd.s32 v8, v35;
	v33 =	vld [tilespmem:s25+$0x8470]  }
0x236: {  	v63 =	vmov s24  }
0x237: {  	v35 =	vshrl.u32 v63, $0x3  }
0x238: {  	v35 =	vshll.u32 v35, v1  }
0x239: {  	v35 =	vbroadcast v35, $0x0  }
0x23a: {  	[tilespmem:v62+s16+$0x0] =	vst.idx.msk $0xffff, v33  }
0x23b: {  	v36 =	vadd.s32 v9, v35;
	v33 =	vld [tilespmem:s25+$0x8480];
	_ =	sdelay $0x4  }
0x23c: {  	[tilespmem:v36+s16+$0x0] =	vst.idx.msk $0xffff, v33  }
0x23d: {  	v37 =	vadd.s32 v10, v35;
	v33 =	vld [tilespmem:s25+$0x8490];
	_ =	sdelay $0x4  }
0x23e: {  	[tilespmem:v37+s16+$0x0] =	vst.idx.msk $0xffff, v33  }
0x23f: {  	v38 =	vadd.s32 v11, v35;
	v33 =	vld [tilespmem:s25+$0x84A0];
	_ =	sdelay $0x4  }
0x240: {  	[tilespmem:v38+s16+$0x0] =	vst.idx.msk $0xffff, v33  }
0x241: {  	s26 =	simm.s32 $0x3;
	v39 =	vadd.s32 v12, v35;
	v33 =	vld [tilespmem:s25+$0x84B0]  }
0x242: {  	v40 =	vmov s26  }
0x243: {  	v35 =	vshrl.u32 v40, $0x3  }
0x244: {  	v35 =	vshll.u32 v35, v1  }
0x245: {  	v35 =	vbroadcast v35, $0x0  }
0x246: {  	[tilespmem:v39+s16+$0x0] =	vst.idx.msk $0xffff, v33  }
0x247: {  	v41 =	vadd.s32 v13, v35;
	v33 =	vld [tilespmem:s25+$0x84C0];
	_ =	sdelay $0x4  }
0x248: {  	[tilespmem:v41+s16+$0x0] =	vst.idx.msk $0xffff, v33  }
0x249: {  	v42 =	vadd.s32 v14, v35;
	v33 =	vld [tilespmem:s25+$0x84D0];
	_ =	sdelay $0x4  }
0x24a: {  	[tilespmem:v42+s16+$0x0] =	vst.idx.msk $0xffff, v33  }
0x24b: {  	v43 =	vadd.s32 v15, v35;
	v33 =	vld [tilespmem:s25+$0x84E0];
	_ =	sdelay $0x4  }
0x24c: {  	[tilespmem:v43+s16+$0x0] =	vst.idx.msk $0xffff, v33  }
0x24d: {  	s28 =	simm.s32 $0x4;
	v44 =	vadd.s32 v16, v35;
	v33 =	vld [tilespmem:s25+$0x84F0]  }
0x24e: {  	v45 =	vmov s28  }
0x24f: {  	v35 =	vshrl.u32 v45, $0x3  }
0x250: {  	v35 =	vshll.u32 v35, v1  }
0x251: {  	v35 =	vbroadcast v35, $0x0  }
0x252: {  	[tilespmem:v44+s16+$0x0] =	vst.idx.msk $0xffff, v33  }
0x253: {  	v46 =	vadd.s32 v17, v35;
	v33 =	vld [tilespmem:s25+$0x8500];
	_ =	sdelay $0x4  }
0x254: {  	[tilespmem:v46+s16+$0x0] =	vst.idx.msk $0xffff, v33  }
0x255: {  	v47 =	vadd.s32 v18, v35;
	v33 =	vld [tilespmem:s25+$0x8510];
	_ =	sdelay $0x4  }
0x256: {  	[tilespmem:v47+s16+$0x0] =	vst.idx.msk $0xffff, v33  }
0x257: {  	v48 =	vadd.s32 v19, v35;
	v33 =	vld [tilespmem:s25+$0x8520];
	_ =	sdelay $0x4  }
0x258: {  	[tilespmem:v48+s16+$0x0] =	vst.idx.msk $0xffff, v33  }
0x259: {  	s29 =	simm.s32 $0x5;
	v49 =	vadd.s32 v20, v35;
	v33 =	vld [tilespmem:s25+$0x8530]  }
0x25a: {  	v50 =	vmov s29  }
0x25b: {  	v35 =	vshrl.u32 v50, $0x3  }
0x25c: {  	v35 =	vshll.u32 v35, v1  }
0x25d: {  	v35 =	vbroadcast v35, $0x0  }
0x25e: {  	[tilespmem:v49+s16+$0x0] =	vst.idx.msk $0xffff, v33  }
0x25f: {  	v51 =	vadd.s32 v21, v35;
	v33 =	vld [tilespmem:s25+$0x8540];
	_ =	sdelay $0x4  }
0x260: {  	[tilespmem:v51+s16+$0x0] =	vst.idx.msk $0xffff, v33  }
0x261: {  	v52 =	vadd.s32 v22, v35;
	v33 =	vld [tilespmem:s25+$0x8550];
	_ =	sdelay $0x4  }
0x262: {  	[tilespmem:v52+s16+$0x0] =	vst.idx.msk $0xffff, v33  }
0x263: {  	v53 =	vadd.s32 v23, v35;
	v33 =	vld [tilespmem:s25+$0x8560];
	_ =	sdelay $0x4  }
0x264: {  	[tilespmem:v53+s16+$0x0] =	vst.idx.msk $0xffff, v33  }
0x265: {  	s30 =	simm.s32 $0x6;
	v54 =	vadd.s32 v24, v35;
	v33 =	vld [tilespmem:s25+$0x8570]  }
0x266: {  	v55 =	vmov s30  }
0x267: {  	v35 =	vshrl.u32 v55, $0x3  }
0x268: {  	v35 =	vshll.u32 v35, v1  }
0x269: {  	v35 =	vbroadcast v35, $0x0  }
0x26a: {  	[tilespmem:v54+s16+$0x0] =	vst.idx.msk $0xffff, v33  }
0x26b: {  	v56 =	vadd.s32 v25, v35;
	v33 =	vld [tilespmem:s25+$0x8580];
	_ =	sdelay $0x4  }
0x26c: {  	[tilespmem:v56+s16+$0x0] =	vst.idx.msk $0xffff, v33  }
0x26d: {  	v57 =	vadd.s32 v26, v35;
	v33 =	vld [tilespmem:s25+$0x8590];
	_ =	sdelay $0x4  }
0x26e: {  	[tilespmem:v57+s16+$0x0] =	vst.idx.msk $0xffff, v33  }
0x26f: {  	v58 =	vadd.s32 v27, v35;
	v33 =	vld [tilespmem:s25+$0x85A0];
	_ =	sdelay $0x4  }
0x270: {  	[tilespmem:v58+s16+$0x0] =	vst.idx.msk $0xffff, v33  }
0x271: {  	s31 =	simm.s32 $0x7;
	v59 =	vadd.s32 v28, v35;
	v33 =	vld [tilespmem:s25+$0x85B0]  }
0x272: {  	v60 =	vmov s31  }
0x273: {  	v35 =	vshrl.u32 v60, $0x3  }
0x274: {  	v35 =	vshll.u32 v35, v1  }
0x275: {  	v35 =	vbroadcast v35, $0x0  }
0x276: {  	[tilespmem:v59+s16+$0x0] =	vst.idx.msk $0xffff, v33  }
0x277: {  	v61 =	vadd.s32 v29, v35;
	v33 =	vld [tilespmem:s25+$0x85C0];
	_ =	sdelay $0x4  }
0x278: {  	[tilespmem:v61+s16+$0x0] =	vst.idx.msk $0xffff, v33  }
0x279: {  	v62 =	vadd.s32 v30, v35;
	v33 =	vld [tilespmem:s25+$0x85D0];
	_ =	sdelay $0x4  }
0x27a: {  	[tilespmem:v62+s16+$0x0] =	vst.idx.msk $0xffff, v33  }
0x27b: {  	v63 =	vadd.s32 v31, v35;
	v33 =	vld [tilespmem:s25+$0x85E0];
	_ =	sdelay $0x4  }
0x27c: {  	s26 =	simm.s32 $0x8;
	[tilespmem:v63+s16+$0x0] =	vst.idx.msk $0xffff, v33  }
0x27d: {  	s22 =	simm.s32 $0xF;
	s23 =	simm.s32 $0x800;
	s24 =	simm.s32 $0x1000;
	v34 =	vadd.s32 v32, v35;
	v33 =	vld [tilespmem:s25+$0x85F0]  }
.LBB2_13:
0x27e: {  	p0 =	sne.s32 s24, $0x1F800;
	v35 =	vmov s26  }
0x27f: {  	v35 =	vshrl.u32 v35, $0x3  }
0x280: {  	v35 =	vshll.u32 v35, v1  }
0x281: {  	v35 =	vbroadcast v35, $0x0  }
0x282: {  	s25 =	sshra.s32 s23, $0x2;
	s23 =	smov.u32 s24;
	[tilespmem:v34+s16+$0x0] =	vst.idx.msk $0xffff, v33  }
0x283: {  	v33 =	vld [tilespmem:s25+$0x8400];
	v34 =	vadd.s32 v0, v35;
	_ =	sdelay $0x4  }
0x284: {  	[tilespmem:v34+s16+$0x0] =	vst.idx.msk $0xffff, v33  }
0x285: {  	v34 =	vadd.s32 v2, v35;
	v33 =	vld [tilespmem:s25+$0x8410];
	_ =	sdelay $0x4  }
0x286: {  	[tilespmem:v34+s16+$0x0] =	vst.idx.msk $0xffff, v33  }
0x287: {  	v34 =	vadd.s32 v3, v35;
	v33 =	vld [tilespmem:s25+$0x8420];
	_ =	sdelay $0x4  }
0x288: {  	[tilespmem:v34+s16+$0x0] =	vst.idx.msk $0xffff, v33  }
0x289: {  	s26 =	sadd.s32 $0xFFFFFFFA, s22;
	v34 =	vadd.s32 v4, v35;
	v33 =	vld [tilespmem:s25+$0x8430]  }
0x28a: {  	v35 =	vmov s26  }
0x28b: {  	v35 =	vshrl.u32 v35, $0x3  }
0x28c: {  	v35 =	vshll.u32 v35, v1  }
0x28d: {  	v35 =	vbroadcast v35, $0x0  }
0x28e: {  	[tilespmem:v34+s16+$0x0] =	vst.idx.msk $0xffff, v33  }
0x28f: {  	v34 =	vadd.s32 v5, v35;
	v33 =	vld [tilespmem:s25+$0x8440];
	_ =	sdelay $0x4  }
0x290: {  	[tilespmem:v34+s16+$0x0] =	vst.idx.msk $0xffff, v33  }
0x291: {  	v34 =	vadd.s32 v6, v35;
	v33 =	vld [tilespmem:s25+$0x8450];
	_ =	sdelay $0x4  }
0x292: {  	[tilespmem:v34+s16+$0x0] =	vst.idx.msk $0xffff, v33  }
0x293: {  	v34 =	vadd.s32 v7, v35;
	v33 =	vld [tilespmem:s25+$0x8460];
	_ =	sdelay $0x4  }
0x294: {  	[tilespmem:v34+s16+$0x0] =	vst.idx.msk $0xffff, v33  }
0x295: {  	s26 =	sadd.s32 $0xFFFFFFFB, s22;
	v34 =	vadd.s32 v8, v35;
	v33 =	vld [tilespmem:s25+$0x8470]  }
0x296: {  	v35 =	vmov s26  }
0x297: {  	v35 =	vshrl.u32 v35, $0x3  }
0x298: {  	v35 =	vshll.u32 v35, v1  }
0x299: {  	v35 =	vbroadcast v35, $0x0  }
0x29a: {  	[tilespmem:v34+s16+$0x0] =	vst.idx.msk $0xffff, v33  }
0x29b: {  	v34 =	vadd.s32 v9, v35;
	v33 =	vld [tilespmem:s25+$0x8480];
	_ =	sdelay $0x4  }
0x29c: {  	[tilespmem:v34+s16+$0x0] =	vst.idx.msk $0xffff, v33  }
0x29d: {  	v34 =	vadd.s32 v10, v35;
	v33 =	vld [tilespmem:s25+$0x8490];
	_ =	sdelay $0x4  }
0x29e: {  	[tilespmem:v34+s16+$0x0] =	vst.idx.msk $0xffff, v33  }
0x29f: {  	v34 =	vadd.s32 v11, v35;
	v33 =	vld [tilespmem:s25+$0x84A0];
	_ =	sdelay $0x4  }
0x2a0: {  	[tilespmem:v34+s16+$0x0] =	vst.idx.msk $0xffff, v33  }
0x2a1: {  	s26 =	sadd.s32 $0xFFFFFFFC, s22;
	v34 =	vadd.s32 v12, v35;
	v33 =	vld [tilespmem:s25+$0x84B0]  }
0x2a2: {  	v35 =	vmov s26  }
0x2a3: {  	v35 =	vshrl.u32 v35, $0x3  }
0x2a4: {  	v35 =	vshll.u32 v35, v1  }
0x2a5: {  	v35 =	vbroadcast v35, $0x0  }
0x2a6: {  	[tilespmem:v34+s16+$0x0] =	vst.idx.msk $0xffff, v33  }
0x2a7: {  	v34 =	vadd.s32 v13, v35;
	v33 =	vld [tilespmem:s25+$0x84C0];
	_ =	sdelay $0x4  }
0x2a8: {  	[tilespmem:v34+s16+$0x0] =	vst.idx.msk $0xffff, v33  }
0x2a9: {  	v34 =	vadd.s32 v14, v35;
	v33 =	vld [tilespmem:s25+$0x84D0];
	_ =	sdelay $0x4  }
0x2aa: {  	[tilespmem:v34+s16+$0x0] =	vst.idx.msk $0xffff, v33  }
0x2ab: {  	v34 =	vadd.s32 v15, v35;
	v33 =	vld [tilespmem:s25+$0x84E0];
	_ =	sdelay $0x4  }
0x2ac: {  	[tilespmem:v34+s16+$0x0] =	vst.idx.msk $0xffff, v33  }
0x2ad: {  	s26 =	sadd.s32 $0xFFFFFFFD, s22;
	v34 =	vadd.s32 v16, v35;
	v33 =	vld [tilespmem:s25+$0x84F0]  }
0x2ae: {  	v35 =	vmov s26  }
0x2af: {  	v35 =	vshrl.u32 v35, $0x3  }
0x2b0: {  	v35 =	vshll.u32 v35, v1  }
0x2b1: {  	v35 =	vbroadcast v35, $0x0  }
0x2b2: {  	[tilespmem:v34+s16+$0x0] =	vst.idx.msk $0xffff, v33  }
0x2b3: {  	v34 =	vadd.s32 v17, v35;
	v33 =	vld [tilespmem:s25+$0x8500];
	_ =	sdelay $0x4  }
0x2b4: {  	[tilespmem:v34+s16+$0x0] =	vst.idx.msk $0xffff, v33  }
0x2b5: {  	v34 =	vadd.s32 v18, v35;
	v33 =	vld [tilespmem:s25+$0x8510];
	_ =	sdelay $0x4  }
0x2b6: {  	[tilespmem:v34+s16+$0x0] =	vst.idx.msk $0xffff, v33  }
0x2b7: {  	v34 =	vadd.s32 v19, v35;
	v33 =	vld [tilespmem:s25+$0x8520];
	_ =	sdelay $0x4  }
0x2b8: {  	[tilespmem:v34+s16+$0x0] =	vst.idx.msk $0xffff, v33  }
0x2b9: {  	s26 =	sadd.s32 $0xFFFFFFFE, s22;
	v34 =	vadd.s32 v20, v35;
	v33 =	vld [tilespmem:s25+$0x8530]  }
0x2ba: {  	v35 =	vmov s26  }
0x2bb: {  	v35 =	vshrl.u32 v35, $0x3  }
0x2bc: {  	v35 =	vshll.u32 v35, v1  }
0x2bd: {  	v35 =	vbroadcast v35, $0x0  }
0x2be: {  	[tilespmem:v34+s16+$0x0] =	vst.idx.msk $0xffff, v33  }
0x2bf: {  	v34 =	vadd.s32 v21, v35;
	v33 =	vld [tilespmem:s25+$0x8540];
	_ =	sdelay $0x4  }
0x2c0: {  	[tilespmem:v34+s16+$0x0] =	vst.idx.msk $0xffff, v33  }
0x2c1: {  	v34 =	vadd.s32 v22, v35;
	v33 =	vld [tilespmem:s25+$0x8550];
	_ =	sdelay $0x4  }
0x2c2: {  	[tilespmem:v34+s16+$0x0] =	vst.idx.msk $0xffff, v33  }
0x2c3: {  	v34 =	vadd.s32 v23, v35;
	v33 =	vld [tilespmem:s25+$0x8560];
	_ =	sdelay $0x4  }
0x2c4: {  	[tilespmem:v34+s16+$0x0] =	vst.idx.msk $0xffff, v33  }
0x2c5: {  	s26 =	sadd.s32 $0xFFFFFFFF, s22;
	v34 =	vadd.s32 v24, v35;
	v33 =	vld [tilespmem:s25+$0x8570]  }
0x2c6: {  	v35 =	vmov s26  }
0x2c7: {  	v35 =	vshrl.u32 v35, $0x3  }
0x2c8: {  	v35 =	vshll.u32 v35, v1  }
0x2c9: {  	v35 =	vbroadcast v35, $0x0  }
0x2ca: {  	[tilespmem:v34+s16+$0x0] =	vst.idx.msk $0xffff, v33  }
0x2cb: {  	v34 =	vadd.s32 v25, v35;
	v33 =	vld [tilespmem:s25+$0x8580];
	_ =	sdelay $0x4  }
0x2cc: {  	[tilespmem:v34+s16+$0x0] =	vst.idx.msk $0xffff, v33  }
0x2cd: {  	v34 =	vadd.s32 v26, v35;
	v33 =	vld [tilespmem:s25+$0x8590];
	_ =	sdelay $0x4  }
0x2ce: {  	[tilespmem:v34+s16+$0x0] =	vst.idx.msk $0xffff, v33  }
0x2cf: {  	v34 =	vadd.s32 v27, v35;
	v33 =	vld [tilespmem:s25+$0x85A0];
	_ =	sdelay $0x4  }
0x2d0: {  	[tilespmem:v34+s16+$0x0] =	vst.idx.msk $0xffff, v33  }
0x2d1: {  	v34 =	vadd.s32 v28, v35;
	v33 =	vld [tilespmem:s25+$0x85B0]  }
0x2d2: {  	v35 =	vmov s22  }
0x2d3: {  	v35 =	vshrl.u32 v35, $0x3  }
0x2d4: {  	v35 =	vshll.u32 v35, v1  }
0x2d5: {  	v35 =	vbroadcast v35, $0x0  }
0x2d6: {  	[tilespmem:v34+s16+$0x0] =	vst.idx.msk $0xffff, v33  }
0x2d7: {  	v34 =	vadd.s32 v29, v35;
	v33 =	vld [tilespmem:s25+$0x85C0];
	_ =	sdelay $0x4  }
0x2d8: {  	[tilespmem:v34+s16+$0x0] =	vst.idx.msk $0xffff, v33  }
0x2d9: {  	v34 =	vadd.s32 v30, v35;
	v33 =	vld [tilespmem:s25+$0x85D0];
	_ =	sdelay $0x4  }
0x2da: {  	[tilespmem:v34+s16+$0x0] =	vst.idx.msk $0xffff, v33  }
0x2db: {  	v34 =	vadd.s32 v31, v35;
	v33 =	vld [tilespmem:s25+$0x85E0];
	_ =	sdelay $0x1  }
.Ltmp5:
0x2dc: {  	(pc) =	sbr.rel @p0 .LBB2_13-.Ltmp5, $3  }
0x2dd: {  	_ =	sdelay $0x1  }
0x2de: {  	s22 =	sadd.s32 $0x8, s22;
	[tilespmem:v34+s16+$0x0] =	vst.idx.msk $0xffff, v33  }
0x2df: {  	s24 =	sadd.s32 $0x800, s24;
	s26 =	sadd.s32 $0xFFFFFFF9, s22;
	v34 =	vadd.s32 v32, v35;
	v33 =	vld [tilespmem:s25+$0x85F0]  }
0x2e0: {  	v35 =	vmov s26  }
0x2e1: {  	v35 =	vshrl.u32 v35, $0x3  }
0x2e2: {  	v35 =	vshll.u32 v35, v1  }
0x2e3: {  	v35 =	vbroadcast v35, $0x0  }
0x2e4: {  	s23 =	sshra.s32 s23, $0x2;
	[tilespmem:v34+s16+$0x0] =	vst.idx.msk $0xffff, v33  }
0x2e5: {  	v33 =	vld [tilespmem:s23+$0x8400];
	v53 =	vadd.s32 v0, v35;
	_ =	sdelay $0x4  }
0x2e6: {  	[tilespmem:v53+s16+$0x0] =	vst.idx.msk $0xffff, v33  }
0x2e7: {  	v54 =	vadd.s32 v2, v35;
	v33 =	vld [tilespmem:s23+$0x8410];
	_ =	sdelay $0x4  }
0x2e8: {  	[tilespmem:v54+s16+$0x0] =	vst.idx.msk $0xffff, v33  }
0x2e9: {  	v55 =	vadd.s32 v3, v35;
	v33 =	vld [tilespmem:s23+$0x8420];
	_ =	sdelay $0x4  }
0x2ea: {  	[tilespmem:v55+s16+$0x0] =	vst.idx.msk $0xffff, v33  }
0x2eb: {  	s24 =	sadd.s32 $0xFFFFFFFA, s22;
	v56 =	vadd.s32 v4, v35;
	v33 =	vld [tilespmem:s23+$0x8430]  }
0x2ec: {  	v57 =	vmov s24  }
0x2ed: {  	v35 =	vshrl.u32 v57, $0x3  }
0x2ee: {  	v35 =	vshll.u32 v35, v1  }
0x2ef: {  	v35 =	vbroadcast v35, $0x0  }
0x2f0: {  	[tilespmem:v56+s16+$0x0] =	vst.idx.msk $0xffff, v33  }
0x2f1: {  	v58 =	vadd.s32 v5, v35;
	v33 =	vld [tilespmem:s23+$0x8440];
	_ =	sdelay $0x4  }
0x2f2: {  	[tilespmem:v58+s16+$0x0] =	vst.idx.msk $0xffff, v33  }
0x2f3: {  	v59 =	vadd.s32 v6, v35;
	v33 =	vld [tilespmem:s23+$0x8450];
	_ =	sdelay $0x4  }
0x2f4: {  	[tilespmem:v59+s16+$0x0] =	vst.idx.msk $0xffff, v33  }
0x2f5: {  	v60 =	vadd.s32 v7, v35;
	v33 =	vld [tilespmem:s23+$0x8460];
	_ =	sdelay $0x4  }
0x2f6: {  	[tilespmem:v60+s16+$0x0] =	vst.idx.msk $0xffff, v33  }
0x2f7: {  	s25 =	sadd.s32 $0xFFFFFFFB, s22;
	v61 =	vadd.s32 v8, v35;
	v33 =	vld [tilespmem:s23+$0x8470]  }
0x2f8: {  	v62 =	vmov s25  }
0x2f9: {  	v35 =	vshrl.u32 v62, $0x3  }
0x2fa: {  	v35 =	vshll.u32 v35, v1  }
0x2fb: {  	v35 =	vbroadcast v35, $0x0  }
0x2fc: {  	[tilespmem:v61+s16+$0x0] =	vst.idx.msk $0xffff, v33  }
0x2fd: {  	v63 =	vadd.s32 v9, v35;
	v33 =	vld [tilespmem:s23+$0x8480];
	_ =	sdelay $0x4  }
0x2fe: {  	[tilespmem:v63+s16+$0x0] =	vst.idx.msk $0xffff, v33  }
0x2ff: {  	v36 =	vadd.s32 v10, v35;
	v33 =	vld [tilespmem:s23+$0x8490];
	_ =	sdelay $0x4  }
0x300: {  	[tilespmem:v36+s16+$0x0] =	vst.idx.msk $0xffff, v33  }
0x301: {  	v37 =	vadd.s32 v11, v35;
	v33 =	vld [tilespmem:s23+$0x84A0];
	_ =	sdelay $0x4  }
0x302: {  	[tilespmem:v37+s16+$0x0] =	vst.idx.msk $0xffff, v33  }
0x303: {  	s26 =	sadd.s32 $0xFFFFFFFC, s22;
	v38 =	vadd.s32 v12, v35;
	v33 =	vld [tilespmem:s23+$0x84B0]  }
0x304: {  	v39 =	vmov s26  }
0x305: {  	v35 =	vshrl.u32 v39, $0x3  }
0x306: {  	v35 =	vshll.u32 v35, v1  }
0x307: {  	v35 =	vbroadcast v35, $0x0  }
0x308: {  	[tilespmem:v38+s16+$0x0] =	vst.idx.msk $0xffff, v33  }
0x309: {  	v40 =	vadd.s32 v13, v35;
	v33 =	vld [tilespmem:s23+$0x84C0];
	_ =	sdelay $0x4  }
0x30a: {  	[tilespmem:v40+s16+$0x0] =	vst.idx.msk $0xffff, v33  }
0x30b: {  	v41 =	vadd.s32 v14, v35;
	v33 =	vld [tilespmem:s23+$0x84D0];
	_ =	sdelay $0x4  }
0x30c: {  	[tilespmem:v41+s16+$0x0] =	vst.idx.msk $0xffff, v33  }
0x30d: {  	v42 =	vadd.s32 v15, v35;
	v33 =	vld [tilespmem:s23+$0x84E0];
	_ =	sdelay $0x4  }
0x30e: {  	[tilespmem:v42+s16+$0x0] =	vst.idx.msk $0xffff, v33  }
0x30f: {  	s28 =	sadd.s32 $0xFFFFFFFD, s22;
	v43 =	vadd.s32 v16, v35;
	v33 =	vld [tilespmem:s23+$0x84F0]  }
0x310: {  	v44 =	vmov s28  }
0x311: {  	v35 =	vshrl.u32 v44, $0x3  }
0x312: {  	v35 =	vshll.u32 v35, v1  }
0x313: {  	v35 =	vbroadcast v35, $0x0  }
0x314: {  	[tilespmem:v43+s16+$0x0] =	vst.idx.msk $0xffff, v33  }
0x315: {  	v45 =	vadd.s32 v17, v35;
	v33 =	vld [tilespmem:s23+$0x8500];
	_ =	sdelay $0x4  }
0x316: {  	[tilespmem:v45+s16+$0x0] =	vst.idx.msk $0xffff, v33  }
0x317: {  	v46 =	vadd.s32 v18, v35;
	v33 =	vld [tilespmem:s23+$0x8510];
	_ =	sdelay $0x4  }
0x318: {  	[tilespmem:v46+s16+$0x0] =	vst.idx.msk $0xffff, v33  }
0x319: {  	v47 =	vadd.s32 v19, v35;
	v33 =	vld [tilespmem:s23+$0x8520];
	_ =	sdelay $0x4  }
0x31a: {  	[tilespmem:v47+s16+$0x0] =	vst.idx.msk $0xffff, v33  }
0x31b: {  	s29 =	sadd.s32 $0xFFFFFFFE, s22;
	v48 =	vadd.s32 v20, v35;
	v33 =	vld [tilespmem:s23+$0x8530]  }
0x31c: {  	v49 =	vmov s29  }
0x31d: {  	v35 =	vshrl.u32 v49, $0x3  }
0x31e: {  	v35 =	vshll.u32 v35, v1  }
0x31f: {  	v35 =	vbroadcast v35, $0x0  }
0x320: {  	[tilespmem:v48+s16+$0x0] =	vst.idx.msk $0xffff, v33  }
0x321: {  	v50 =	vadd.s32 v21, v35;
	v33 =	vld [tilespmem:s23+$0x8540];
	_ =	sdelay $0x4  }
0x322: {  	[tilespmem:v50+s16+$0x0] =	vst.idx.msk $0xffff, v33  }
0x323: {  	v51 =	vadd.s32 v22, v35;
	v33 =	vld [tilespmem:s23+$0x8550];
	_ =	sdelay $0x4  }
0x324: {  	[tilespmem:v51+s16+$0x0] =	vst.idx.msk $0xffff, v33  }
0x325: {  	v52 =	vadd.s32 v23, v35;
	v33 =	vld [tilespmem:s23+$0x8560];
	_ =	sdelay $0x4  }
0x326: {  	[tilespmem:v52+s16+$0x0] =	vst.idx.msk $0xffff, v33  }
0x327: {  	s30 =	sadd.s32 $0xFFFFFFFF, s22;
	v53 =	vadd.s32 v24, v35;
	v33 =	vld [tilespmem:s23+$0x8570]  }
0x328: {  	v54 =	vmov s30  }
0x329: {  	v35 =	vshrl.u32 v54, $0x3  }
0x32a: {  	v35 =	vshll.u32 v35, v1  }
0x32b: {  	v35 =	vbroadcast v35, $0x0  }
0x32c: {  	[tilespmem:v53+s16+$0x0] =	vst.idx.msk $0xffff, v33  }
0x32d: {  	v55 =	vadd.s32 v25, v35;
	v33 =	vld [tilespmem:s23+$0x8580];
	_ =	sdelay $0x4  }
0x32e: {  	[tilespmem:v55+s16+$0x0] =	vst.idx.msk $0xffff, v33  }
0x32f: {  	v56 =	vadd.s32 v26, v35;
	v33 =	vld [tilespmem:s23+$0x8590];
	_ =	sdelay $0x4  }
0x330: {  	[tilespmem:v56+s16+$0x0] =	vst.idx.msk $0xffff, v33  }
0x331: {  	v57 =	vadd.s32 v27, v35;
	v33 =	vld [tilespmem:s23+$0x85A0];
	_ =	sdelay $0x4  }
0x332: {  	[tilespmem:v57+s16+$0x0] =	vst.idx.msk $0xffff, v33  }
0x333: {  	v58 =	vadd.s32 v28, v35;
	v33 =	vld [tilespmem:s23+$0x85B0]  }
0x334: {  	v59 =	vmov s22  }
0x335: {  	v35 =	vshrl.u32 v59, $0x3  }
0x336: {  	v35 =	vshll.u32 v35, v1  }
0x337: {  	v35 =	vbroadcast v35, $0x0  }
0x338: {  	[tilespmem:v58+s16+$0x0] =	vst.idx.msk $0xffff, v33  }
0x339: {  	v60 =	vadd.s32 v29, v35;
	v33 =	vld [tilespmem:s23+$0x85C0];
	_ =	sdelay $0x4  }
0x33a: {  	[tilespmem:v60+s16+$0x0] =	vst.idx.msk $0xffff, v33  }
0x33b: {  	v61 =	vadd.s32 v30, v35;
	v33 =	vld [tilespmem:s23+$0x85D0];
	_ =	sdelay $0x4  }
0x33c: {  	[tilespmem:v61+s16+$0x0] =	vst.idx.msk $0xffff, v33  }
0x33d: {  	v62 =	vadd.s32 v31, v35;
	v33 =	vld [tilespmem:s23+$0x85E0];
	_ =	sdelay $0x4  }
0x33e: {  	[tilespmem:v62+s16+$0x0] =	vst.idx.msk $0xffff, v33  }
0x33f: {  	v63 =	vadd.s32 v32, v35;
	v33 =	vld [tilespmem:s23+$0x85F0]  }
0x340: {  	s31 =	sshll.u32 s21, $0x6;
	s23 =	sshll.u32 s21, $0x3  }
0x341: {  	s22 =	sand.u32 $0x7FFC0000, s31;
	s21 =	sand.u32 $0x7000, s23  }
0x342: {  	s21 =	sor.u32 s21, s22  }
0x343: {  	s21 =	sshrl.u32 s21, $0x3  }
0x344: {  	s24 =	simm.s32 $0x10400;
	s23 =	sadd.s32 s2, s21;
	[tilespmem:v63+s16+$0x0] =	vst.idx.msk $0xffff, v33  }
0x345: {  	[hbm4b:s23+s3] =	stream.linear.scatter [tilespmem:s24], [sflag:$0x3], $0x80, $0x38;
	[tilespmem:$0x18600] =	vst v63  }
0x346: {  	s25 =	simm.s32 $0x10608;
	s26 =	sadd.s32 $0x10, s23  }
0x347: {  	[hbm4b:s26+s3] =	stream.linear.scatter [tilespmem:s25], [sflag:$0x3], $0x80, $0x38;
	[tilespmem:$0x18600] =	vst v63  }
0x348: {  	s28 =	simm.s32 $0x10810;
	s30 =	simm.s32 $0x10A18;
	s29 =	sadd.s32 $0x20, s23  }
0x349: {  	[hbm4b:s29+s3] =	stream.linear.scatter [tilespmem:s28], [sflag:$0x3], $0x80, $0x38;
	[tilespmem:$0x18600] =	vst v63  }
0x34a: {  	s22 =	simm.s32 $0x1040;
	s31 =	sadd.s32 $0x30, s23;
	s24 =	simm.s32 $0x8200  }
0x34b: {  	[hbm4b:s31+s3] =	stream.linear.scatter [tilespmem:s30], [sflag:$0x3], $0x80, $0x38;
	[tilespmem:$0x18600] =	vst v63  }
0x34c: {  	s25 =	simm.s32 $0x10C20;
	s26 =	sadd.s32 $0x40, s23;
	s28 =	simm.s32 $0x10E28  }
0x34d: {  	[hbm4b:s26+s3] =	stream.linear.scatter [tilespmem:s25], [sflag:$0x3], $0x80, $0x38;
	[tilespmem:$0x18600] =	vst v63  }
0x34e: {  	s29 =	sadd.s32 $0x50, s23;
	s30 =	simm.s32 $0x11030;
	s31 =	sadd.s32 $0x60, s23  }
0x34f: {  	[hbm4b:s29+s3] =	stream.linear.scatter [tilespmem:s28], [sflag:$0x3], $0x80, $0x38;
	[tilespmem:$0x18600] =	vst v63  }
0x350: {  	s25 =	simm.s32 $0x11238;
	s26 =	sadd.s32 $0x70, s23;
	s23 =	sadd.s32 $0x1000, s23  }
0x351: {  	[hbm4b:s31+s3] =	stream.linear.scatter [tilespmem:s30], [sflag:$0x3], $0x80, $0x38;
	[tilespmem:$0x18600] =	vst v63  }
.LBB2_15:
0x352: {  	[hbm4b:s26+s3] =	stream.linear.scatter [tilespmem:s25], [sflag:$0x3], $0x80, $0x38;
	[tilespmem:$0x18600] =	vst v63  }
0x353: {  	s25 =	smov.u32 s22;
	s22 =	smov.u32 s24  }
0x354: {  	s28 =	sadd.s32 $0x4100, s24;
	s22 =	sshra.s32 s22, $0x2;
	s26 =	sadd.s32 $0x10400, s25  }
0x355: {  	[hbm4b:s23+s3] =	stream.linear.scatter [tilespmem:s26], [sflag:$0x3], $0x80, $0x38;
	[tilespmem:$0x18600] =	vst v63  }
0x356: {  	p0 =	sne.s32 s24, $0x1C700;
	s24 =	sadd.s32 $0x10608, s25;
	s26 =	sadd.s32 $0x10, s23  }
0x357: {  	[hbm4b:s26+s3] =	stream.linear.scatter [tilespmem:s24], [sflag:$0x3], $0x80, $0x38;
	[tilespmem:$0x18600] =	vst v63  }
0x358: {  	s24 =	sadd.s32 $0x10810, s25;
	s26 =	sadd.s32 $0x20, s23  }
0x359: {  	[hbm4b:s26+s3] =	stream.linear.scatter [tilespmem:s24], [sflag:$0x3], $0x80, $0x38;
	[tilespmem:$0x18600] =	vst v63  }
0x35a: {  	s24 =	sadd.s32 $0x10A18, s25;
	s26 =	sadd.s32 $0x30, s23  }
0x35b: {  	[hbm4b:s26+s3] =	stream.linear.scatter [tilespmem:s24], [sflag:$0x3], $0x80, $0x38;
	[tilespmem:$0x18600] =	vst v63  }
0x35c: {  	s24 =	sadd.s32 $0x10C20, s25;
	s26 =	sadd.s32 $0x40, s23  }
0x35d: {  	[hbm4b:s26+s3] =	stream.linear.scatter [tilespmem:s24], [sflag:$0x3], $0x80, $0x38;
	[tilespmem:$0x18600] =	vst v63  }
.Ltmp6:
0x35e: {  	s24 =	sadd.s32 $0x10E28, s25;
	s26 =	sadd.s32 $0x50, s23;
	(pc) =	sbr.rel @p0 .LBB2_15-.Ltmp6, $4  }
0x35f: {  	[hbm4b:s26+s3] =	stream.linear.scatter [tilespmem:s24], [sflag:$0x3], $0x80, $0x38;
	[tilespmem:$0x18600] =	vst v63  }
0x360: {  	s24 =	sadd.s32 $0x11030, s25;
	s26 =	sadd.s32 $0x60, s23;
	s25 =	sadd.s32 $0x11238, s25  }
0x361: {  	[hbm4b:s26+s3] =	stream.linear.scatter [tilespmem:s24], [sflag:$0x3], $0x80, $0x38;
	[tilespmem:$0x18600] =	vst v63  }
0x362: {  	s26 =	sadd.s32 $0x70, s23;
	s23 =	sadd.s32 $0x1000, s23;
	s24 =	smov.u32 s28  }
0x363: {  	[hbm4b:s26+s3] =	stream.linear.scatter [tilespmem:s25], [sflag:$0x3], $0x80, $0x38;
	[tilespmem:$0x18600] =	vst v63  }
0x364: {  	s24 =	sadd.s32 $0x10400, s22  }
0x365: {  	[hbm4b:s23+s3] =	stream.linear.scatter [tilespmem:s24], [sflag:$0x3], $0x80, $0x38;
	[tilespmem:$0x18600] =	vst v63  }
0x366: {  	s30 =	sadd.s32 $0x10608, s22;
	s31 =	sadd.s32 $0x10, s23  }
0x367: {  	[hbm4b:s31+s3] =	stream.linear.scatter [tilespmem:s30], [sflag:$0x3], $0x80, $0x38;
	[tilespmem:$0x18600] =	vst v63  }
0x368: {  	s25 =	sadd.s32 $0x10810, s22;
	s26 =	sadd.s32 $0x20, s23  }
0x369: {  	[hbm4b:s26+s3] =	stream.linear.scatter [tilespmem:s25], [sflag:$0x3], $0x80, $0x38;
	[tilespmem:$0x18600] =	vst v63  }
0x36a: {  	s28 =	sadd.s32 $0x10A18, s22;
	s29 =	sadd.s32 $0x30, s23  }
0x36b: {  	[hbm4b:s29+s3] =	stream.linear.scatter [tilespmem:s28], [sflag:$0x3], $0x80, $0x38;
	[tilespmem:$0x18600] =	vst v63  }
0x36c: {  	s30 =	sadd.s32 $0x10C20, s22;
	s31 =	sadd.s32 $0x40, s23  }
0x36d: {  	[hbm4b:s31+s3] =	stream.linear.scatter [tilespmem:s30], [sflag:$0x3], $0x80, $0x38;
	[tilespmem:$0x18600] =	vst v63  }
0x36e: {  	s25 =	sadd.s32 $0x10E28, s22;
	s26 =	sadd.s32 $0x50, s23  }
0x36f: {  	[hbm4b:s26+s3] =	stream.linear.scatter [tilespmem:s25], [sflag:$0x3], $0x80, $0x38;
	[tilespmem:$0x18600] =	vst v63  }
0x370: {  	s28 =	sadd.s32 $0x11030, s22;
	s29 =	sadd.s32 $0x60, s23  }
0x371: {  	[hbm4b:s29+s3] =	stream.linear.scatter [tilespmem:s28], [sflag:$0x3], $0x80, $0x38;
	[tilespmem:$0x18600] =	vst v63  }
0x372: {  	s21 =	sadd.s32 s21, s2;
	s30 =	sadd.s32 $0x11238, s22;
	s31 =	sadd.s32 $0x70, s23  }
0x373: {  	[hbm4b:s31+s3] =	stream.linear.scatter [tilespmem:s30], [sflag:$0x3], $0x80, $0x38;
	[tilespmem:$0x18600] =	vst v63  }
0x374: {  	s24 =	simm.s32 $0x10480;
	s23 =	sadd.s32 $0x80, s21  }
0x375: {  	[hbm4b:s23+s3] =	stream.linear.scatter [tilespmem:s24], [sflag:$0x3], $0x80, $0x38;
	[tilespmem:$0x18600] =	vst v63  }
0x376: {  	s25 =	simm.s32 $0x10688;
	s26 =	sadd.s32 $0x10, s23  }
0x377: {  	[hbm4b:s26+s3] =	stream.linear.scatter [tilespmem:s25], [sflag:$0x3], $0x80, $0x38;
	[tilespmem:$0x18600] =	vst v63  }
0x378: {  	s22 =	simm.s32 $0x1040;
	s28 =	simm.s32 $0x10890;
	s29 =	sadd.s32 $0x20, s23  }
0x379: {  	[hbm4b:s29+s3] =	stream.linear.scatter [tilespmem:s28], [sflag:$0x3], $0x80, $0x38;
	[tilespmem:$0x18600] =	vst v63  }
0x37a: {  	s30 =	simm.s32 $0x10A98;
	s31 =	sadd.s32 $0x30, s23;
	s24 =	simm.s32 $0x8200  }
0x37b: {  	[hbm4b:s31+s3] =	stream.linear.scatter [tilespmem:s30], [sflag:$0x3], $0x80, $0x38;
	[tilespmem:$0x18600] =	vst v63  }
0x37c: {  	s25 =	simm.s32 $0x10CA0;
	s26 =	sadd.s32 $0x40, s23;
	s28 =	simm.s32 $0x10EA8  }
0x37d: {  	[hbm4b:s26+s3] =	stream.linear.scatter [tilespmem:s25], [sflag:$0x3], $0x80, $0x38;
	[tilespmem:$0x18600] =	vst v63  }
0x37e: {  	s29 =	sadd.s32 $0x50, s23;
	s30 =	simm.s32 $0x110B0;
	s31 =	sadd.s32 $0x60, s23  }
0x37f: {  	[hbm4b:s29+s3] =	stream.linear.scatter [tilespmem:s28], [sflag:$0x3], $0x80, $0x38;
	[tilespmem:$0x18600] =	vst v63  }
0x380: {  	s25 =	simm.s32 $0x112B8;
	s26 =	sadd.s32 $0x70, s23;
	s23 =	sadd.s32 $0x1000, s23  }
0x381: {  	[hbm4b:s31+s3] =	stream.linear.scatter [tilespmem:s30], [sflag:$0x3], $0x80, $0x38;
	[tilespmem:$0x18600] =	vst v63  }
.LBB2_17:
0x382: {  	[hbm4b:s26+s3] =	stream.linear.scatter [tilespmem:s25], [sflag:$0x3], $0x80, $0x38;
	[tilespmem:$0x18600] =	vst v63  }
0x383: {  	s25 =	smov.u32 s22;
	s22 =	smov.u32 s24  }
0x384: {  	s28 =	sadd.s32 $0x4100, s24;
	s22 =	sshra.s32 s22, $0x2;
	s26 =	sadd.s32 $0x10480, s25  }
0x385: {  	[hbm4b:s23+s3] =	stream.linear.scatter [tilespmem:s26], [sflag:$0x3], $0x80, $0x38;
	[tilespmem:$0x18600] =	vst v63  }
0x386: {  	p0 =	sne.s32 s24, $0x1C700;
	s24 =	sadd.s32 $0x10688, s25;
	s26 =	sadd.s32 $0x10, s23  }
0x387: {  	[hbm4b:s26+s3] =	stream.linear.scatter [tilespmem:s24], [sflag:$0x3], $0x80, $0x38;
	[tilespmem:$0x18600] =	vst v63  }
0x388: {  	s24 =	sadd.s32 $0x10890, s25;
	s26 =	sadd.s32 $0x20, s23  }
0x389: {  	[hbm4b:s26+s3] =	stream.linear.scatter [tilespmem:s24], [sflag:$0x3], $0x80, $0x38;
	[tilespmem:$0x18600] =	vst v63  }
0x38a: {  	s24 =	sadd.s32 $0x10A98, s25;
	s26 =	sadd.s32 $0x30, s23  }
0x38b: {  	[hbm4b:s26+s3] =	stream.linear.scatter [tilespmem:s24], [sflag:$0x3], $0x80, $0x38;
	[tilespmem:$0x18600] =	vst v63  }
0x38c: {  	s24 =	sadd.s32 $0x10CA0, s25;
	s26 =	sadd.s32 $0x40, s23  }
0x38d: {  	[hbm4b:s26+s3] =	stream.linear.scatter [tilespmem:s24], [sflag:$0x3], $0x80, $0x38;
	[tilespmem:$0x18600] =	vst v63  }
.Ltmp7:
0x38e: {  	s24 =	sadd.s32 $0x10EA8, s25;
	s26 =	sadd.s32 $0x50, s23;
	(pc) =	sbr.rel @p0 .LBB2_17-.Ltmp7, $4  }
0x38f: {  	[hbm4b:s26+s3] =	stream.linear.scatter [tilespmem:s24], [sflag:$0x3], $0x80, $0x38;
	[tilespmem:$0x18600] =	vst v63  }
0x390: {  	s24 =	sadd.s32 $0x110B0, s25;
	s26 =	sadd.s32 $0x60, s23;
	s25 =	sadd.s32 $0x112B8, s25  }
0x391: {  	[hbm4b:s26+s3] =	stream.linear.scatter [tilespmem:s24], [sflag:$0x3], $0x80, $0x38;
	[tilespmem:$0x18600] =	vst v63  }
0x392: {  	s26 =	sadd.s32 $0x70, s23;
	s23 =	sadd.s32 $0x1000, s23;
	s24 =	smov.u32 s28  }
0x393: {  	[hbm4b:s26+s3] =	stream.linear.scatter [tilespmem:s25], [sflag:$0x3], $0x80, $0x38;
	[tilespmem:$0x18600] =	vst v63  }
0x394: {  	s24 =	sadd.s32 $0x10480, s22  }
0x395: {  	[hbm4b:s23+s3] =	stream.linear.scatter [tilespmem:s24], [sflag:$0x3], $0x80, $0x38;
	[tilespmem:$0x18600] =	vst v63  }
0x396: {  	s30 =	sadd.s32 $0x10688, s22;
	s31 =	sadd.s32 $0x10, s23  }
0x397: {  	[hbm4b:s31+s3] =	stream.linear.scatter [tilespmem:s30], [sflag:$0x3], $0x80, $0x38;
	[tilespmem:$0x18600] =	vst v63  }
0x398: {  	s25 =	sadd.s32 $0x10890, s22;
	s26 =	sadd.s32 $0x20, s23  }
0x399: {  	[hbm4b:s26+s3] =	stream.linear.scatter [tilespmem:s25], [sflag:$0x3], $0x80, $0x38;
	[tilespmem:$0x18600] =	vst v63  }
0x39a: {  	s28 =	sadd.s32 $0x10A98, s22;
	s29 =	sadd.s32 $0x30, s23  }
0x39b: {  	[hbm4b:s29+s3] =	stream.linear.scatter [tilespmem:s28], [sflag:$0x3], $0x80, $0x38;
	[tilespmem:$0x18600] =	vst v63  }
0x39c: {  	s30 =	sadd.s32 $0x10CA0, s22;
	s31 =	sadd.s32 $0x40, s23  }
0x39d: {  	[hbm4b:s31+s3] =	stream.linear.scatter [tilespmem:s30], [sflag:$0x3], $0x80, $0x38;
	[tilespmem:$0x18600] =	vst v63  }
0x39e: {  	s25 =	sadd.s32 $0x10EA8, s22;
	s26 =	sadd.s32 $0x50, s23  }
0x39f: {  	[hbm4b:s26+s3] =	stream.linear.scatter [tilespmem:s25], [sflag:$0x3], $0x80, $0x38;
	[tilespmem:$0x18600] =	vst v63  }
0x3a0: {  	s28 =	sadd.s32 $0x110B0, s22;
	s29 =	sadd.s32 $0x60, s23  }
0x3a1: {  	[hbm4b:s29+s3] =	stream.linear.scatter [tilespmem:s28], [sflag:$0x3], $0x80, $0x38;
	[tilespmem:$0x18600] =	vst v63  }
0x3a2: {  	s30 =	sadd.s32 $0x112B8, s22;
	s31 =	sadd.s32 $0x70, s23  }
0x3a3: {  	[hbm4b:s31+s3] =	stream.linear.scatter [tilespmem:s30], [sflag:$0x3], $0x80, $0x38;
	[tilespmem:$0x18600] =	vst v63  }
0x3a4: {  	s24 =	simm.s32 $0x10500;
	s23 =	sadd.s32 $0x100, s21  }
0x3a5: {  	[hbm4b:s23+s3] =	stream.linear.scatter [tilespmem:s24], [sflag:$0x3], $0x80, $0x38;
	[tilespmem:$0x18600] =	vst v63  }
0x3a6: {  	s25 =	simm.s32 $0x10708;
	s26 =	sadd.s32 $0x10, s23  }
0x3a7: {  	[hbm4b:s26+s3] =	stream.linear.scatter [tilespmem:s25], [sflag:$0x3], $0x80, $0x38;
	[tilespmem:$0x18600] =	vst v63  }
0x3a8: {  	s22 =	simm.s32 $0x1040;
	s28 =	simm.s32 $0x10910;
	s29 =	sadd.s32 $0x20, s23  }
0x3a9: {  	[hbm4b:s29+s3] =	stream.linear.scatter [tilespmem:s28], [sflag:$0x3], $0x80, $0x38;
	[tilespmem:$0x18600] =	vst v63  }
0x3aa: {  	s30 =	simm.s32 $0x10B18;
	s31 =	sadd.s32 $0x30, s23;
	s24 =	simm.s32 $0x8200  }
0x3ab: {  	[hbm4b:s31+s3] =	stream.linear.scatter [tilespmem:s30], [sflag:$0x3], $0x80, $0x38;
	[tilespmem:$0x18600] =	vst v63  }
0x3ac: {  	s25 =	simm.s32 $0x10D20;
	s26 =	sadd.s32 $0x40, s23;
	s28 =	simm.s32 $0x10F28  }
0x3ad: {  	[hbm4b:s26+s3] =	stream.linear.scatter [tilespmem:s25], [sflag:$0x3], $0x80, $0x38;
	[tilespmem:$0x18600] =	vst v63  }
0x3ae: {  	s29 =	sadd.s32 $0x50, s23;
	s30 =	simm.s32 $0x11130;
	s31 =	sadd.s32 $0x60, s23  }
0x3af: {  	[hbm4b:s29+s3] =	stream.linear.scatter [tilespmem:s28], [sflag:$0x3], $0x80, $0x38;
	[tilespmem:$0x18600] =	vst v63  }
0x3b0: {  	s25 =	simm.s32 $0x11338;
	s26 =	sadd.s32 $0x70, s23;
	s23 =	sadd.s32 $0x1000, s23  }
0x3b1: {  	[hbm4b:s31+s3] =	stream.linear.scatter [tilespmem:s30], [sflag:$0x3], $0x80, $0x38;
	[tilespmem:$0x18600] =	vst v63  }
.LBB2_19:
0x3b2: {  	[hbm4b:s26+s3] =	stream.linear.scatter [tilespmem:s25], [sflag:$0x3], $0x80, $0x38;
	[tilespmem:$0x18600] =	vst v63  }
0x3b3: {  	s25 =	smov.u32 s22;
	s22 =	smov.u32 s24  }
0x3b4: {  	s28 =	sadd.s32 $0x4100, s24;
	s22 =	sshra.s32 s22, $0x2;
	s26 =	sadd.s32 $0x10500, s25  }
0x3b5: {  	[hbm4b:s23+s3] =	stream.linear.scatter [tilespmem:s26], [sflag:$0x3], $0x80, $0x38;
	[tilespmem:$0x18600] =	vst v63  }
0x3b6: {  	p0 =	sne.s32 s24, $0x1C700;
	s24 =	sadd.s32 $0x10708, s25;
	s26 =	sadd.s32 $0x10, s23  }
0x3b7: {  	[hbm4b:s26+s3] =	stream.linear.scatter [tilespmem:s24], [sflag:$0x3], $0x80, $0x38;
	[tilespmem:$0x18600] =	vst v63  }
0x3b8: {  	s24 =	sadd.s32 $0x10910, s25;
	s26 =	sadd.s32 $0x20, s23  }
0x3b9: {  	[hbm4b:s26+s3] =	stream.linear.scatter [tilespmem:s24], [sflag:$0x3], $0x80, $0x38;
	[tilespmem:$0x18600] =	vst v63  }
0x3ba: {  	s24 =	sadd.s32 $0x10B18, s25;
	s26 =	sadd.s32 $0x30, s23  }
0x3bb: {  	[hbm4b:s26+s3] =	stream.linear.scatter [tilespmem:s24], [sflag:$0x3], $0x80, $0x38;
	[tilespmem:$0x18600] =	vst v63  }
0x3bc: {  	s24 =	sadd.s32 $0x10D20, s25;
	s26 =	sadd.s32 $0x40, s23  }
0x3bd: {  	[hbm4b:s26+s3] =	stream.linear.scatter [tilespmem:s24], [sflag:$0x3], $0x80, $0x38;
	[tilespmem:$0x18600] =	vst v63  }
.Ltmp8:
0x3be: {  	s24 =	sadd.s32 $0x10F28, s25;
	s26 =	sadd.s32 $0x50, s23;
	(pc) =	sbr.rel @p0 .LBB2_19-.Ltmp8, $4  }
0x3bf: {  	[hbm4b:s26+s3] =	stream.linear.scatter [tilespmem:s24], [sflag:$0x3], $0x80, $0x38;
	[tilespmem:$0x18600] =	vst v63  }
0x3c0: {  	s24 =	sadd.s32 $0x11130, s25;
	s26 =	sadd.s32 $0x60, s23;
	s25 =	sadd.s32 $0x11338, s25  }
0x3c1: {  	[hbm4b:s26+s3] =	stream.linear.scatter [tilespmem:s24], [sflag:$0x3], $0x80, $0x38;
	[tilespmem:$0x18600] =	vst v63  }
0x3c2: {  	s26 =	sadd.s32 $0x70, s23;
	s23 =	sadd.s32 $0x1000, s23;
	s24 =	smov.u32 s28  }
0x3c3: {  	[hbm4b:s26+s3] =	stream.linear.scatter [tilespmem:s25], [sflag:$0x3], $0x80, $0x38;
	[tilespmem:$0x18600] =	vst v63  }
0x3c4: {  	s24 =	sadd.s32 $0x10500, s22  }
0x3c5: {  	[hbm4b:s23+s3] =	stream.linear.scatter [tilespmem:s24], [sflag:$0x3], $0x80, $0x38;
	[tilespmem:$0x18600] =	vst v63  }
0x3c6: {  	s25 =	sadd.s32 $0x10708, s22;
	s26 =	sadd.s32 $0x10, s23  }
0x3c7: {  	[hbm4b:s26+s3] =	stream.linear.scatter [tilespmem:s25], [sflag:$0x3], $0x80, $0x38;
	[tilespmem:$0x18600] =	vst v63  }
0x3c8: {  	s28 =	sadd.s32 $0x10910, s22;
	s29 =	sadd.s32 $0x20, s23  }
0x3c9: {  	[hbm4b:s29+s3] =	stream.linear.scatter [tilespmem:s28], [sflag:$0x3], $0x80, $0x38;
	[tilespmem:$0x18600] =	vst v63  }
0x3ca: {  	s30 =	sadd.s32 $0x10B18, s22;
	s31 =	sadd.s32 $0x30, s23  }
0x3cb: {  	[hbm4b:s31+s3] =	stream.linear.scatter [tilespmem:s30], [sflag:$0x3], $0x80, $0x38;
	[tilespmem:$0x18600] =	vst v63  }
0x3cc: {  	s25 =	sadd.s32 $0x10D20, s22;
	s26 =	sadd.s32 $0x40, s23  }
0x3cd: {  	[hbm4b:s26+s3] =	stream.linear.scatter [tilespmem:s25], [sflag:$0x3], $0x80, $0x38;
	[tilespmem:$0x18600] =	vst v63  }
0x3ce: {  	s28 =	sadd.s32 $0x10F28, s22;
	s29 =	sadd.s32 $0x50, s23  }
0x3cf: {  	[hbm4b:s29+s3] =	stream.linear.scatter [tilespmem:s28], [sflag:$0x3], $0x80, $0x38;
	[tilespmem:$0x18600] =	vst v63  }
0x3d0: {  	s30 =	sadd.s32 $0x11130, s22;
	s31 =	sadd.s32 $0x60, s23  }
0x3d1: {  	[hbm4b:s31+s3] =	stream.linear.scatter [tilespmem:s30], [sflag:$0x3], $0x80, $0x38;
	[tilespmem:$0x18600] =	vst v63  }
0x3d2: {  	s24 =	sadd.s32 $0x11338, s22;
	s25 =	sadd.s32 $0x70, s23  }
0x3d3: {  	[hbm4b:s25+s3] =	stream.linear.scatter [tilespmem:s24], [sflag:$0x3], $0x80, $0x38;
	[tilespmem:$0x18600] =	vst v63  }
0x3d4: {  	s22 =	sadd.s32 $0x180, s21;
	s26 =	simm.s32 $0x10580  }
0x3d5: {  	[hbm4b:s22+s3] =	stream.linear.scatter [tilespmem:s26], [sflag:$0x3], $0x80, $0x38;
	[tilespmem:$0x18600] =	vst v63  }
0x3d6: {  	s28 =	simm.s32 $0x10788;
	s29 =	sadd.s32 $0x10, s22  }
0x3d7: {  	[hbm4b:s29+s3] =	stream.linear.scatter [tilespmem:s28], [sflag:$0x3], $0x80, $0x38;
	[tilespmem:$0x18600] =	vst v63  }
0x3d8: {  	s21 =	simm.s32 $0x1040;
	s30 =	simm.s32 $0x10990;
	s31 =	sadd.s32 $0x20, s22  }
0x3d9: {  	[hbm4b:s31+s3] =	stream.linear.scatter [tilespmem:s30], [sflag:$0x3], $0x80, $0x38;
	[tilespmem:$0x18600] =	vst v63  }
0x3da: {  	s23 =	simm.s32 $0x10B98;
	s24 =	sadd.s32 $0x30, s22;
	s25 =	simm.s32 $0x10DA0  }
0x3db: {  	[hbm4b:s24+s3] =	stream.linear.scatter [tilespmem:s23], [sflag:$0x3], $0x80, $0x38;
	[tilespmem:$0x18600] =	vst v63  }
0x3dc: {  	s26 =	sadd.s32 $0x40, s22;
	s28 =	simm.s32 $0x10FA8;
	s29 =	sadd.s32 $0x50, s22  }
0x3dd: {  	[hbm4b:s26+s3] =	stream.linear.scatter [tilespmem:s25], [sflag:$0x3], $0x80, $0x38;
	[tilespmem:$0x18600] =	vst v63  }
0x3de: {  	s30 =	simm.s32 $0x111B0;
	s31 =	sadd.s32 $0x60, s22;
	s23 =	simm.s32 $0x8200  }
0x3df: {  	[hbm4b:s29+s3] =	stream.linear.scatter [tilespmem:s28], [sflag:$0x3], $0x80, $0x38;
	[tilespmem:$0x18600] =	vst v63  }
0x3e0: {  	s24 =	simm.s32 $0x113B8;
	s25 =	sadd.s32 $0x70, s22;
	s22 =	sadd.s32 $0x1000, s22  }
0x3e1: {  	[hbm4b:s31+s3] =	stream.linear.scatter [tilespmem:s30], [sflag:$0x3], $0x80, $0x38;
	[tilespmem:$0x18600] =	vst v63  }
.LBB2_21:
0x3e2: {  	[hbm4b:s25+s3] =	stream.linear.scatter [tilespmem:s24], [sflag:$0x3], $0x80, $0x38;
	[tilespmem:$0x18600] =	vst v63  }
0x3e3: {  	s24 =	smov.u32 s21;
	s21 =	smov.u32 s23  }
0x3e4: {  	s26 =	sadd.s32 $0x4100, s23;
	s21 =	sshra.s32 s21, $0x2;
	s25 =	sadd.s32 $0x10580, s24  }
0x3e5: {  	[hbm4b:s22+s3] =	stream.linear.scatter [tilespmem:s25], [sflag:$0x3], $0x80, $0x38;
	[tilespmem:$0x18600] =	vst v63  }
0x3e6: {  	p0 =	sne.s32 s23, $0x1C700;
	s23 =	sadd.s32 $0x10788, s24;
	s25 =	sadd.s32 $0x10, s22  }
0x3e7: {  	[hbm4b:s25+s3] =	stream.linear.scatter [tilespmem:s23], [sflag:$0x3], $0x80, $0x38;
	[tilespmem:$0x18600] =	vst v63  }
0x3e8: {  	s23 =	sadd.s32 $0x10990, s24;
	s25 =	sadd.s32 $0x20, s22  }
0x3e9: {  	[hbm4b:s25+s3] =	stream.linear.scatter [tilespmem:s23], [sflag:$0x3], $0x80, $0x38;
	[tilespmem:$0x18600] =	vst v63  }
0x3ea: {  	s23 =	sadd.s32 $0x10B98, s24;
	s25 =	sadd.s32 $0x30, s22  }
0x3eb: {  	[hbm4b:s25+s3] =	stream.linear.scatter [tilespmem:s23], [sflag:$0x3], $0x80, $0x38;
	[tilespmem:$0x18600] =	vst v63  }
0x3ec: {  	s23 =	sadd.s32 $0x10DA0, s24;
	s25 =	sadd.s32 $0x40, s22  }
0x3ed: {  	[hbm4b:s25+s3] =	stream.linear.scatter [tilespmem:s23], [sflag:$0x3], $0x80, $0x38;
	[tilespmem:$0x18600] =	vst v63  }
.Ltmp9:
0x3ee: {  	s23 =	sadd.s32 $0x10FA8, s24;
	s25 =	sadd.s32 $0x50, s22;
	(pc) =	sbr.rel @p0 .LBB2_21-.Ltmp9, $4  }
0x3ef: {  	[hbm4b:s25+s3] =	stream.linear.scatter [tilespmem:s23], [sflag:$0x3], $0x80, $0x38;
	[tilespmem:$0x18600] =	vst v63  }
0x3f0: {  	s23 =	sadd.s32 $0x111B0, s24;
	s25 =	sadd.s32 $0x60, s22;
	s24 =	sadd.s32 $0x113B8, s24  }
0x3f1: {  	[hbm4b:s25+s3] =	stream.linear.scatter [tilespmem:s23], [sflag:$0x3], $0x80, $0x38;
	[tilespmem:$0x18600] =	vst v63  }
0x3f2: {  	s25 =	sadd.s32 $0x70, s22;
	s22 =	sadd.s32 $0x1000, s22;
	s23 =	smov.u32 s26  }
0x3f3: {  	[hbm4b:s25+s3] =	stream.linear.scatter [tilespmem:s24], [sflag:$0x3], $0x80, $0x38;
	[tilespmem:$0x18600] =	vst v63  }
0x3f4: {  	s23 =	sadd.s32 $0x10580, s21  }
0x3f5: {  	[hbm4b:s22+s3] =	stream.linear.scatter [tilespmem:s23], [sflag:$0x3], $0x80, $0x38;
	[tilespmem:$0x18600] =	vst v63  }
0x3f6: {  	s30 =	sadd.s32 $0x10788, s21;
	s31 =	sadd.s32 $0x10, s22  }
0x3f7: {  	[hbm4b:s31+s3] =	stream.linear.scatter [tilespmem:s30], [sflag:$0x3], $0x80, $0x38;
	[tilespmem:$0x18600] =	vst v63  }
0x3f8: {  	s25 =	sadd.s32 $0x10990, s21;
	s26 =	sadd.s32 $0x20, s22  }
0x3f9: {  	[hbm4b:s26+s3] =	stream.linear.scatter [tilespmem:s25], [sflag:$0x3], $0x80, $0x38;
	[tilespmem:$0x18600] =	vst v63  }
0x3fa: {  	s28 =	sadd.s32 $0x10B98, s21;
	s29 =	sadd.s32 $0x30, s22  }
0x3fb: {  	[hbm4b:s29+s3] =	stream.linear.scatter [tilespmem:s28], [sflag:$0x3], $0x80, $0x38;
	[tilespmem:$0x18600] =	vst v63  }
0x3fc: {  	s20 =	sadd.s32 $0x1, s20;
	s30 =	sadd.s32 $0x10DA0, s21;
	s31 =	sadd.s32 $0x40, s22  }
0x3fd: {  	[hbm4b:s31+s3] =	stream.linear.scatter [tilespmem:s30], [sflag:$0x3], $0x80, $0x38;
	[tilespmem:$0x18600] =	vst v63  }
0x3fe: {  	p0 =	sne.s32 s20, $0x19;
	s25 =	sadd.s32 $0x10FA8, s21;
	s26 =	sadd.s32 $0x50, s22  }
0x3ff: {  	[hbm4b:s26+s3] =	stream.linear.scatter [tilespmem:s25], [sflag:$0x3], $0x80, $0x38;
	[tilespmem:$0x18600] =	vst v63  }
.Ltmp10:
0x400: {  	_ = 	snop;
	(pc) =	sbr.rel @p0 .LBB2_2-.Ltmp10, $4  }
0x401: {  	s28 =	sadd.s32 $0x111B0, s21;
	s29 =	sadd.s32 $0x60, s22  }
0x402: {  	[hbm4b:s29+s3] =	stream.linear.scatter [tilespmem:s28], [sflag:$0x3], $0x80, $0x38;
	[tilespmem:$0x18600] =	vst v63  }
0x403: {  	s30 =	sadd.s32 $0x113B8, s21;
	s31 =	sadd.s32 $0x70, s22  }
0x404: {  	[hbm4b:s31+s3] =	stream.linear.scatter [tilespmem:s30], [sflag:$0x3], $0x80, $0x38;
	[tilespmem:$0x18600] =	vst v63  }
0x405: {  	_ =	swait.ge [sflag:s18], $0x2000  }
0x406: {  	[sflag:s18] =	ssyncset.done $0x0  }
0x407: {  	[sflag:s18] =	ssyncadd.s32 $0xFFFFE000  }
0x408: {  	_ =	swait.ge [sflag:s18], $0x2000  }
0x409: {  	[sflag:s18] =	ssyncset.done $0x0  }
0x40a: {  	s19 =	sadd.s32 $0x1, s19;
	[sflag:s18] =	ssyncadd.s32 $0xFFFFE000  }
0x40b: {  	p0 =	sne.s32 s19, s10;
	_ =	swait.ge [sflag:s18], $0x2000  }
.Ltmp11:
0x40c: {  	[sflag:s18] =	ssyncset.done $0x0;
	(pc) =	sbr.rel @p0 .LBB2_1-.Ltmp11, $4  }
0x40d: {  	[sflag:s18] =	ssyncadd.s32 $0xFFFFE000  }
0x40e: {  	_ =	swait.ge [sflag:s18], $0x2000  }
0x40f: {  	[sflag:s18] =	ssyncset.done $0x0  }
0x410: {  	[sflag:s18] =	ssyncadd.s32 $0xFFFFE000  }
0x411: {  	_ =	sfence.sel $0x180000  }
0x412: {  	[bflag:$0x0] =	sbarrier.arrive $0xFFFF  }
0x413: {  	p0 =	sne.s32 s0, $0x0;
	_ =	strace $0x90000047  }
0x414: {  	s0 =	sadd.s32 @!p0 $0x100000, s1;
	[bflag:$0x2] =	sbarrier.arrive $0xFFFF  }
0x415: {  	[sflag:s0] =	ssyncadd.tile.s32 @!p0 $0x1;
	_ =	shalt  }
.Lfunc_end2:
_tile_overlayer_lowered:
.L_overlay_start_2:
0x416: {  	(tag) =	ssettag $0x2  }
0x417: {  	s0 =	rddreg [dreg:$0x0];
	s2 =	stileid.u32  }
0x418: {  	s1 =	rddreg [dreg:$0x1];
	p0 =	sne.s32 s2, $0x0  }
0x419: {  	s3 =	rddreg [dreg:$0x2];
	[bflag:$0x3] =	sbarrier.arrive $0xFFFF;
	s2 =	simm.s32 @!p0 $0x1C04  }
0x41a: {  	[timem:s3], [sflag:s2] =	dma.local @!p0 [hbm:s0], s1  }
0x41b: {  	s0 =	simm.s32 @!p0 $0x4  }
0x41c: {  	_ =	swait.ge @!p0 [sflag:s0], s1  }
0x41d: {  	s1 =	ssub.s32 @!p0 $0x0, s1;
	[sflag:s0] =	ssyncset.done @!p0 $0x0  }
0x41e: {  	[sflag:s0] =	ssyncadd.s32 @!p0 s1  }
0x41f: {  	[bflag:$0x3] =	sbarrier.arrive $0xFFFF  }
0x420: {  	_ =	shalt  }

</sc_bundles>
